<compile_context>
chip_gen: v7x
topology: tpu7x:2x2x1
jax: 0.10.2.dev20260603
libtpu: 0.0.44.dev20260713+nightly
codegen_flags: <defaults>
</compile_context>

<pallas_src>
import functools

import jax
import jax.numpy as jnp
import numpy as np
from jax import lax
from jax.experimental import pallas as pl
from jax.experimental.pallas import tpu as pltpu
from jax.experimental.pallas import tpu_sc as plsc

N = 10000
E = 320000
D = 128
H = 8
DH = 8
C = 40

_BM = 1000
_K0 = 80



def _tc_prep0(x, wcat):
    def body(x_ref, w_ref, a_ref, e_ref):
        p = jnp.dot(x_ref[...], w_ref[...], preferred_element_type=jnp.float32)
        z56 = jnp.zeros((_BM, 56), jnp.float32)
        z120 = jnp.zeros((_BM, 120), jnp.float32)
        a_ref[...] = jnp.concatenate([p[:, 0:72], z56], axis=1)
        e_ref[...] = jnp.concatenate([p[:, 72:80], z120], axis=1)

    return pl.pallas_call(
        body,
        grid=(N // _BM,),
        in_specs=[
            pl.BlockSpec((_BM, D), lambda i: (i, 0)),
            pl.BlockSpec((D, 80), lambda i: (0, 0)),
        ],
        out_specs=[
            pl.BlockSpec((_BM, 128), lambda i: (i, 0)),
            pl.BlockSpec((_BM, 128), lambda i: (i, 0)),
        ],
        out_shape=[
            jax.ShapeDtypeStruct((N, 128), jnp.float32),
            jax.ShapeDtypeStruct((N, 128), jnp.float32),
        ],
    )(x, wcat)


def _combine_h(acc_ref, b_ref, b8_ref):
    a0 = acc_ref[0]
    a1 = acc_ref[1]
    num = a0[:, 0:64] + a1[:, 0:64]
    den = a0[:, 64:72] + a1[:, 64:72]
    r = 1.0 / jnp.maximum(den, 1e-9)
    rb = jnp.dot(r, b8_ref[...], preferred_element_type=jnp.float32)
    return jnp.maximum(num * rb + b_ref[...], 0.0)


def _tc_mid(acc, b, wcat, b8):
    def body(acc_ref, b_ref, w_ref, b8_ref, a_ref, e_ref):
        h = _combine_h(acc_ref, b_ref, b8_ref)
        p = jnp.dot(h, w_ref[...], preferred_element_type=jnp.float32)
        z56 = jnp.zeros((_BM, 56), jnp.float32)
        z120 = jnp.zeros((_BM, 120), jnp.float32)
        a_ref[...] = jnp.concatenate([p[:, 0:72], z56], axis=1)
        e_ref[...] = jnp.concatenate([p[:, 72:80], z120], axis=1)

    return pl.pallas_call(
        body,
        grid=(N // _BM,),
        in_specs=[
            pl.BlockSpec((2, _BM, 128), lambda i: (0, i, 0)),
            pl.BlockSpec((1, 64), lambda i: (0, 0)),
            pl.BlockSpec((64, 80), lambda i: (0, 0)),
            pl.BlockSpec((8, 64), lambda i: (0, 0)),
        ],
        out_specs=[
            pl.BlockSpec((_BM, 128), lambda i: (i, 0)),
            pl.BlockSpec((_BM, 128), lambda i: (i, 0)),
        ],
        out_shape=[
            jax.ShapeDtypeStruct((N, 128), jnp.float32),
            jax.ShapeDtypeStruct((N, 128), jnp.float32),
        ],
    )(acc, b, wcat, b8)


def _tc_prep2(acc, b, wcat, b8):
    def body(acc_ref, b_ref, w_ref, b8_ref, aa_ref, ab_ref, ea_ref, eb_ref):
        h = _combine_h(acc_ref, b_ref, b8_ref)
        p = jnp.dot(h, w_ref[...], preferred_element_type=jnp.float32)
        fs = p[:, 0:320]
        el = p[:, 320:328]
        er = p[:, 328:336]
        z126 = jnp.zeros((_BM, 126), jnp.float32)
        z46 = jnp.zeros((_BM, 46), jnp.float32)
        for g, (a_ref, e_ref) in enumerate(
                [(aa_ref, ea_ref)] * 2 + [(ab_ref, eb_ref)] * 2):
            j = g % 2
            a_ref[j] = jnp.concatenate(
                [fs[:, 80 * g:80 * g + 80], el[:, 2 * g:2 * g + 2], z46],
                axis=1)
            e_ref[j] = jnp.concatenate([er[:, 2 * g:2 * g + 2], z126], axis=1)

    return pl.pallas_call(
        body,
        grid=(N // _BM,),
        in_specs=[
            pl.BlockSpec((2, _BM, 128), lambda i: (0, i, 0)),
            pl.BlockSpec((1, 64), lambda i: (0, 0)),
            pl.BlockSpec((64, 336), lambda i: (0, 0)),
            pl.BlockSpec((8, 64), lambda i: (0, 0)),
        ],
        out_specs=[
            pl.BlockSpec((2, _BM, 128), lambda i: (0, i, 0)),
            pl.BlockSpec((2, _BM, 128), lambda i: (0, i, 0)),
            pl.BlockSpec((2, _BM, 128), lambda i: (0, i, 0)),
            pl.BlockSpec((2, _BM, 128), lambda i: (0, i, 0)),
        ],
        out_shape=[
            jax.ShapeDtypeStruct((2, N, 128), jnp.float32),
            jax.ShapeDtypeStruct((2, N, 128), jnp.float32),
            jax.ShapeDtypeStruct((2, N, 128), jnp.float32),
            jax.ShapeDtypeStruct((2, N, 128), jnp.float32),
        ],
    )(acc, b, wcat, b8)


def _tc_final(acca, accb, bc2, s80, bbar):
    def body(aa_ref, ab_ref, bc2_ref, s80_ref, bb_ref, o_ref):
        t = None
        for ref in (aa_ref, ab_ref):
            for j in (0, 1):
                a = ref[j]
                num = a[:, 0:80]
                den = a[:, 80:82]
                r = 1.0 / jnp.maximum(den, 1e-9)
                rb = jnp.dot(r, bc2_ref[...],
                             preferred_element_type=jnp.float32)
                u = jnp.dot(num * rb, s80_ref[...],
                            preferred_element_type=jnp.float32)
                t = u if t is None else t + u
        t = t * (1.0 / H) + bb_ref[...]
        m = jnp.max(t, axis=1, keepdims=True)
        s = t - m
        o_ref[...] = s - jnp.log(jnp.sum(jnp.exp(s), axis=1, keepdims=True))

    return pl.pallas_call(
        body,
        grid=(N // _BM,),
        in_specs=[
            pl.BlockSpec((2, _BM, 128), lambda i: (0, i, 0)),
            pl.BlockSpec((2, _BM, 128), lambda i: (0, i, 0)),
            pl.BlockSpec((2, 80), lambda i: (0, 0)),
            pl.BlockSpec((80, 40), lambda i: (0, 0)),
            pl.BlockSpec((1, 40), lambda i: (0, 0)),
        ],
        out_specs=pl.BlockSpec((_BM, 40), lambda i: (i, 0)),
        out_shape=jax.ShapeDtypeStruct((N, 40), jnp.float32),
    )(acca, accb, bc2, s80, bbar)



def _vbcast(vec, idx):
    dnums = lax.GatherDimensionNumbers(
        offset_dims=(), collapsed_slice_dims=(0,), start_index_map=(0,))
    return lax.gather(vec, idx[:, None], dnums, (1,),
                      mode=lax.GatherScatterMode.PROMISE_IN_BOUNDS)


def _make_sc_edge(l2):
    aoff = 80 if l2 else 64
    per_w = E // (16 if l2 else 32)
    n_chunks = per_w // _K0

    mesh = plsc.VectorSubcoreMesh(core_axis_name="c", subcore_axis_name="s")

    scratch = [
        pltpu.VMEM((_K0,), jnp.int32),
        pltpu.VMEM((_K0,), jnp.int32),
        pltpu.VMEM((_K0,), jnp.int32),
        pltpu.VMEM((_K0, 128), jnp.float32),
        pltpu.VMEM((_K0, 128), jnp.float32),
        pltpu.VMEM_SHARED((N, 128), jnp.float32),
        pltpu.SemaphoreType.DMA,
        pltpu.SemaphoreType.DMA,
    ]

    @functools.partial(
        pl.kernel,
        out_type=jax.ShapeDtypeStruct((2 * N, 128), jnp.float32),
        mesh=mesh,
        scratch_types=scratch,
    )
    def sc_edge(src_h, dst_h, a_h, er_h, z_h, out_h,
                src_v, dst_v, dst2_v, o_v, er_v, acc, sem1, sem2):
        cid = lax.axis_index("c")
        sid = lax.axis_index("s")
        iota = lax.broadcasted_iota(jnp.int32, (16,), 0)
        pat_h = lax.shift_right_logical(iota, 3)
        pat_0 = jnp.bitwise_and(iota, 0)

        @pl.when(sid == 0)
        def _():
            pltpu.sync_copy(z_h, acc)

        plsc.subcore_barrier()

        ebase = (sid if l2 else sid * 2 + cid) * per_w
        toff = cid * N if l2 else 0

        def chunk(i, carry):
            eb = ebase + i * _K0
            pltpu.sync_copy(src_h.at[pl.ds(eb, _K0)], src_v)
            pltpu.sync_copy(dst_h.at[pl.ds(eb, _K0)], dst_v)
            for j in range(_K0 // 16):
                js = pl.ds(16 * j, 16)
                src_v[js] = src_v[js] + toff
                dst2_v[js] = dst_v[js] + toff
            pltpu.async_copy(a_h.at[src_v], o_v, sem1).wait()
            pltpu.async_copy(er_h.at[dst2_v], er_v, sem2).wait()

            def edge(k, c2):
                a = o_v[k, pl.ds(aoff, 16)]
                b = er_v[k, pl.ds(0, 16)]
                s = a + b
                ee = jnp.exp(jnp.maximum(s, 0.2 * s))
                o_v[k, pl.ds(aoff, 16)] = ee
                if l2:
                    bc01 = _vbcast(ee, pat_0)
                    bc2 = _vbcast(ee, pat_h)
                    bc34 = _vbcast(ee, pat_0 + 1)
                    o_v[k, pl.ds(0, 16)] = o_v[k, pl.ds(0, 16)] * bc01
                    o_v[k, pl.ds(16, 16)] = o_v[k, pl.ds(16, 16)] * bc01
                    o_v[k, pl.ds(32, 16)] = o_v[k, pl.ds(32, 16)] * bc2
                    o_v[k, pl.ds(48, 16)] = o_v[k, pl.ds(48, 16)] * bc34
                    o_v[k, pl.ds(64, 16)] = o_v[k, pl.ds(64, 16)] * bc34
                else:
                    for v in range(4):
                        bc = _vbcast(ee, pat_h + 2 * v)
                        vs = pl.ds(16 * v, 16)
                        o_v[k, vs] = o_v[k, vs] * bc
                return c2

            lax.fori_loop(0, _K0, edge, 0)
            pltpu.sync_copy(o_v, acc.at[dst_v], add=True)
            return carry

        lax.fori_loop(0, n_chunks, chunk, 0)

        plsc.subcore_barrier()

        @pl.when(sid == 0)
        def _():
            pltpu.sync_copy(acc, out_h.at[pl.ds(cid * N, N)])

    return sc_edge


_sc_l01 = _make_sc_edge(False)
_sc_l2 = _make_sc_edge(True)



def _fold(Wx, av):
    hn, d = av.shape
    return jnp.einsum("khj,hj->kh", Wx.reshape(Wx.shape[0], hn, d), av)


def kernel(x, edge_index, Ws0, Wd0, al0, ar0, b0, Ws1, Wd1, al1, ar1, b1,
           Ws2, Wd2, al2, ar2, b2):
    src = edge_index[0]
    dst = edge_index[1]

    wcat0 = jnp.concatenate([Ws0, _fold(Ws0, al0), _fold(Wd0, ar0)], axis=1)
    wcat1 = jnp.concatenate([Ws1, _fold(Ws1, al1), _fold(Wd1, ar1)], axis=1)
    wcat2 = jnp.concatenate([Ws2, _fold(Ws2, al2), _fold(Wd2, ar2)], axis=1)

    cols64 = np.arange(64)
    b8 = jnp.asarray((cols64 // 8 == np.arange(8)[:, None]).astype(np.float32))
    cols80 = np.arange(80)
    bc2 = jnp.asarray((cols80 // 40 == np.arange(2)[:, None]).astype(np.float32))
    s80 = jnp.asarray((cols80[:, None] % 40 == np.arange(40)[None, :]
                       ).astype(np.float32))
    bbar = b2.reshape(H, C).mean(axis=0).reshape(1, C)
    z128 = jnp.zeros((N, 128), jnp.float32)

    a0, er0 = _tc_prep0(x, wcat0)
    acc0 = _sc_l01(src, dst, a0, er0, z128).reshape(2, N, 128)
    a1, er1 = _tc_mid(acc0, b0.reshape(1, 64), wcat1, b8)
    acc1 = _sc_l01(src, dst, a1, er1, z128).reshape(2, N, 128)
    a2a, a2b, e2a, e2b = _tc_prep2(acc1, b1.reshape(1, 64), wcat2, b8)
    acc2a = _sc_l2(src, dst, a2a.reshape(2 * N, 128),
                   e2a.reshape(2 * N, 128), z128).reshape(2, N, 128)
    acc2b = _sc_l2(src, dst, a2b.reshape(2 * N, 128),
                   e2b.reshape(2 * N, 128), z128).reshape(2, N, 128)
    return _tc_final(acc2a, acc2b, bc2, s80, bbar)

# --- scband reference (transcript-rebuilt; emitter-appended) ---
"""Pipeline reference for scband-gat-87540023427950 (READ-ONLY COPY).

The authoritative reference and input builder live on the scoring server;
editing this copy changes nothing except your own understanding.
"""

import jax, jax.numpy as jnp
import numpy as np

N = 10000
E = 320000
D = 128
H = 8
DH = 8
C = 40


def setup_inputs(seed: int = 0) -> dict:
    key = jax.random.key(seed)
    ks = jax.random.split(key, 20)

    def p(k, shape):
        return jax.random.normal(k, shape, dtype=jnp.float32) * 0.1

    inp = {}
    inp["x"] = jax.random.normal(ks[0], (N, D), dtype=jnp.float32)
    inp["edge_index"] = jax.random.randint(ks[1], (2, E), 0, N, dtype=jnp.int32)
    # layer 0: in=D -> H heads x DH
    inp["Ws0"] = p(ks[2], (D, H * DH))
    inp["Wd0"] = p(ks[3], (D, H * DH))
    inp["al0"] = p(ks[4], (H, DH))
    inp["ar0"] = p(ks[5], (H, DH))
    inp["b0"] = jnp.zeros((H * DH,), dtype=jnp.float32)
    # layer 1: in=H*DH -> H heads x DH
    inp["Ws1"] = p(ks[6], (H * DH, H * DH))
    inp["Wd1"] = p(ks[7], (H * DH, H * DH))
    inp["al1"] = p(ks[8], (H, DH))
    inp["ar1"] = p(ks[9], (H, DH))
    inp["b1"] = jnp.zeros((H * DH,), dtype=jnp.float32)
    # layer 2: in=H*DH -> H heads x C (no activation)
    inp["Ws2"] = p(ks[10], (H * DH, H * C))
    inp["Wd2"] = p(ks[11], (H * DH, H * C))
    inp["al2"] = p(ks[12], (H, C))
    inp["ar2"] = p(ks[13], (H, C))
    inp["b2"] = jnp.zeros((H * C,), dtype=jnp.float32)
    return inp


def gat_layer(h, src, dst, Ws, Wd, al, ar, b, act):
    n = h.shape[0]
    Hn, dout = al.shape
    fs = (h @ Ws).reshape(n, Hn, dout)
    fd = (h @ Wd).reshape(n, Hn, dout)
    el = (fs * al[None, :, :]).sum(-1)  # [N, H]
    er = (fd * ar[None, :, :]).sum(-1)  # [N, H]
    e = jax.nn.leaky_relu(el[src] + er[dst], 0.2)  # [E, H]
    emax = jax.lax.stop_gradient(jax.ops.segment_max(e, dst, num_segments=n))
    emax = jnp.where(jnp.isfinite(emax), emax, 0.0)
    ee = jnp.exp(e - emax[dst])
    den = jax.ops.segment_sum(ee, dst, num_segments=n)
    alpha = ee / jnp.maximum(den[dst], 1e-9)  # edge softmax over incoming edges
    out = jax.ops.segment_sum(alpha[:, :, None] * fs[src], dst, num_segments=n)
    out = out + b.reshape(1, Hn, dout)
    if act:
        out = jax.nn.relu(out)
    return out


def reference(x, edge_index, Ws0, Wd0, al0, ar0, b0, Ws1, Wd1, al1, ar1, b1, Ws2, Wd2, al2, ar2, b2):
    src = edge_index[0]
    dst = edge_index[1]
    h = gat_layer(x, src, dst, Ws0, Wd0, al0, ar0, b0, True).reshape(N, H * DH)
    h = gat_layer(h, src, dst, Ws1, Wd1, al1, ar1, b1, True).reshape(N, H * DH)
    h = gat_layer(h, src, dst, Ws2, Wd2, al2, ar2, b2, False)  # [N, H, C]
    h = h.mean(axis=1)
    return jax.nn.log_softmax(h, axis=-1)

if __name__ == "__main__":
    import jax
    _d = setup_inputs()
    print(jax.jit(kernel)(*tuple(_d.values())))

</pallas_src>

<mosaic_0001>
#map = affine_map<(d0, d1) -> (0)>
#map1 = affine_map<(d0, d1) -> (0, 0)>
module attributes {stable_mosaic.version = 14 : i64} {
  func.func @sc_edge(%arg0: i32, %arg1: i32, %arg2: memref<320000xi32, #tpu.memory_space<hbm>>, %arg3: memref<320000xi32, #tpu.memory_space<hbm>>, %arg4: memref<20000x128xf32, #tpu.memory_space<hbm>>, %arg5: memref<20000x128xf32, #tpu.memory_space<hbm>>, %arg6: memref<10000x128xf32, #tpu.memory_space<hbm>>, %arg7: memref<20000x128xf32, #tpu.memory_space<hbm>>, %arg8: memref<80xi32, #tpu.memory_space<vmem>>, %arg9: memref<80xi32, #tpu.memory_space<vmem>>, %arg10: memref<80xi32, #tpu.memory_space<vmem>>, %arg11: memref<80x128xf32, #tpu.memory_space<vmem>>, %arg12: memref<80x128xf32, #tpu.memory_space<vmem>>, %arg13: memref<10000x128xf32, #tpu.memory_space<vmem_shared>>, %arg14: memref<!tpu.dma_semaphore, #tpu.memory_space<semaphore_mem>>, %arg15: memref<!tpu.dma_semaphore, #tpu.memory_space<semaphore_mem>>) attributes {dimension_semantics = [#tpu.dimension_semantics<core_parallel>, #tpu.dimension_semantics<subcore_parallel>], iteration_bounds = array<i64: 2, 16>, scalar_prefetch = 0 : i64, scratch_operands = 8 : i64, tpu.core_type = #tpu.core_type<sc_vector_subcore>, window_params = [{transform_indices = #map}, {transform_indices = #map}, {transform_indices = #map1}, {transform_indices = #map1}, {transform_indices = #map1}, {transform_indices = #map1}]} {
    %iota3A = tpu.iota {dimensions = array<i32: 0>} : vector<16xi32>
    %shift_right_logical3A = arith.constant 3 : i32
    %shift_right_logical3A_0 = vector.broadcast %shift_right_logical3A : i32 to vector<16xi32>
    %shift_right_logical3A_1 = arith.shrui %iota3A, %shift_right_logical3A_0 : vector<16xi32>
    %and3A = arith.constant 0 : i32
    %and3A_2 = vector.broadcast %and3A : i32 to vector<16xi32>
    %and3A_3 = arith.andi %iota3A, %and3A_2 : vector<16xi32>
    %eq3A = arith.constant 0 : i32
    %eq3A_4 = arith.cmpi eq, %arg1, %eq3A : i32
    %convert_element_type3A = arith.extui %eq3A_4 : i1 to i32
    %cond3A = arith.constant 0 : i32
    %cond3A_5 = arith.cmpi ne, %convert_element_type3A, %cond3A : i32
    scf.if %cond3A_5 {
      "tpu.region"() ({
        %run_scoped3A = tpu.sem_alloc : memref<!tpu.dma_semaphore, #tpu.memory_space<semaphore_mem>>
        tpu.enqueue_dma source(%arg6 : memref<10000x128xf32, #tpu.memory_space<hbm>>) target(%arg13 : memref<10000x128xf32, #tpu.memory_space<vmem_shared>>) target_semaphore(%run_scoped3A : memref<!tpu.dma_semaphore, #tpu.memory_space<semaphore_mem>>)
        tpu.wait_dma2 semaphore(%run_scoped3A : memref<!tpu.dma_semaphore, #tpu.memory_space<semaphore_mem>>) src(%arg6 : memref<10000x128xf32, #tpu.memory_space<hbm>>) dst(%arg13 : memref<10000x128xf32, #tpu.memory_space<vmem_shared>>)
        tpu.yield
      }) : () -> ()
    } else {
    }
    %barrier3A = arith.constant 0 : index
    tpu.barrier barrier_id(%barrier3A)
    %mul3A = arith.constant 20000 : i32
    %mul3A_6 = arith.muli %arg1, %mul3A : i32
    %mul3A_7 = arith.constant 10000 : i32
    %mul3A_8 = arith.muli %arg0, %mul3A_7 : i32
    %scan3A = arith.constant 0 : i32
    %scan3A_9 = arith.constant 0 : i32
    %scan3A_10 = arith.constant 250 : i32
    %scan3A_11 = arith.addi %scan3A_9, %scan3A_10 : i32
    %scan3A_12 = arith.constant 1 : i32
    scf.for %scan3A_20 = %scan3A_9 to %scan3A_11 step %scan3A_12  : i32 {
      %mul3A_21 = arith.constant 80 : i32
      %mul3A_22 = arith.muli %scan3A_20, %mul3A_21 : i32
      %add3A = arith.addi %mul3A_6, %mul3A_22 : i32
      "tpu.region"() ({
        %run_scoped3A = tpu.sem_alloc : memref<!tpu.dma_semaphore, #tpu.memory_space<semaphore_mem>>
        %dma_start3A_127 = tpu.memref_slice %arg2[%add3A] : memref<320000xi32, #tpu.memory_space<hbm>> -> memref<80xi32, #tpu.memory_space<hbm>>
        %dma_start3A_128 = tpu.memref_slice %arg2[%add3A] : memref<320000xi32, #tpu.memory_space<hbm>> -> memref<80xi32, #tpu.memory_space<hbm>>
        tpu.enqueue_dma source(%dma_start3A_128 : memref<80xi32, #tpu.memory_space<hbm>>) target(%arg8 : memref<80xi32, #tpu.memory_space<vmem>>) target_semaphore(%run_scoped3A : memref<!tpu.dma_semaphore, #tpu.memory_space<semaphore_mem>>)
        %dma_wait3A_129 = tpu.memref_slice %arg2[%add3A] : memref<320000xi32, #tpu.memory_space<hbm>> -> memref<80xi32, #tpu.memory_space<hbm>>
        %dma_wait3A_130 = tpu.memref_slice %arg2[%add3A] : memref<320000xi32, #tpu.memory_space<hbm>> -> memref<80xi32, #tpu.memory_space<hbm>>
        tpu.wait_dma2 semaphore(%run_scoped3A : memref<!tpu.dma_semaphore, #tpu.memory_space<semaphore_mem>>) src(%dma_wait3A_130 : memref<80xi32, #tpu.memory_space<hbm>>) dst(%arg8 : memref<80xi32, #tpu.memory_space<vmem>>)
        tpu.yield
      }) : () -> ()
      "tpu.region"() ({
        %run_scoped3A = tpu.sem_alloc : memref<!tpu.dma_semaphore, #tpu.memory_space<semaphore_mem>>
        %dma_start3A_127 = tpu.memref_slice %arg3[%add3A] : memref<320000xi32, #tpu.memory_space<hbm>> -> memref<80xi32, #tpu.memory_space<hbm>>
        %dma_start3A_128 = tpu.memref_slice %arg3[%add3A] : memref<320000xi32, #tpu.memory_space<hbm>> -> memref<80xi32, #tpu.memory_space<hbm>>
        tpu.enqueue_dma source(%dma_start3A_128 : memref<80xi32, #tpu.memory_space<hbm>>) target(%arg9 : memref<80xi32, #tpu.memory_space<vmem>>) target_semaphore(%run_scoped3A : memref<!tpu.dma_semaphore, #tpu.memory_space<semaphore_mem>>)
        %dma_wait3A_129 = tpu.memref_slice %arg3[%add3A] : memref<320000xi32, #tpu.memory_space<hbm>> -> memref<80xi32, #tpu.memory_space<hbm>>
        %dma_wait3A_130 = tpu.memref_slice %arg3[%add3A] : memref<320000xi32, #tpu.memory_space<hbm>> -> memref<80xi32, #tpu.memory_space<hbm>>
        tpu.wait_dma2 semaphore(%run_scoped3A : memref<!tpu.dma_semaphore, #tpu.memory_space<semaphore_mem>>) src(%dma_wait3A_130 : memref<80xi32, #tpu.memory_space<hbm>>) dst(%arg9 : memref<80xi32, #tpu.memory_space<vmem>>)
        tpu.yield
      }) : () -> ()
      %get3A = arith.constant 0 : index
      %get3A_23 = tpu.vector_load %arg8[%get3A] {strides = array<i32>} : memref<80xi32, #tpu.memory_space<vmem>>, vector<16xi32>,
      %get3A_24 = vector.shape_cast %get3A_23 : vector<16xi32> to vector<16xi32>
      %add3A_25 = vector.broadcast %mul3A_8 : i32 to vector<16xi32>
      %add3A_26 = arith.addi %get3A_24, %add3A_25 : vector<16xi32>
      %swap3A = arith.constant 0 : index
      %swap3A_27 = tpu.vector_load %arg8[%swap3A] {strides = array<i32>} : memref<80xi32, #tpu.memory_space<vmem>>, vector<16xi32>,
      %swap3A_28 = vector.shape_cast %swap3A_27 : vector<16xi32> to vector<16xi32>
      %swap3A_29 = vector.shape_cast %add3A_26 : vector<16xi32> to vector<16xi32>
      tpu.vector_store %arg8[%swap3A], %swap3A_29 {strides = array<i32>} : memref<80xi32, #tpu.memory_space<vmem>>, vector<16xi32>,
      %get3A_30 = arith.constant 0 : index
      %get3A_31 = tpu.vector_load %arg9[%get3A_30] {strides = array<i32>} : memref<80xi32, #tpu.memory_space<vmem>>, vector<16xi32>,
      %get3A_32 = vector.shape_cast %get3A_31 : vector<16xi32> to vector<16xi32>
      %add3A_33 = vector.broadcast %mul3A_8 : i32 to vector<16xi32>
      %add3A_34 = arith.addi %get3A_32, %add3A_33 : vector<16xi32>
      %swap3A_35 = arith.constant 0 : index
      %swap3A_36 = tpu.vector_load %arg10[%swap3A_35] {strides = array<i32>} : memref<80xi32, #tpu.memory_space<vmem>>, vector<16xi32>,
      %swap3A_37 = vector.shape_cast %swap3A_36 : vector<16xi32> to vector<16xi32>
      %swap3A_38 = vector.shape_cast %add3A_34 : vector<16xi32> to vector<16xi32>
      tpu.vector_store %arg10[%swap3A_35], %swap3A_38 {strides = array<i32>} : memref<80xi32, #tpu.memory_space<vmem>>, vector<16xi32>,
      %get3A_39 = arith.constant 16 : index
      %get3A_40 = tpu.vector_load %arg8[%get3A_39] {strides = array<i32>} : memref<80xi32, #tpu.memory_space<vmem>>, vector<16xi32>,
      %get3A_41 = vector.shape_cast %get3A_40 : vector<16xi32> to vector<16xi32>
      %add3A_42 = vector.broadcast %mul3A_8 : i32 to vector<16xi32>
      %add3A_43 = arith.addi %get3A_41, %add3A_42 : vector<16xi32>
      %swap3A_44 = arith.constant 16 : index
      %swap3A_45 = tpu.vector_load %arg8[%swap3A_44] {strides = array<i32>} : memref<80xi32, #tpu.memory_space<vmem>>, vector<16xi32>,
      %swap3A_46 = vector.shape_cast %swap3A_45 : vector<16xi32> to vector<16xi32>
      %swap3A_47 = vector.shape_cast %add3A_43 : vector<16xi32> to vector<16xi32>
      tpu.vector_store %arg8[%swap3A_44], %swap3A_47 {strides = array<i32>} : memref<80xi32, #tpu.memory_space<vmem>>, vector<16xi32>,
      %get3A_48 = arith.constant 16 : index
      %get3A_49 = tpu.vector_load %arg9[%get3A_48] {strides = array<i32>} : memref<80xi32, #tpu.memory_space<vmem>>, vector<16xi32>,
      %get3A_50 = vector.shape_cast %get3A_49 : vector<16xi32> to vector<16xi32>
      %add3A_51 = vector.broadcast %mul3A_8 : i32 to vector<16xi32>
      %add3A_52 = arith.addi %get3A_50, %add3A_51 : vector<16xi32>
      %swap3A_53 = arith.constant 16 : index
      %swap3A_54 = tpu.vector_load %arg10[%swap3A_53] {strides = array<i32>} : memref<80xi32, #tpu.memory_space<vmem>>, vector<16xi32>,
      %swap3A_55 = vector.shape_cast %swap3A_54 : vector<16xi32> to vector<16xi32>
      %swap3A_56 = vector.shape_cast %add3A_52 : vector<16xi32> to vector<16xi32>
      tpu.vector_store %arg10[%swap3A_53], %swap3A_56 {strides = array<i32>} : memref<80xi32, #tpu.memory_space<vmem>>, vector<16xi32>,
      %get3A_57 = arith.constant 32 : index
      %get3A_58 = tpu.vector_load %arg8[%get3A_57] {strides = array<i32>} : memref<80xi32, #tpu.memory_space<vmem>>, vector<16xi32>,
      %get3A_59 = vector.shape_cast %get3A_58 : vector<16xi32> to vector<16xi32>
      %add3A_60 = vector.broadcast %mul3A_8 : i32 to vector<16xi32>
      %add3A_61 = arith.addi %get3A_59, %add3A_60 : vector<16xi32>
      %swap3A_62 = arith.constant 32 : index
      %swap3A_63 = tpu.vector_load %arg8[%swap3A_62] {strides = array<i32>} : memref<80xi32, #tpu.memory_space<vmem>>, vector<16xi32>,
      %swap3A_64 = vector.shape_cast %swap3A_63 : vector<16xi32> to vector<16xi32>
      %swap3A_65 = vector.shape_cast %add3A_61 : vector<16xi32> to vector<16xi32>
      tpu.vector_store %arg8[%swap3A_62], %swap3A_65 {strides = array<i32>} : memref<80xi32, #tpu.memory_space<vmem>>, vector<16xi32>,
      %get3A_66 = arith.constant 32 : index
      %get3A_67 = tpu.vector_load %arg9[%get3A_66] {strides = array<i32>} : memref<80xi32, #tpu.memory_space<vmem>>, vector<16xi32>,
      %get3A_68 = vector.shape_cast %get3A_67 : vector<16xi32> to vector<16xi32>
      %add3A_69 = vector.broadcast %mul3A_8 : i32 to vector<16xi32>
      %add3A_70 = arith.addi %get3A_68, %add3A_69 : vector<16xi32>
      %swap3A_71 = arith.constant 32 : index
      %swap3A_72 = tpu.vector_load %arg10[%swap3A_71] {strides = array<i32>} : memref<80xi32, #tpu.memory_space<vmem>>, vector<16xi32>,
      %swap3A_73 = vector.shape_cast %swap3A_72 : vector<16xi32> to vector<16xi32>
      %swap3A_74 = vector.shape_cast %add3A_70 : vector<16xi32> to vector<16xi32>
      tpu.vector_store %arg10[%swap3A_71], %swap3A_74 {strides = array<i32>} : memref<80xi32, #tpu.memory_space<vmem>>, vector<16xi32>,
      %get3A_75 = arith.constant 48 : index
      %get3A_76 = tpu.vector_load %arg8[%get3A_75] {strides = array<i32>} : memref<80xi32, #tpu.memory_space<vmem>>, vector<16xi32>,
      %get3A_77 = vector.shape_cast %get3A_76 : vector<16xi32> to vector<16xi32>
      %add3A_78 = vector.broadcast %mul3A_8 : i32 to vector<16xi32>
      %add3A_79 = arith.addi %get3A_77, %add3A_78 : vector<16xi32>
      %swap3A_80 = arith.constant 48 : index
      %swap3A_81 = tpu.vector_load %arg8[%swap3A_80] {strides = array<i32>} : memref<80xi32, #tpu.memory_space<vmem>>, vector<16xi32>,
      %swap3A_82 = vector.shape_cast %swap3A_81 : vector<16xi32> to vector<16xi32>
      %swap3A_83 = vector.shape_cast %add3A_79 : vector<16xi32> to vector<16xi32>
      tpu.vector_store %arg8[%swap3A_80], %swap3A_83 {strides = array<i32>} : memref<80xi32, #tpu.memory_space<vmem>>, vector<16xi32>,
      %get3A_84 = arith.constant 48 : index
      %get3A_85 = tpu.vector_load %arg9[%get3A_84] {strides = array<i32>} : memref<80xi32, #tpu.memory_space<vmem>>, vector<16xi32>,
      %get3A_86 = vector.shape_cast %get3A_85 : vector<16xi32> to vector<16xi32>
      %add3A_87 = vector.broadcast %mul3A_8 : i32 to vector<16xi32>
      %add3A_88 = arith.addi %get3A_86, %add3A_87 : vector<16xi32>
      %swap3A_89 = arith.constant 48 : index
      %swap3A_90 = tpu.vector_load %arg10[%swap3A_89] {strides = array<i32>} : memref<80xi32, #tpu.memory_space<vmem>>, vector<16xi32>,
      %swap3A_91 = vector.shape_cast %swap3A_90 : vector<16xi32> to vector<16xi32>
      %swap3A_92 = vector.shape_cast %add3A_88 : vector<16xi32> to vector<16xi32>
      tpu.vector_store %arg10[%swap3A_89], %swap3A_92 {strides = array<i32>} : memref<80xi32, #tpu.memory_space<vmem>>, vector<16xi32>,
      %get3A_93 = arith.constant 64 : index
      %get3A_94 = tpu.vector_load %arg8[%get3A_93] {strides = array<i32>} : memref<80xi32, #tpu.memory_space<vmem>>, vector<16xi32>,
      %get3A_95 = vector.shape_cast %get3A_94 : vector<16xi32> to vector<16xi32>
      %add3A_96 = vector.broadcast %mul3A_8 : i32 to vector<16xi32>
      %add3A_97 = arith.addi %get3A_95, %add3A_96 : vector<16xi32>
      %swap3A_98 = arith.constant 64 : index
      %swap3A_99 = tpu.vector_load %arg8[%swap3A_98] {strides = array<i32>} : memref<80xi32, #tpu.memory_space<vmem>>, vector<16xi32>,
      %swap3A_100 = vector.shape_cast %swap3A_99 : vector<16xi32> to vector<16xi32>
      %swap3A_101 = vector.shape_cast %add3A_97 : vector<16xi32> to vector<16xi32>
      tpu.vector_store %arg8[%swap3A_98], %swap3A_101 {strides = array<i32>} : memref<80xi32, #tpu.memory_space<vmem>>, vector<16xi32>,
      %get3A_102 = arith.constant 64 : index
      %get3A_103 = tpu.vector_load %arg9[%get3A_102] {strides = array<i32>} : memref<80xi32, #tpu.memory_space<vmem>>, vector<16xi32>,
      %get3A_104 = vector.shape_cast %get3A_103 : vector<16xi32> to vector<16xi32>
      %add3A_105 = vector.broadcast %mul3A_8 : i32 to vector<16xi32>
      %add3A_106 = arith.addi %get3A_104, %add3A_105 : vector<16xi32>
      %swap3A_107 = arith.constant 64 : index
      %swap3A_108 = tpu.vector_load %arg10[%swap3A_107] {strides = array<i32>} : memref<80xi32, #tpu.memory_space<vmem>>, vector<16xi32>,
      %swap3A_109 = vector.shape_cast %swap3A_108 : vector<16xi32> to vector<16xi32>
      %swap3A_110 = vector.shape_cast %add3A_106 : vector<16xi32> to vector<16xi32>
      tpu.vector_store %arg10[%swap3A_107], %swap3A_110 {strides = array<i32>} : memref<80xi32, #tpu.memory_space<vmem>>, vector<16xi32>,
      %dma_start3A = arith.constant 0 : i32
      %dma_start3A_111 = arith.constant 0 : i32
      %dma_start3A_112 = tpu.memref_slice %arg4[%dma_start3A, %dma_start3A_111] : memref<20000x128xf32, #tpu.memory_space<hbm>> -> memref<20000x128xf32, #tpu.memory_space<hbm>>
      tpu.enqueue_indirect_dma source(%dma_start3A_112 : memref<20000x128xf32, #tpu.memory_space<hbm>>) target(%arg11 : memref<80x128xf32, #tpu.memory_space<vmem>>) offsets(%arg8 : memref<80xi32, #tpu.memory_space<vmem>>) semaphore(%arg14 : memref<!tpu.dma_semaphore, #tpu.memory_space<semaphore_mem>>)
      %dma_wait3A = arith.constant 0 : i32
      %dma_wait3A_113 = arith.constant 0 : i32
      %dma_wait3A_114 = tpu.memref_slice %arg4[%dma_wait3A, %dma_wait3A_113] : memref<20000x128xf32, #tpu.memory_space<hbm>> -> memref<20000x128xf32, #tpu.memory_space<hbm>>
      tpu.wait_indirect_dma semaphore(%arg14 : memref<!tpu.dma_semaphore, #tpu.memory_space<semaphore_mem>>) src(%dma_wait3A_114 : memref<20000x128xf32, #tpu.memory_space<hbm>>) dst(%arg11 : memref<80x128xf32, #tpu.memory_space<vmem>>)
      %dma_start3A_115 = arith.constant 0 : i32
      %dma_start3A_116 = arith.constant 0 : i32
      %dma_start3A_117 = tpu.memref_slice %arg5[%dma_start3A_115, %dma_start3A_116] : memref<20000x128xf32, #tpu.memory_space<hbm>> -> memref<20000x128xf32, #tpu.memory_space<hbm>>
      tpu.enqueue_indirect_dma source(%dma_start3A_117 : memref<20000x128xf32, #tpu.memory_space<hbm>>) target(%arg12 : memref<80x128xf32, #tpu.memory_space<vmem>>) offsets(%arg10 : memref<80xi32, #tpu.memory_space<vmem>>) semaphore(%arg15 : memref<!tpu.dma_semaphore, #tpu.memory_space<semaphore_mem>>)
      %dma_wait3A_118 = arith.constant 0 : i32
      %dma_wait3A_119 = arith.constant 0 : i32
      %dma_wait3A_120 = tpu.memref_slice %arg5[%dma_wait3A_118, %dma_wait3A_119] : memref<20000x128xf32, #tpu.memory_space<hbm>> -> memref<20000x128xf32, #tpu.memory_space<hbm>>
      tpu.wait_indirect_dma semaphore(%arg15 : memref<!tpu.dma_semaphore, #tpu.memory_space<semaphore_mem>>) src(%dma_wait3A_120 : memref<20000x128xf32, #tpu.memory_space<hbm>>) dst(%arg12 : memref<80x128xf32, #tpu.memory_space<vmem>>)
      %scan3A_121 = arith.constant 0 : i32
      %scan3A_122 = arith.constant 0 : i32
      %scan3A_123 = arith.constant 80 : i32
      %scan3A_124 = arith.addi %scan3A_122, %scan3A_123 : i32
      %scan3A_125 = arith.constant 1 : i32
      scf.for %scan3A_127 = %scan3A_122 to %scan3A_124 step %scan3A_125  : i32 {
        %get3A_128 = arith.index_cast %scan3A_127 : i32 to index
        %get3A_129 = arith.constant 80 : index
        %get3A_130 = tpu.vector_load %arg11[%get3A_128, %get3A_129] {strides = array<i32>} : memref<80x128xf32, #tpu.memory_space<vmem>>, vector<1x16xf32>,
        %get3A_131 = vector.shape_cast %get3A_130 : vector<1x16xf32> to vector<16xf32>
        %get3A_132 = arith.index_cast %scan3A_127 : i32 to index
        %get3A_133 = arith.constant 0 : index
        %get3A_134 = tpu.vector_load %arg12[%get3A_132, %get3A_133] {strides = array<i32>} : memref<80x128xf32, #tpu.memory_space<vmem>>, vector<1x16xf32>,
        %get3A_135 = vector.shape_cast %get3A_134 : vector<1x16xf32> to vector<16xf32>
        %add3A_136 = arith.addf %get3A_131, %get3A_135 : vector<16xf32>
        %mul3A_137 = arith.constant 2.000000e-01 : f32
        %mul3A_138 = vector.broadcast %mul3A_137 : f32 to vector<16xf32>
        %mul3A_139 = arith.mulf %mul3A_138, %add3A_136 : vector<16xf32>
        %max3A = arith.maximumf %add3A_136, %mul3A_139 : vector<16xf32>
        %exp3A = math.exp %max3A : vector<16xf32>
        %swap3A_140 = arith.index_cast %scan3A_127 : i32 to index
        %swap3A_141 = arith.constant 80 : index
        %swap3A_142 = tpu.vector_load %arg11[%swap3A_140, %swap3A_141] {strides = array<i32>} : memref<80x128xf32, #tpu.memory_space<vmem>>, vector<1x16xf32>,
        %swap3A_143 = vector.shape_cast %swap3A_142 : vector<1x16xf32> to vector<16xf32>
        %swap3A_144 = vector.shape_cast %exp3A : vector<16xf32> to vector<1x16xf32>
        tpu.vector_store %arg11[%swap3A_140, %swap3A_141], %swap3A_144 {strides = array<i32>} : memref<80x128xf32, #tpu.memory_space<vmem>>, vector<1x16xf32>,
        %broadcast_in_dim3A = vector.shape_cast %and3A_3 : vector<16xi32> to vector<16x1xi32>
        %gather3A = vector.shape_cast %broadcast_in_dim3A : vector<16x1xi32> to vector<16xi32>
        %gather3A_145 = tpu.dynamic_gather %exp3A[%gather3A] in [0] : vector<16xf32>, vector<16xi32> -> vector<16xf32>
        %broadcast_in_dim3A_146 = vector.shape_cast %shift_right_logical3A_1 : vector<16xi32> to vector<16x1xi32>
        %gather3A_147 = vector.shape_cast %broadcast_in_dim3A_146 : vector<16x1xi32> to vector<16xi32>
        %gather3A_148 = tpu.dynamic_gather %exp3A[%gather3A_147] in [0] : vector<16xf32>, vector<16xi32> -> vector<16xf32>
        %add3A_149 = arith.constant 1 : i32
        %add3A_150 = vector.broadcast %add3A_149 : i32 to vector<16xi32>
        %add3A_151 = arith.addi %and3A_3, %add3A_150 : vector<16xi32>
        %broadcast_in_dim3A_152 = vector.shape_cast %add3A_151 : vector<16xi32> to vector<16x1xi32>
        %gather3A_153 = vector.shape_cast %broadcast_in_dim3A_152 : vector<16x1xi32> to vector<16xi32>
        %gather3A_154 = tpu.dynamic_gather %exp3A[%gather3A_153] in [0] : vector<16xf32>, vector<16xi32> -> vector<16xf32>
        %get3A_155 = arith.index_cast %scan3A_127 : i32 to index
        %get3A_156 = arith.constant 0 : index
        %get3A_157 = tpu.vector_load %arg11[%get3A_155, %get3A_156] {strides = array<i32>} : memref<80x128xf32, #tpu.memory_space<vmem>>, vector<1x16xf32>,
        %get3A_158 = vector.shape_cast %get3A_157 : vector<1x16xf32> to vector<16xf32>
        %mul3A_159 = arith.mulf %get3A_158, %gather3A_145 : vector<16xf32>
        %swap3A_160 = arith.index_cast %scan3A_127 : i32 to index
        %swap3A_161 = arith.constant 0 : index
        %swap3A_162 = tpu.vector_load %arg11[%swap3A_160, %swap3A_161] {strides = array<i32>} : memref<80x128xf32, #tpu.memory_space<vmem>>, vector<1x16xf32>,
        %swap3A_163 = vector.shape_cast %swap3A_162 : vector<1x16xf32> to vector<16xf32>
        %swap3A_164 = vector.shape_cast %mul3A_159 : vector<16xf32> to vector<1x16xf32>
        tpu.vector_store %arg11[%swap3A_160, %swap3A_161], %swap3A_164 {strides = array<i32>} : memref<80x128xf32, #tpu.memory_space<vmem>>, vector<1x16xf32>,
        %get3A_165 = arith.index_cast %scan3A_127 : i32 to index
        %get3A_166 = arith.constant 16 : index
        %get3A_167 = tpu.vector_load %arg11[%get3A_165, %get3A_166] {strides = array<i32>} : memref<80x128xf32, #tpu.memory_space<vmem>>, vector<1x16xf32>,
        %get3A_168 = vector.shape_cast %get3A_167 : vector<1x16xf32> to vector<16xf32>
        %mul3A_169 = arith.mulf %get3A_168, %gather3A_145 : vector<16xf32>
        %swap3A_170 = arith.index_cast %scan3A_127 : i32 to index
        %swap3A_171 = arith.constant 16 : index
        %swap3A_172 = tpu.vector_load %arg11[%swap3A_170, %swap3A_171] {strides = array<i32>} : memref<80x128xf32, #tpu.memory_space<vmem>>, vector<1x16xf32>,
        %swap3A_173 = vector.shape_cast %swap3A_172 : vector<1x16xf32> to vector<16xf32>
        %swap3A_174 = vector.shape_cast %mul3A_169 : vector<16xf32> to vector<1x16xf32>
        tpu.vector_store %arg11[%swap3A_170, %swap3A_171], %swap3A_174 {strides = array<i32>} : memref<80x128xf32, #tpu.memory_space<vmem>>, vector<1x16xf32>,
        %get3A_175 = arith.index_cast %scan3A_127 : i32 to index
        %get3A_176 = arith.constant 32 : index
        %get3A_177 = tpu.vector_load %arg11[%get3A_175, %get3A_176] {strides = array<i32>} : memref<80x128xf32, #tpu.memory_space<vmem>>, vector<1x16xf32>,
        %get3A_178 = vector.shape_cast %get3A_177 : vector<1x16xf32> to vector<16xf32>
        %mul3A_179 = arith.mulf %get3A_178, %gather3A_148 : vector<16xf32>
        %swap3A_180 = arith.index_cast %scan3A_127 : i32 to index
        %swap3A_181 = arith.constant 32 : index
        %swap3A_182 = tpu.vector_load %arg11[%swap3A_180, %swap3A_181] {strides = array<i32>} : memref<80x128xf32, #tpu.memory_space<vmem>>, vector<1x16xf32>,
        %swap3A_183 = vector.shape_cast %swap3A_182 : vector<1x16xf32> to vector<16xf32>
        %swap3A_184 = vector.shape_cast %mul3A_179 : vector<16xf32> to vector<1x16xf32>
        tpu.vector_store %arg11[%swap3A_180, %swap3A_181], %swap3A_184 {strides = array<i32>} : memref<80x128xf32, #tpu.memory_space<vmem>>, vector<1x16xf32>,
        %get3A_185 = arith.index_cast %scan3A_127 : i32 to index
        %get3A_186 = arith.constant 48 : index
        %get3A_187 = tpu.vector_load %arg11[%get3A_185, %get3A_186] {strides = array<i32>} : memref<80x128xf32, #tpu.memory_space<vmem>>, vector<1x16xf32>,
        %get3A_188 = vector.shape_cast %get3A_187 : vector<1x16xf32> to vector<16xf32>
        %mul3A_189 = arith.mulf %get3A_188, %gather3A_154 : vector<16xf32>
        %swap3A_190 = arith.index_cast %scan3A_127 : i32 to index
        %swap3A_191 = arith.constant 48 : index
        %swap3A_192 = tpu.vector_load %arg11[%swap3A_190, %swap3A_191] {strides = array<i32>} : memref<80x128xf32, #tpu.memory_space<vmem>>, vector<1x16xf32>,
        %swap3A_193 = vector.shape_cast %swap3A_192 : vector<1x16xf32> to vector<16xf32>
        %swap3A_194 = vector.shape_cast %mul3A_189 : vector<16xf32> to vector<1x16xf32>
        tpu.vector_store %arg11[%swap3A_190, %swap3A_191], %swap3A_194 {strides = array<i32>} : memref<80x128xf32, #tpu.memory_space<vmem>>, vector<1x16xf32>,
        %get3A_195 = arith.index_cast %scan3A_127 : i32 to index
        %get3A_196 = arith.constant 64 : index
        %get3A_197 = tpu.vector_load %arg11[%get3A_195, %get3A_196] {strides = array<i32>} : memref<80x128xf32, #tpu.memory_space<vmem>>, vector<1x16xf32>,
        %get3A_198 = vector.shape_cast %get3A_197 : vector<1x16xf32> to vector<16xf32>
        %mul3A_199 = arith.mulf %get3A_198, %gather3A_154 : vector<16xf32>
        %swap3A_200 = arith.index_cast %scan3A_127 : i32 to index
        %swap3A_201 = arith.constant 64 : index
        %swap3A_202 = tpu.vector_load %arg11[%swap3A_200, %swap3A_201] {strides = array<i32>} : memref<80x128xf32, #tpu.memory_space<vmem>>, vector<1x16xf32>,
        %swap3A_203 = vector.shape_cast %swap3A_202 : vector<1x16xf32> to vector<16xf32>
        %swap3A_204 = vector.shape_cast %mul3A_199 : vector<16xf32> to vector<1x16xf32>
        tpu.vector_store %arg11[%swap3A_200, %swap3A_201], %swap3A_204 {strides = array<i32>} : memref<80x128xf32, #tpu.memory_space<vmem>>, vector<1x16xf32>,
      }
      %scan3A_126 = arith.constant 80 : i32
      "tpu.region"() ({
        %run_scoped3A = tpu.sem_alloc : memref<!tpu.dma_semaphore, #tpu.memory_space<semaphore_mem>>
        %dma_start3A_127 = arith.constant 0 : i32
        %dma_start3A_128 = arith.constant 0 : i32
        %dma_start3A_129 = tpu.memref_slice %arg13[%dma_start3A_127, %dma_start3A_128] : memref<10000x128xf32, #tpu.memory_space<vmem_shared>> -> memref<10000x128xf32, #tpu.memory_space<vmem_shared>>
        tpu.enqueue_indirect_dma source(%arg11 : memref<80x128xf32, #tpu.memory_space<vmem>>) target(%dma_start3A_129 : memref<10000x128xf32, #tpu.memory_space<vmem_shared>>) offsets(%arg9 : memref<80xi32, #tpu.memory_space<vmem>>) semaphore(%run_scoped3A : memref<!tpu.dma_semaphore, #tpu.memory_space<semaphore_mem>>) {add = true}
        %dma_wait3A_130 = arith.constant 0 : i32
        %dma_wait3A_131 = arith.constant 0 : i32
        %dma_wait3A_132 = tpu.memref_slice %arg13[%dma_wait3A_130, %dma_wait3A_131] : memref<10000x128xf32, #tpu.memory_space<vmem_shared>> -> memref<10000x128xf32, #tpu.memory_space<vmem_shared>>
        tpu.wait_indirect_dma semaphore(%run_scoped3A : memref<!tpu.dma_semaphore, #tpu.memory_space<semaphore_mem>>) src(%arg11 : memref<80x128xf32, #tpu.memory_space<vmem>>) dst(%dma_wait3A_132 : memref<10000x128xf32, #tpu.memory_space<vmem_shared>>)
        tpu.yield
      }) : () -> ()
    }
    %scan3A_13 = arith.constant 250 : i32
    %barrier3A_14 = arith.constant 0 : index
    tpu.barrier barrier_id(%barrier3A_14)
    %eq3A_15 = arith.constant 0 : i32
    %eq3A_16 = arith.cmpi eq, %arg1, %eq3A_15 : i32
    %convert_element_type3A_17 = arith.extui %eq3A_16 : i1 to i32
    %cond3A_18 = arith.constant 0 : i32
    %cond3A_19 = arith.cmpi ne, %convert_element_type3A_17, %cond3A_18 : i32
    scf.if %cond3A_19 {
      %mul3A_20 = arith.constant 10000 : i32
      %mul3A_21 = arith.muli %arg0, %mul3A_20 : i32
      "tpu.region"() ({
        %run_scoped3A = tpu.sem_alloc : memref<!tpu.dma_semaphore, #tpu.memory_space<semaphore_mem>>
        %dma_start3A = arith.constant 0 : i32
        %dma_start3A_22 = tpu.memref_slice %arg7[%mul3A_21, %dma_start3A] : memref<20000x128xf32, #tpu.memory_space<hbm>> -> memref<10000x128xf32, #tpu.memory_space<hbm>>
        tpu.enqueue_dma source(%arg13 : memref<10000x128xf32, #tpu.memory_space<vmem_shared>>) target(%dma_start3A_22 : memref<10000x128xf32, #tpu.memory_space<hbm>>) target_semaphore(%run_scoped3A : memref<!tpu.dma_semaphore, #tpu.memory_space<semaphore_mem>>)
        %dma_wait3A = arith.constant 0 : i32
        %dma_wait3A_23 = tpu.memref_slice %arg7[%mul3A_21, %dma_wait3A] : memref<20000x128xf32, #tpu.memory_space<hbm>> -> memref<10000x128xf32, #tpu.memory_space<hbm>>
        tpu.wait_dma2 semaphore(%run_scoped3A : memref<!tpu.dma_semaphore, #tpu.memory_space<semaphore_mem>>) src(%arg13 : memref<10000x128xf32, #tpu.memory_space<vmem_shared>>) dst(%dma_wait3A_23 : memref<10000x128xf32, #tpu.memory_space<hbm>>)
        tpu.yield
      }) : () -> ()
    } else {
    }
    return
  }
}

#map = affine_map<(d0, d1) -> (0)>
#map1 = affine_map<(d0, d1) -> (0, 0)>
module attributes {stable_mosaic.version = 14 : i64} {
  func.func @sc_edge(%arg0: i32, %arg1: i32, %arg2: memref<320000xi32, #tpu.memory_space<hbm>>, %arg3: memref<320000xi32, #tpu.memory_space<hbm>>, %arg4: memref<10000x128xf32, #tpu.memory_space<hbm>>, %arg5: memref<10000x128xf32, #tpu.memory_space<hbm>>, %arg6: memref<10000x128xf32, #tpu.memory_space<hbm>>, %arg7: memref<20000x128xf32, #tpu.memory_space<hbm>>, %arg8: memref<80xi32, #tpu.memory_space<vmem>>, %arg9: memref<80xi32, #tpu.memory_space<vmem>>, %arg10: memref<80xi32, #tpu.memory_space<vmem>>, %arg11: memref<80x128xf32, #tpu.memory_space<vmem>>, %arg12: memref<80x128xf32, #tpu.memory_space<vmem>>, %arg13: memref<10000x128xf32, #tpu.memory_space<vmem_shared>>, %arg14: memref<!tpu.dma_semaphore, #tpu.memory_space<semaphore_mem>>, %arg15: memref<!tpu.dma_semaphore, #tpu.memory_space<semaphore_mem>>) attributes {dimension_semantics = [#tpu.dimension_semantics<core_parallel>, #tpu.dimension_semantics<subcore_parallel>], iteration_bounds = array<i64: 2, 16>, scalar_prefetch = 0 : i64, scratch_operands = 8 : i64, tpu.core_type = #tpu.core_type<sc_vector_subcore>, window_params = [{transform_indices = #map}, {transform_indices = #map}, {transform_indices = #map1}, {transform_indices = #map1}, {transform_indices = #map1}, {transform_indices = #map1}]} {
    %iota3A = tpu.iota {dimensions = array<i32: 0>} : vector<16xi32>
    %shift_right_logical3A = arith.constant 3 : i32
    %shift_right_logical3A_0 = vector.broadcast %shift_right_logical3A : i32 to vector<16xi32>
    %shift_right_logical3A_1 = arith.shrui %iota3A, %shift_right_logical3A_0 : vector<16xi32>
    %and3A = arith.constant 0 : i32
    %and3A_2 = vector.broadcast %and3A : i32 to vector<16xi32>
    %and3A_3 = arith.andi %iota3A, %and3A_2 : vector<16xi32>
    %eq3A = arith.constant 0 : i32
    %eq3A_4 = arith.cmpi eq, %arg1, %eq3A : i32
    %convert_element_type3A = arith.extui %eq3A_4 : i1 to i32
    %cond3A = arith.constant 0 : i32
    %cond3A_5 = arith.cmpi ne, %convert_element_type3A, %cond3A : i32
    scf.if %cond3A_5 {
      "tpu.region"() ({
        %run_scoped3A = tpu.sem_alloc : memref<!tpu.dma_semaphore, #tpu.memory_space<semaphore_mem>>
        tpu.enqueue_dma source(%arg6 : memref<10000x128xf32, #tpu.memory_space<hbm>>) target(%arg13 : memref<10000x128xf32, #tpu.memory_space<vmem_shared>>) target_semaphore(%run_scoped3A : memref<!tpu.dma_semaphore, #tpu.memory_space<semaphore_mem>>)
        tpu.wait_dma2 semaphore(%run_scoped3A : memref<!tpu.dma_semaphore, #tpu.memory_space<semaphore_mem>>) src(%arg6 : memref<10000x128xf32, #tpu.memory_space<hbm>>) dst(%arg13 : memref<10000x128xf32, #tpu.memory_space<vmem_shared>>)
        tpu.yield
      }) : () -> ()
    } else {
    }
    %barrier3A = arith.constant 0 : index
    tpu.barrier barrier_id(%barrier3A)
    %mul3A = arith.constant 2 : i32
    %mul3A_6 = arith.muli %arg1, %mul3A : i32
    %add3A = arith.addi %mul3A_6, %arg0 : i32
    %mul3A_7 = arith.constant 10000 : i32
    %mul3A_8 = arith.muli %add3A, %mul3A_7 : i32
    %scan3A = arith.constant 0 : i32
    %scan3A_9 = arith.constant 0 : i32
    %scan3A_10 = arith.constant 125 : i32
    %scan3A_11 = arith.addi %scan3A_9, %scan3A_10 : i32
    %scan3A_12 = arith.constant 1 : i32
    scf.for %scan3A_20 = %scan3A_9 to %scan3A_11 step %scan3A_12  : i32 {
      %mul3A_21 = arith.constant 80 : i32
      %mul3A_22 = arith.muli %scan3A_20, %mul3A_21 : i32
      %add3A_23 = arith.addi %mul3A_8, %mul3A_22 : i32
      "tpu.region"() ({
        %run_scoped3A = tpu.sem_alloc : memref<!tpu.dma_semaphore, #tpu.memory_space<semaphore_mem>>
        %dma_start3A_138 = tpu.memref_slice %arg2[%add3A_23] : memref<320000xi32, #tpu.memory_space<hbm>> -> memref<80xi32, #tpu.memory_space<hbm>>
        %dma_start3A_139 = tpu.memref_slice %arg2[%add3A_23] : memref<320000xi32, #tpu.memory_space<hbm>> -> memref<80xi32, #tpu.memory_space<hbm>>
        tpu.enqueue_dma source(%dma_start3A_139 : memref<80xi32, #tpu.memory_space<hbm>>) target(%arg8 : memref<80xi32, #tpu.memory_space<vmem>>) target_semaphore(%run_scoped3A : memref<!tpu.dma_semaphore, #tpu.memory_space<semaphore_mem>>)
        %dma_wait3A_140 = tpu.memref_slice %arg2[%add3A_23] : memref<320000xi32, #tpu.memory_space<hbm>> -> memref<80xi32, #tpu.memory_space<hbm>>
        %dma_wait3A_141 = tpu.memref_slice %arg2[%add3A_23] : memref<320000xi32, #tpu.memory_space<hbm>> -> memref<80xi32, #tpu.memory_space<hbm>>
        tpu.wait_dma2 semaphore(%run_scoped3A : memref<!tpu.dma_semaphore, #tpu.memory_space<semaphore_mem>>) src(%dma_wait3A_141 : memref<80xi32, #tpu.memory_space<hbm>>) dst(%arg8 : memref<80xi32, #tpu.memory_space<vmem>>)
        tpu.yield
      }) : () -> ()
      "tpu.region"() ({
        %run_scoped3A = tpu.sem_alloc : memref<!tpu.dma_semaphore, #tpu.memory_space<semaphore_mem>>
        %dma_start3A_138 = tpu.memref_slice %arg3[%add3A_23] : memref<320000xi32, #tpu.memory_space<hbm>> -> memref<80xi32, #tpu.memory_space<hbm>>
        %dma_start3A_139 = tpu.memref_slice %arg3[%add3A_23] : memref<320000xi32, #tpu.memory_space<hbm>> -> memref<80xi32, #tpu.memory_space<hbm>>
        tpu.enqueue_dma source(%dma_start3A_139 : memref<80xi32, #tpu.memory_space<hbm>>) target(%arg9 : memref<80xi32, #tpu.memory_space<vmem>>) target_semaphore(%run_scoped3A : memref<!tpu.dma_semaphore, #tpu.memory_space<semaphore_mem>>)
        %dma_wait3A_140 = tpu.memref_slice %arg3[%add3A_23] : memref<320000xi32, #tpu.memory_space<hbm>> -> memref<80xi32, #tpu.memory_space<hbm>>
        %dma_wait3A_141 = tpu.memref_slice %arg3[%add3A_23] : memref<320000xi32, #tpu.memory_space<hbm>> -> memref<80xi32, #tpu.memory_space<hbm>>
        tpu.wait_dma2 semaphore(%run_scoped3A : memref<!tpu.dma_semaphore, #tpu.memory_space<semaphore_mem>>) src(%dma_wait3A_141 : memref<80xi32, #tpu.memory_space<hbm>>) dst(%arg9 : memref<80xi32, #tpu.memory_space<vmem>>)
        tpu.yield
      }) : () -> ()
      %get3A = arith.constant 0 : index
      %get3A_24 = tpu.vector_load %arg8[%get3A] {strides = array<i32>} : memref<80xi32, #tpu.memory_space<vmem>>, vector<16xi32>,
      %get3A_25 = vector.shape_cast %get3A_24 : vector<16xi32> to vector<16xi32>
      %add3A_26 = arith.constant 0 : i32
      %add3A_27 = vector.broadcast %add3A_26 : i32 to vector<16xi32>
      %add3A_28 = arith.addi %get3A_25, %add3A_27 : vector<16xi32>
      %swap3A = arith.constant 0 : index
      %swap3A_29 = tpu.vector_load %arg8[%swap3A] {strides = array<i32>} : memref<80xi32, #tpu.memory_space<vmem>>, vector<16xi32>,
      %swap3A_30 = vector.shape_cast %swap3A_29 : vector<16xi32> to vector<16xi32>
      %swap3A_31 = vector.shape_cast %add3A_28 : vector<16xi32> to vector<16xi32>
      tpu.vector_store %arg8[%swap3A], %swap3A_31 {strides = array<i32>} : memref<80xi32, #tpu.memory_space<vmem>>, vector<16xi32>,
      %get3A_32 = arith.constant 0 : index
      %get3A_33 = tpu.vector_load %arg9[%get3A_32] {strides = array<i32>} : memref<80xi32, #tpu.memory_space<vmem>>, vector<16xi32>,
      %get3A_34 = vector.shape_cast %get3A_33 : vector<16xi32> to vector<16xi32>
      %add3A_35 = arith.constant 0 : i32
      %add3A_36 = vector.broadcast %add3A_35 : i32 to vector<16xi32>
      %add3A_37 = arith.addi %get3A_34, %add3A_36 : vector<16xi32>
      %swap3A_38 = arith.constant 0 : index
      %swap3A_39 = tpu.vector_load %arg10[%swap3A_38] {strides = array<i32>} : memref<80xi32, #tpu.memory_space<vmem>>, vector<16xi32>,
      %swap3A_40 = vector.shape_cast %swap3A_39 : vector<16xi32> to vector<16xi32>
      %swap3A_41 = vector.shape_cast %add3A_37 : vector<16xi32> to vector<16xi32>
      tpu.vector_store %arg10[%swap3A_38], %swap3A_41 {strides = array<i32>} : memref<80xi32, #tpu.memory_space<vmem>>, vector<16xi32>,
      %get3A_42 = arith.constant 16 : index
      %get3A_43 = tpu.vector_load %arg8[%get3A_42] {strides = array<i32>} : memref<80xi32, #tpu.memory_space<vmem>>, vector<16xi32>,
      %get3A_44 = vector.shape_cast %get3A_43 : vector<16xi32> to vector<16xi32>
      %add3A_45 = arith.constant 0 : i32
      %add3A_46 = vector.broadcast %add3A_45 : i32 to vector<16xi32>
      %add3A_47 = arith.addi %get3A_44, %add3A_46 : vector<16xi32>
      %swap3A_48 = arith.constant 16 : index
      %swap3A_49 = tpu.vector_load %arg8[%swap3A_48] {strides = array<i32>} : memref<80xi32, #tpu.memory_space<vmem>>, vector<16xi32>,
      %swap3A_50 = vector.shape_cast %swap3A_49 : vector<16xi32> to vector<16xi32>
      %swap3A_51 = vector.shape_cast %add3A_47 : vector<16xi32> to vector<16xi32>
      tpu.vector_store %arg8[%swap3A_48], %swap3A_51 {strides = array<i32>} : memref<80xi32, #tpu.memory_space<vmem>>, vector<16xi32>,
      %get3A_52 = arith.constant 16 : index
      %get3A_53 = tpu.vector_load %arg9[%get3A_52] {strides = array<i32>} : memref<80xi32, #tpu.memory_space<vmem>>, vector<16xi32>,
      %get3A_54 = vector.shape_cast %get3A_53 : vector<16xi32> to vector<16xi32>
      %add3A_55 = arith.constant 0 : i32
      %add3A_56 = vector.broadcast %add3A_55 : i32 to vector<16xi32>
      %add3A_57 = arith.addi %get3A_54, %add3A_56 : vector<16xi32>
      %swap3A_58 = arith.constant 16 : index
      %swap3A_59 = tpu.vector_load %arg10[%swap3A_58] {strides = array<i32>} : memref<80xi32, #tpu.memory_space<vmem>>, vector<16xi32>,
      %swap3A_60 = vector.shape_cast %swap3A_59 : vector<16xi32> to vector<16xi32>
      %swap3A_61 = vector.shape_cast %add3A_57 : vector<16xi32> to vector<16xi32>
      tpu.vector_store %arg10[%swap3A_58], %swap3A_61 {strides = array<i32>} : memref<80xi32, #tpu.memory_space<vmem>>, vector<16xi32>,
      %get3A_62 = arith.constant 32 : index
      %get3A_63 = tpu.vector_load %arg8[%get3A_62] {strides = array<i32>} : memref<80xi32, #tpu.memory_space<vmem>>, vector<16xi32>,
      %get3A_64 = vector.shape_cast %get3A_63 : vector<16xi32> to vector<16xi32>
      %add3A_65 = arith.constant 0 : i32
      %add3A_66 = vector.broadcast %add3A_65 : i32 to vector<16xi32>
      %add3A_67 = arith.addi %get3A_64, %add3A_66 : vector<16xi32>
      %swap3A_68 = arith.constant 32 : index
      %swap3A_69 = tpu.vector_load %arg8[%swap3A_68] {strides = array<i32>} : memref<80xi32, #tpu.memory_space<vmem>>, vector<16xi32>,
      %swap3A_70 = vector.shape_cast %swap3A_69 : vector<16xi32> to vector<16xi32>
      %swap3A_71 = vector.shape_cast %add3A_67 : vector<16xi32> to vector<16xi32>
      tpu.vector_store %arg8[%swap3A_68], %swap3A_71 {strides = array<i32>} : memref<80xi32, #tpu.memory_space<vmem>>, vector<16xi32>,
      %get3A_72 = arith.constant 32 : index
      %get3A_73 = tpu.vector_load %arg9[%get3A_72] {strides = array<i32>} : memref<80xi32, #tpu.memory_space<vmem>>, vector<16xi32>,
      %get3A_74 = vector.shape_cast %get3A_73 : vector<16xi32> to vector<16xi32>
      %add3A_75 = arith.constant 0 : i32
      %add3A_76 = vector.broadcast %add3A_75 : i32 to vector<16xi32>
      %add3A_77 = arith.addi %get3A_74, %add3A_76 : vector<16xi32>
      %swap3A_78 = arith.constant 32 : index
      %swap3A_79 = tpu.vector_load %arg10[%swap3A_78] {strides = array<i32>} : memref<80xi32, #tpu.memory_space<vmem>>, vector<16xi32>,
      %swap3A_80 = vector.shape_cast %swap3A_79 : vector<16xi32> to vector<16xi32>
      %swap3A_81 = vector.shape_cast %add3A_77 : vector<16xi32> to vector<16xi32>
      tpu.vector_store %arg10[%swap3A_78], %swap3A_81 {strides = array<i32>} : memref<80xi32, #tpu.memory_space<vmem>>, vector<16xi32>,
      %get3A_82 = arith.constant 48 : index
      %get3A_83 = tpu.vector_load %arg8[%get3A_82] {strides = array<i32>} : memref<80xi32, #tpu.memory_space<vmem>>, vector<16xi32>,
      %get3A_84 = vector.shape_cast %get3A_83 : vector<16xi32> to vector<16xi32>
      %add3A_85 = arith.constant 0 : i32
      %add3A_86 = vector.broadcast %add3A_85 : i32 to vector<16xi32>
      %add3A_87 = arith.addi %get3A_84, %add3A_86 : vector<16xi32>
      %swap3A_88 = arith.constant 48 : index
      %swap3A_89 = tpu.vector_load %arg8[%swap3A_88] {strides = array<i32>} : memref<80xi32, #tpu.memory_space<vmem>>, vector<16xi32>,
      %swap3A_90 = vector.shape_cast %swap3A_89 : vector<16xi32> to vector<16xi32>
      %swap3A_91 = vector.shape_cast %add3A_87 : vector<16xi32> to vector<16xi32>
      tpu.vector_store %arg8[%swap3A_88], %swap3A_91 {strides = array<i32>} : memref<80xi32, #tpu.memory_space<vmem>>, vector<16xi32>,
      %get3A_92 = arith.constant 48 : index
      %get3A_93 = tpu.vector_load %arg9[%get3A_92] {strides = array<i32>} : memref<80xi32, #tpu.memory_space<vmem>>, vector<16xi32>,
      %get3A_94 = vector.shape_cast %get3A_93 : vector<16xi32> to vector<16xi32>
      %add3A_95 = arith.constant 0 : i32
      %add3A_96 = vector.broadcast %add3A_95 : i32 to vector<16xi32>
      %add3A_97 = arith.addi %get3A_94, %add3A_96 : vector<16xi32>
      %swap3A_98 = arith.constant 48 : index
      %swap3A_99 = tpu.vector_load %arg10[%swap3A_98] {strides = array<i32>} : memref<80xi32, #tpu.memory_space<vmem>>, vector<16xi32>,
      %swap3A_100 = vector.shape_cast %swap3A_99 : vector<16xi32> to vector<16xi32>
      %swap3A_101 = vector.shape_cast %add3A_97 : vector<16xi32> to vector<16xi32>
      tpu.vector_store %arg10[%swap3A_98], %swap3A_101 {strides = array<i32>} : memref<80xi32, #tpu.memory_space<vmem>>, vector<16xi32>,
      %get3A_102 = arith.constant 64 : index
      %get3A_103 = tpu.vector_load %arg8[%get3A_102] {strides = array<i32>} : memref<80xi32, #tpu.memory_space<vmem>>, vector<16xi32>,
      %get3A_104 = vector.shape_cast %get3A_103 : vector<16xi32> to vector<16xi32>
      %add3A_105 = arith.constant 0 : i32
      %add3A_106 = vector.broadcast %add3A_105 : i32 to vector<16xi32>
      %add3A_107 = arith.addi %get3A_104, %add3A_106 : vector<16xi32>
      %swap3A_108 = arith.constant 64 : index
      %swap3A_109 = tpu.vector_load %arg8[%swap3A_108] {strides = array<i32>} : memref<80xi32, #tpu.memory_space<vmem>>, vector<16xi32>,
      %swap3A_110 = vector.shape_cast %swap3A_109 : vector<16xi32> to vector<16xi32>
      %swap3A_111 = vector.shape_cast %add3A_107 : vector<16xi32> to vector<16xi32>
      tpu.vector_store %arg8[%swap3A_108], %swap3A_111 {strides = array<i32>} : memref<80xi32, #tpu.memory_space<vmem>>, vector<16xi32>,
      %get3A_112 = arith.constant 64 : index
      %get3A_113 = tpu.vector_load %arg9[%get3A_112] {strides = array<i32>} : memref<80xi32, #tpu.memory_space<vmem>>, vector<16xi32>,
      %get3A_114 = vector.shape_cast %get3A_113 : vector<16xi32> to vector<16xi32>
      %add3A_115 = arith.constant 0 : i32
      %add3A_116 = vector.broadcast %add3A_115 : i32 to vector<16xi32>
      %add3A_117 = arith.addi %get3A_114, %add3A_116 : vector<16xi32>
      %swap3A_118 = arith.constant 64 : index
      %swap3A_119 = tpu.vector_load %arg10[%swap3A_118] {strides = array<i32>} : memref<80xi32, #tpu.memory_space<vmem>>, vector<16xi32>,
      %swap3A_120 = vector.shape_cast %swap3A_119 : vector<16xi32> to vector<16xi32>
      %swap3A_121 = vector.shape_cast %add3A_117 : vector<16xi32> to vector<16xi32>
      tpu.vector_store %arg10[%swap3A_118], %swap3A_121 {strides = array<i32>} : memref<80xi32, #tpu.memory_space<vmem>>, vector<16xi32>,
      %dma_start3A = arith.constant 0 : i32
      %dma_start3A_122 = arith.constant 0 : i32
      %dma_start3A_123 = tpu.memref_slice %arg4[%dma_start3A, %dma_start3A_122] : memref<10000x128xf32, #tpu.memory_space<hbm>> -> memref<10000x128xf32, #tpu.memory_space<hbm>>
      tpu.enqueue_indirect_dma source(%dma_start3A_123 : memref<10000x128xf32, #tpu.memory_space<hbm>>) target(%arg11 : memref<80x128xf32, #tpu.memory_space<vmem>>) offsets(%arg8 : memref<80xi32, #tpu.memory_space<vmem>>) semaphore(%arg14 : memref<!tpu.dma_semaphore, #tpu.memory_space<semaphore_mem>>)
      %dma_wait3A = arith.constant 0 : i32
      %dma_wait3A_124 = arith.constant 0 : i32
      %dma_wait3A_125 = tpu.memref_slice %arg4[%dma_wait3A, %dma_wait3A_124] : memref<10000x128xf32, #tpu.memory_space<hbm>> -> memref<10000x128xf32, #tpu.memory_space<hbm>>
      tpu.wait_indirect_dma semaphore(%arg14 : memref<!tpu.dma_semaphore, #tpu.memory_space<semaphore_mem>>) src(%dma_wait3A_125 : memref<10000x128xf32, #tpu.memory_space<hbm>>) dst(%arg11 : memref<80x128xf32, #tpu.memory_space<vmem>>)
      %dma_start3A_126 = arith.constant 0 : i32
      %dma_start3A_127 = arith.constant 0 : i32
      %dma_start3A_128 = tpu.memref_slice %arg5[%dma_start3A_126, %dma_start3A_127] : memref<10000x128xf32, #tpu.memory_space<hbm>> -> memref<10000x128xf32, #tpu.memory_space<hbm>>
      tpu.enqueue_indirect_dma source(%dma_start3A_128 : memref<10000x128xf32, #tpu.memory_space<hbm>>) target(%arg12 : memref<80x128xf32, #tpu.memory_space<vmem>>) offsets(%arg10 : memref<80xi32, #tpu.memory_space<vmem>>) semaphore(%arg15 : memref<!tpu.dma_semaphore, #tpu.memory_space<semaphore_mem>>)
      %dma_wait3A_129 = arith.constant 0 : i32
      %dma_wait3A_130 = arith.constant 0 : i32
      %dma_wait3A_131 = tpu.memref_slice %arg5[%dma_wait3A_129, %dma_wait3A_130] : memref<10000x128xf32, #tpu.memory_space<hbm>> -> memref<10000x128xf32, #tpu.memory_space<hbm>>
      tpu.wait_indirect_dma semaphore(%arg15 : memref<!tpu.dma_semaphore, #tpu.memory_space<semaphore_mem>>) src(%dma_wait3A_131 : memref<10000x128xf32, #tpu.memory_space<hbm>>) dst(%arg12 : memref<80x128xf32, #tpu.memory_space<vmem>>)
      %scan3A_132 = arith.constant 0 : i32
      %scan3A_133 = arith.constant 0 : i32
      %scan3A_134 = arith.constant 80 : i32
      %scan3A_135 = arith.addi %scan3A_133, %scan3A_134 : i32
      %scan3A_136 = arith.constant 1 : i32
      scf.for %scan3A_138 = %scan3A_133 to %scan3A_135 step %scan3A_136  : i32 {
        %get3A_139 = arith.index_cast %scan3A_138 : i32 to index
        %get3A_140 = arith.constant 64 : index
        %get3A_141 = tpu.vector_load %arg11[%get3A_139, %get3A_140] {strides = array<i32>} : memref<80x128xf32, #tpu.memory_space<vmem>>, vector<1x16xf32>,
        %get3A_142 = vector.shape_cast %get3A_141 : vector<1x16xf32> to vector<16xf32>
        %get3A_143 = arith.index_cast %scan3A_138 : i32 to index
        %get3A_144 = arith.constant 0 : index
        %get3A_145 = tpu.vector_load %arg12[%get3A_143, %get3A_144] {strides = array<i32>} : memref<80x128xf32, #tpu.memory_space<vmem>>, vector<1x16xf32>,
        %get3A_146 = vector.shape_cast %get3A_145 : vector<1x16xf32> to vector<16xf32>
        %add3A_147 = arith.addf %get3A_142, %get3A_146 : vector<16xf32>
        %mul3A_148 = arith.constant 2.000000e-01 : f32
        %mul3A_149 = vector.broadcast %mul3A_148 : f32 to vector<16xf32>
        %mul3A_150 = arith.mulf %mul3A_149, %add3A_147 : vector<16xf32>
        %max3A = arith.maximumf %add3A_147, %mul3A_150 : vector<16xf32>
        %exp3A = math.exp %max3A : vector<16xf32>
        %swap3A_151 = arith.index_cast %scan3A_138 : i32 to index
        %swap3A_152 = arith.constant 64 : index
        %swap3A_153 = tpu.vector_load %arg11[%swap3A_151, %swap3A_152] {strides = array<i32>} : memref<80x128xf32, #tpu.memory_space<vmem>>, vector<1x16xf32>,
        %swap3A_154 = vector.shape_cast %swap3A_153 : vector<1x16xf32> to vector<16xf32>
        %swap3A_155 = vector.shape_cast %exp3A : vector<16xf32> to vector<1x16xf32>
        tpu.vector_store %arg11[%swap3A_151, %swap3A_152], %swap3A_155 {strides = array<i32>} : memref<80x128xf32, #tpu.memory_space<vmem>>, vector<1x16xf32>,
        %add3A_156 = arith.constant 0 : i32
        %add3A_157 = vector.broadcast %add3A_156 : i32 to vector<16xi32>
        %add3A_158 = arith.addi %shift_right_logical3A_1, %add3A_157 : vector<16xi32>
        %broadcast_in_dim3A = vector.shape_cast %add3A_158 : vector<16xi32> to vector<16x1xi32>
        %gather3A = vector.shape_cast %broadcast_in_dim3A : vector<16x1xi32> to vector<16xi32>
        %gather3A_159 = tpu.dynamic_gather %exp3A[%gather3A] in [0] : vector<16xf32>, vector<16xi32> -> vector<16xf32>
        %get3A_160 = arith.index_cast %scan3A_138 : i32 to index
        %get3A_161 = arith.constant 0 : index
        %get3A_162 = tpu.vector_load %arg11[%get3A_160, %get3A_161] {strides = array<i32>} : memref<80x128xf32, #tpu.memory_space<vmem>>, vector<1x16xf32>,
        %get3A_163 = vector.shape_cast %get3A_162 : vector<1x16xf32> to vector<16xf32>
        %mul3A_164 = arith.mulf %get3A_163, %gather3A_159 : vector<16xf32>
        %swap3A_165 = arith.index_cast %scan3A_138 : i32 to index
        %swap3A_166 = arith.constant 0 : index
        %swap3A_167 = tpu.vector_load %arg11[%swap3A_165, %swap3A_166] {strides = array<i32>} : memref<80x128xf32, #tpu.memory_space<vmem>>, vector<1x16xf32>,
        %swap3A_168 = vector.shape_cast %swap3A_167 : vector<1x16xf32> to vector<16xf32>
        %swap3A_169 = vector.shape_cast %mul3A_164 : vector<16xf32> to vector<1x16xf32>
        tpu.vector_store %arg11[%swap3A_165, %swap3A_166], %swap3A_169 {strides = array<i32>} : memref<80x128xf32, #tpu.memory_space<vmem>>, vector<1x16xf32>,
        %add3A_170 = arith.constant 2 : i32
        %add3A_171 = vector.broadcast %add3A_170 : i32 to vector<16xi32>
        %add3A_172 = arith.addi %shift_right_logical3A_1, %add3A_171 : vector<16xi32>
        %broadcast_in_dim3A_173 = vector.shape_cast %add3A_172 : vector<16xi32> to vector<16x1xi32>
        %gather3A_174 = vector.shape_cast %broadcast_in_dim3A_173 : vector<16x1xi32> to vector<16xi32>
        %gather3A_175 = tpu.dynamic_gather %exp3A[%gather3A_174] in [0] : vector<16xf32>, vector<16xi32> -> vector<16xf32>
        %get3A_176 = arith.index_cast %scan3A_138 : i32 to index
        %get3A_177 = arith.constant 16 : index
        %get3A_178 = tpu.vector_load %arg11[%get3A_176, %get3A_177] {strides = array<i32>} : memref<80x128xf32, #tpu.memory_space<vmem>>, vector<1x16xf32>,
        %get3A_179 = vector.shape_cast %get3A_178 : vector<1x16xf32> to vector<16xf32>
        %mul3A_180 = arith.mulf %get3A_179, %gather3A_175 : vector<16xf32>
        %swap3A_181 = arith.index_cast %scan3A_138 : i32 to index
        %swap3A_182 = arith.constant 16 : index
        %swap3A_183 = tpu.vector_load %arg11[%swap3A_181, %swap3A_182] {strides = array<i32>} : memref<80x128xf32, #tpu.memory_space<vmem>>, vector<1x16xf32>,
        %swap3A_184 = vector.shape_cast %swap3A_183 : vector<1x16xf32> to vector<16xf32>
        %swap3A_185 = vector.shape_cast %mul3A_180 : vector<16xf32> to vector<1x16xf32>
        tpu.vector_store %arg11[%swap3A_181, %swap3A_182], %swap3A_185 {strides = array<i32>} : memref<80x128xf32, #tpu.memory_space<vmem>>, vector<1x16xf32>,
        %add3A_186 = arith.constant 4 : i32
        %add3A_187 = vector.broadcast %add3A_186 : i32 to vector<16xi32>
        %add3A_188 = arith.addi %shift_right_logical3A_1, %add3A_187 : vector<16xi32>
        %broadcast_in_dim3A_189 = vector.shape_cast %add3A_188 : vector<16xi32> to vector<16x1xi32>
        %gather3A_190 = vector.shape_cast %broadcast_in_dim3A_189 : vector<16x1xi32> to vector<16xi32>
        %gather3A_191 = tpu.dynamic_gather %exp3A[%gather3A_190] in [0] : vector<16xf32>, vector<16xi32> -> vector<16xf32>
        %get3A_192 = arith.index_cast %scan3A_138 : i32 to index
        %get3A_193 = arith.constant 32 : index
        %get3A_194 = tpu.vector_load %arg11[%get3A_192, %get3A_193] {strides = array<i32>} : memref<80x128xf32, #tpu.memory_space<vmem>>, vector<1x16xf32>,
        %get3A_195 = vector.shape_cast %get3A_194 : vector<1x16xf32> to vector<16xf32>
        %mul3A_196 = arith.mulf %get3A_195, %gather3A_191 : vector<16xf32>
        %swap3A_197 = arith.index_cast %scan3A_138 : i32 to index
        %swap3A_198 = arith.constant 32 : index
        %swap3A_199 = tpu.vector_load %arg11[%swap3A_197, %swap3A_198] {strides = array<i32>} : memref<80x128xf32, #tpu.memory_space<vmem>>, vector<1x16xf32>,
        %swap3A_200 = vector.shape_cast %swap3A_199 : vector<1x16xf32> to vector<16xf32>
        %swap3A_201 = vector.shape_cast %mul3A_196 : vector<16xf32> to vector<1x16xf32>
        tpu.vector_store %arg11[%swap3A_197, %swap3A_198], %swap3A_201 {strides = array<i32>} : memref<80x128xf32, #tpu.memory_space<vmem>>, vector<1x16xf32>,
        %add3A_202 = arith.constant 6 : i32
        %add3A_203 = vector.broadcast %add3A_202 : i32 to vector<16xi32>
        %add3A_204 = arith.addi %shift_right_logical3A_1, %add3A_203 : vector<16xi32>
        %broadcast_in_dim3A_205 = vector.shape_cast %add3A_204 : vector<16xi32> to vector<16x1xi32>
        %gather3A_206 = vector.shape_cast %broadcast_in_dim3A_205 : vector<16x1xi32> to vector<16xi32>
        %gather3A_207 = tpu.dynamic_gather %exp3A[%gather3A_206] in [0] : vector<16xf32>, vector<16xi32> -> vector<16xf32>
        %get3A_208 = arith.index_cast %scan3A_138 : i32 to index
        %get3A_209 = arith.constant 48 : index
        %get3A_210 = tpu.vector_load %arg11[%get3A_208, %get3A_209] {strides = array<i32>} : memref<80x128xf32, #tpu.memory_space<vmem>>, vector<1x16xf32>,
        %get3A_211 = vector.shape_cast %get3A_210 : vector<1x16xf32> to vector<16xf32>
        %mul3A_212 = arith.mulf %get3A_211, %gather3A_207 : vector<16xf32>
        %swap3A_213 = arith.index_cast %scan3A_138 : i32 to index
        %swap3A_214 = arith.constant 48 : index
        %swap3A_215 = tpu.vector_load %arg11[%swap3A_213, %swap3A_214] {strides = array<i32>} : memref<80x128xf32, #tpu.memory_space<vmem>>, vector<1x16xf32>,
        %swap3A_216 = vector.shape_cast %swap3A_215 : vector<1x16xf32> to vector<16xf32>
        %swap3A_217 = vector.shape_cast %mul3A_212 : vector<16xf32> to vector<1x16xf32>
        tpu.vector_store %arg11[%swap3A_213, %swap3A_214], %swap3A_217 {strides = array<i32>} : memref<80x128xf32, #tpu.memory_space<vmem>>, vector<1x16xf32>,
      }
      %scan3A_137 = arith.constant 80 : i32
      "tpu.region"() ({
        %run_scoped3A = tpu.sem_alloc : memref<!tpu.dma_semaphore, #tpu.memory_space<semaphore_mem>>
        %dma_start3A_138 = arith.constant 0 : i32
        %dma_start3A_139 = arith.constant 0 : i32
        %dma_start3A_140 = tpu.memref_slice %arg13[%dma_start3A_138, %dma_start3A_139] : memref<10000x128xf32, #tpu.memory_space<vmem_shared>> -> memref<10000x128xf32, #tpu.memory_space<vmem_shared>>
        tpu.enqueue_indirect_dma source(%arg11 : memref<80x128xf32, #tpu.memory_space<vmem>>) target(%dma_start3A_140 : memref<10000x128xf32, #tpu.memory_space<vmem_shared>>) offsets(%arg9 : memref<80xi32, #tpu.memory_space<vmem>>) semaphore(%run_scoped3A : memref<!tpu.dma_semaphore, #tpu.memory_space<semaphore_mem>>) {add = true}
        %dma_wait3A_141 = arith.constant 0 : i32
        %dma_wait3A_142 = arith.constant 0 : i32
        %dma_wait3A_143 = tpu.memref_slice %arg13[%dma_wait3A_141, %dma_wait3A_142] : memref<10000x128xf32, #tpu.memory_space<vmem_shared>> -> memref<10000x128xf32, #tpu.memory_space<vmem_shared>>
        tpu.wait_indirect_dma semaphore(%run_scoped3A : memref<!tpu.dma_semaphore, #tpu.memory_space<semaphore_mem>>) src(%arg11 : memref<80x128xf32, #tpu.memory_space<vmem>>) dst(%dma_wait3A_143 : memref<10000x128xf32, #tpu.memory_space<vmem_shared>>)
        tpu.yield
      }) : () -> ()
    }
    %scan3A_13 = arith.constant 125 : i32
    %barrier3A_14 = arith.constant 0 : index
    tpu.barrier barrier_id(%barrier3A_14)
    %eq3A_15 = arith.constant 0 : i32
    %eq3A_16 = arith.cmpi eq, %arg1, %eq3A_15 : i32
    %convert_element_type3A_17 = arith.extui %eq3A_16 : i1 to i32
    %cond3A_18 = arith.constant 0 : i32
    %cond3A_19 = arith.cmpi ne, %convert_element_type3A_17, %cond3A_18 : i32
    scf.if %cond3A_19 {
      %mul3A_20 = arith.constant 10000 : i32
      %mul3A_21 = arith.muli %arg0, %mul3A_20 : i32
      "tpu.region"() ({
        %run_scoped3A = tpu.sem_alloc : memref<!tpu.dma_semaphore, #tpu.memory_space<semaphore_mem>>
        %dma_start3A = arith.constant 0 : i32
        %dma_start3A_22 = tpu.memref_slice %arg7[%mul3A_21, %dma_start3A] : memref<20000x128xf32, #tpu.memory_space<hbm>> -> memref<10000x128xf32, #tpu.memory_space<hbm>>
        tpu.enqueue_dma source(%arg13 : memref<10000x128xf32, #tpu.memory_space<vmem_shared>>) target(%dma_start3A_22 : memref<10000x128xf32, #tpu.memory_space<hbm>>) target_semaphore(%run_scoped3A : memref<!tpu.dma_semaphore, #tpu.memory_space<semaphore_mem>>)
        %dma_wait3A = arith.constant 0 : i32
        %dma_wait3A_23 = tpu.memref_slice %arg7[%mul3A_21, %dma_wait3A] : memref<20000x128xf32, #tpu.memory_space<hbm>> -> memref<10000x128xf32, #tpu.memory_space<hbm>>
        tpu.wait_dma2 semaphore(%run_scoped3A : memref<!tpu.dma_semaphore, #tpu.memory_space<semaphore_mem>>) src(%arg13 : memref<10000x128xf32, #tpu.memory_space<vmem_shared>>) dst(%dma_wait3A_23 : memref<10000x128xf32, #tpu.memory_space<hbm>>)
        tpu.yield
      }) : () -> ()
    } else {
    }
    return
  }
}

#map = affine_map<(d0, d1) -> (0)>
#map1 = affine_map<(d0, d1) -> (0, 0)>
module attributes {stable_mosaic.version = 14 : i64} {
  func.func @sc_edge(%arg0: i32, %arg1: i32, %arg2: memref<320000xi32, #tpu.memory_space<hbm>>, %arg3: memref<320000xi32, #tpu.memory_space<hbm>>, %arg4: memref<20000x128xf32, #tpu.memory_space<hbm>>, %arg5: memref<20000x128xf32, #tpu.memory_space<hbm>>, %arg6: memref<10000x128xf32, #tpu.memory_space<hbm>>, %arg7: memref<20000x128xf32, #tpu.memory_space<hbm>>, %arg8: memref<80xi32, #tpu.memory_space<vmem>>, %arg9: memref<80xi32, #tpu.memory_space<vmem>>, %arg10: memref<80xi32, #tpu.memory_space<vmem>>, %arg11: memref<80x128xf32, #tpu.memory_space<vmem>>, %arg12: memref<80x128xf32, #tpu.memory_space<vmem>>, %arg13: memref<10000x128xf32, #tpu.memory_space<vmem_shared>>, %arg14: memref<!tpu.dma_semaphore, #tpu.memory_space<semaphore_mem>>, %arg15: memref<!tpu.dma_semaphore, #tpu.memory_space<semaphore_mem>>) attributes {dimension_semantics = [#tpu.dimension_semantics<core_parallel>, #tpu.dimension_semantics<subcore_parallel>], iteration_bounds = array<i64: 2, 16>, scalar_prefetch = 0 : i64, scratch_operands = 8 : i64, tpu.core_type = #tpu.core_type<sc_vector_subcore>, window_params = [{transform_indices = #map}, {transform_indices = #map}, {transform_indices = #map1}, {transform_indices = #map1}, {transform_indices = #map1}, {transform_indices = #map1}]} {
    %iota3A = tpu.iota {dimensions = array<i32: 0>} : vector<16xi32>
    %shift_right_logical3A = arith.constant 3 : i32
    %shift_right_logical3A_0 = vector.broadcast %shift_right_logical3A : i32 to vector<16xi32>
    %shift_right_logical3A_1 = arith.shrui %iota3A, %shift_right_logical3A_0 : vector<16xi32>
    %and3A = arith.constant 0 : i32
    %and3A_2 = vector.broadcast %and3A : i32 to vector<16xi32>
    %and3A_3 = arith.andi %iota3A, %and3A_2 : vector<16xi32>
    %eq3A = arith.constant 0 : i32
    %eq3A_4 = arith.cmpi eq, %arg1, %eq3A : i32
    %convert_element_type3A = arith.extui %eq3A_4 : i1 to i32
    %cond3A = arith.constant 0 : i32
    %cond3A_5 = arith.cmpi ne, %convert_element_type3A, %cond3A : i32
    scf.if %cond3A_5 {
      "tpu.region"() ({
        %run_scoped3A = tpu.sem_alloc : memref<!tpu.dma_semaphore, #tpu.memory_space<semaphore_mem>>
        tpu.enqueue_dma source(%arg6 : memref<10000x128xf32, #tpu.memory_space<hbm>>) target(%arg13 : memref<10000x128xf32, #tpu.memory_space<vmem_shared>>) target_semaphore(%run_scoped3A : memref<!tpu.dma_semaphore, #tpu.memory_space<semaphore_mem>>)
        tpu.wait_dma2 semaphore(%run_scoped3A : memref<!tpu.dma_semaphore, #tpu.memory_space<semaphore_mem>>) src(%arg6 : memref<10000x128xf32, #tpu.memory_space<hbm>>) dst(%arg13 : memref<10000x128xf32, #tpu.memory_space<vmem_shared>>)
        tpu.yield
      }) : () -> ()
    } else {
    }
    %barrier3A = arith.constant 0 : index
    tpu.barrier barrier_id(%barrier3A)
    %mul3A = arith.constant 20000 : i32
    %mul3A_6 = arith.muli %arg1, %mul3A : i32
    %mul3A_7 = arith.constant 10000 : i32
    %mul3A_8 = arith.muli %arg0, %mul3A_7 : i32
    %scan3A = arith.constant 0 : i32
    %scan3A_9 = arith.constant 0 : i32
    %scan3A_10 = arith.constant 250 : i32
    %scan3A_11 = arith.addi %scan3A_9, %scan3A_10 : i32
    %scan3A_12 = arith.constant 1 : i32
    scf.for %scan3A_20 = %scan3A_9 to %scan3A_11 step %scan3A_12  : i32 {
      %mul3A_21 = arith.constant 80 : i32
      %mul3A_22 = arith.muli %scan3A_20, %mul3A_21 : i32
      %add3A = arith.addi %mul3A_6, %mul3A_22 : i32
      "tpu.region"() ({
        %run_scoped3A = tpu.sem_alloc : memref<!tpu.dma_semaphore, #tpu.memory_space<semaphore_mem>>
        %dma_start3A_127 = tpu.memref_slice %arg2[%add3A] : memref<320000xi32, #tpu.memory_space<hbm>> -> memref<80xi32, #tpu.memory_space<hbm>>
        %dma_start3A_128 = tpu.memref_slice %arg2[%add3A] : memref<320000xi32, #tpu.memory_space<hbm>> -> memref<80xi32, #tpu.memory_space<hbm>>
        tpu.enqueue_dma source(%dma_start3A_128 : memref<80xi32, #tpu.memory_space<hbm>>) target(%arg8 : memref<80xi32, #tpu.memory_space<vmem>>) target_semaphore(%run_scoped3A : memref<!tpu.dma_semaphore, #tpu.memory_space<semaphore_mem>>)
        %dma_wait3A_129 = tpu.memref_slice %arg2[%add3A] : memref<320000xi32, #tpu.memory_space<hbm>> -> memref<80xi32, #tpu.memory_space<hbm>>
        %dma_wait3A_130 = tpu.memref_slice %arg2[%add3A] : memref<320000xi32, #tpu.memory_space<hbm>> -> memref<80xi32, #tpu.memory_space<hbm>>
        tpu.wait_dma2 semaphore(%run_scoped3A : memref<!tpu.dma_semaphore, #tpu.memory_space<semaphore_mem>>) src(%dma_wait3A_130 : memref<80xi32, #tpu.memory_space<hbm>>) dst(%arg8 : memref<80xi32, #tpu.memory_space<vmem>>)
        tpu.yield
      }) : () -> ()
      "tpu.region"() ({
        %run_scoped3A = tpu.sem_alloc : memref<!tpu.dma_semaphore, #tpu.memory_space<semaphore_mem>>
        %dma_start3A_127 = tpu.memref_slice %arg3[%add3A] : memref<320000xi32, #tpu.memory_space<hbm>> -> memref<80xi32, #tpu.memory_space<hbm>>
        %dma_start3A_128 = tpu.memref_slice %arg3[%add3A] : memref<320000xi32, #tpu.memory_space<hbm>> -> memref<80xi32, #tpu.memory_space<hbm>>
        tpu.enqueue_dma source(%dma_start3A_128 : memref<80xi32, #tpu.memory_space<hbm>>) target(%arg9 : memref<80xi32, #tpu.memory_space<vmem>>) target_semaphore(%run_scoped3A : memref<!tpu.dma_semaphore, #tpu.memory_space<semaphore_mem>>)
        %dma_wait3A_129 = tpu.memref_slice %arg3[%add3A] : memref<320000xi32, #tpu.memory_space<hbm>> -> memref<80xi32, #tpu.memory_space<hbm>>
        %dma_wait3A_130 = tpu.memref_slice %arg3[%add3A] : memref<320000xi32, #tpu.memory_space<hbm>> -> memref<80xi32, #tpu.memory_space<hbm>>
        tpu.wait_dma2 semaphore(%run_scoped3A : memref<!tpu.dma_semaphore, #tpu.memory_space<semaphore_mem>>) src(%dma_wait3A_130 : memref<80xi32, #tpu.memory_space<hbm>>) dst(%arg9 : memref<80xi32, #tpu.memory_space<vmem>>)
        tpu.yield
      }) : () -> ()
      %get3A = arith.constant 0 : index
      %get3A_23 = tpu.vector_load %arg8[%get3A] {strides = array<i32>} : memref<80xi32, #tpu.memory_space<vmem>>, vector<16xi32>,
      %get3A_24 = vector.shape_cast %get3A_23 : vector<16xi32> to vector<16xi32>
      %add3A_25 = vector.broadcast %mul3A_8 : i32 to vector<16xi32>
      %add3A_26 = arith.addi %get3A_24, %add3A_25 : vector<16xi32>
      %swap3A = arith.constant 0 : index
      %swap3A_27 = tpu.vector_load %arg8[%swap3A] {strides = array<i32>} : memref<80xi32, #tpu.memory_space<vmem>>, vector<16xi32>,
      %swap3A_28 = vector.shape_cast %swap3A_27 : vector<16xi32> to vector<16xi32>
      %swap3A_29 = vector.shape_cast %add3A_26 : vector<16xi32> to vector<16xi32>
      tpu.vector_store %arg8[%swap3A], %swap3A_29 {strides = array<i32>} : memref<80xi32, #tpu.memory_space<vmem>>, vector<16xi32>,
      %get3A_30 = arith.constant 0 : index
      %get3A_31 = tpu.vector_load %arg9[%get3A_30] {strides = array<i32>} : memref<80xi32, #tpu.memory_space<vmem>>, vector<16xi32>,
      %get3A_32 = vector.shape_cast %get3A_31 : vector<16xi32> to vector<16xi32>
      %add3A_33 = vector.broadcast %mul3A_8 : i32 to vector<16xi32>
      %add3A_34 = arith.addi %get3A_32, %add3A_33 : vector<16xi32>
      %swap3A_35 = arith.constant 0 : index
      %swap3A_36 = tpu.vector_load %arg10[%swap3A_35] {strides = array<i32>} : memref<80xi32, #tpu.memory_space<vmem>>, vector<16xi32>,
      %swap3A_37 = vector.shape_cast %swap3A_36 : vector<16xi32> to vector<16xi32>
      %swap3A_38 = vector.shape_cast %add3A_34 : vector<16xi32> to vector<16xi32>
      tpu.vector_store %arg10[%swap3A_35], %swap3A_38 {strides = array<i32>} : memref<80xi32, #tpu.memory_space<vmem>>, vector<16xi32>,
      %get3A_39 = arith.constant 16 : index
      %get3A_40 = tpu.vector_load %arg8[%get3A_39] {strides = array<i32>} : memref<80xi32, #tpu.memory_space<vmem>>, vector<16xi32>,
      %get3A_41 = vector.shape_cast %get3A_40 : vector<16xi32> to vector<16xi32>
      %add3A_42 = vector.broadcast %mul3A_8 : i32 to vector<16xi32>
      %add3A_43 = arith.addi %get3A_41, %add3A_42 : vector<16xi32>
      %swap3A_44 = arith.constant 16 : index
      %swap3A_45 = tpu.vector_load %arg8[%swap3A_44] {strides = array<i32>} : memref<80xi32, #tpu.memory_space<vmem>>, vector<16xi32>,
      %swap3A_46 = vector.shape_cast %swap3A_45 : vector<16xi32> to vector<16xi32>
      %swap3A_47 = vector.shape_cast %add3A_43 : vector<16xi32> to vector<16xi32>
      tpu.vector_store %arg8[%swap3A_44], %swap3A_47 {strides = array<i32>} : memref<80xi32, #tpu.memory_space<vmem>>, vector<16xi32>,
      %get3A_48 = arith.constant 16 : index
      %get3A_49 = tpu.vector_load %arg9[%get3A_48] {strides = array<i32>} : memref<80xi32, #tpu.memory_space<vmem>>, vector<16xi32>,
      %get3A_50 = vector.shape_cast %get3A_49 : vector<16xi32> to vector<16xi32>
      %add3A_51 = vector.broadcast %mul3A_8 : i32 to vector<16xi32>
      %add3A_52 = arith.addi %get3A_50, %add3A_51 : vector<16xi32>
      %swap3A_53 = arith.constant 16 : index
      %swap3A_54 = tpu.vector_load %arg10[%swap3A_53] {strides = array<i32>} : memref<80xi32, #tpu.memory_space<vmem>>, vector<16xi32>,
      %swap3A_55 = vector.shape_cast %swap3A_54 : vector<16xi32> to vector<16xi32>
      %swap3A_56 = vector.shape_cast %add3A_52 : vector<16xi32> to vector<16xi32>
      tpu.vector_store %arg10[%swap3A_53], %swap3A_56 {strides = array<i32>} : memref<80xi32, #tpu.memory_space<vmem>>, vector<16xi32>,
      %get3A_57 = arith.constant 32 : index
      %get3A_58 = tpu.vector_load %arg8[%get3A_57] {strides = array<i32>} : memref<80xi32, #tpu.memory_space<vmem>>, vector<16xi32>,
      %get3A_59 = vector.shape_cast %get3A_58 : vector<16xi32> to vector<16xi32>
      %add3A_60 = vector.broadcast %mul3A_8 : i32 to vector<16xi32>
      %add3A_61 = arith.addi %get3A_59, %add3A_60 : vector<16xi32>
      %swap3A_62 = arith.constant 32 : index
      %swap3A_63 = tpu.vector_load %arg8[%swap3A_62] {strides = array<i32>} : memref<80xi32, #tpu.memory_space<vmem>>, vector<16xi32>,
      %swap3A_64 = vector.shape_cast %swap3A_63 : vector<16xi32> to vector<16xi32>
      %swap3A_65 = vector.shape_cast %add3A_61 : vector<16xi32> to vector<16xi32>
      tpu.vector_store %arg8[%swap3A_62], %swap3A_65 {strides = array<i32>} : memref<80xi32, #tpu.memory_space<vmem>>, vector<16xi32>,
      %get3A_66 = arith.constant 32 : index
      %get3A_67 = tpu.vector_load %arg9[%get3A_66] {strides = array<i32>} : memref<80xi32, #tpu.memory_space<vmem>>, vector<16xi32>,
      %get3A_68 = vector.shape_cast %get3A_67 : vector<16xi32> to vector<16xi32>
      %add3A_69 = vector.broadcast %mul3A_8 : i32 to vector<16xi32>
      %add3A_70 = arith.addi %get3A_68, %add3A_69 : vector<16xi32>
      %swap3A_71 = arith.constant 32 : index
      %swap3A_72 = tpu.vector_load %arg10[%swap3A_71] {strides = array<i32>} : memref<80xi32, #tpu.memory_space<vmem>>, vector<16xi32>,
      %swap3A_73 = vector.shape_cast %swap3A_72 : vector<16xi32> to vector<16xi32>
      %swap3A_74 = vector.shape_cast %add3A_70 : vector<16xi32> to vector<16xi32>
      tpu.vector_store %arg10[%swap3A_71], %swap3A_74 {strides = array<i32>} : memref<80xi32, #tpu.memory_space<vmem>>, vector<16xi32>,
      %get3A_75 = arith.constant 48 : index
      %get3A_76 = tpu.vector_load %arg8[%get3A_75] {strides = array<i32>} : memref<80xi32, #tpu.memory_space<vmem>>, vector<16xi32>,
      %get3A_77 = vector.shape_cast %get3A_76 : vector<16xi32> to vector<16xi32>
      %add3A_78 = vector.broadcast %mul3A_8 : i32 to vector<16xi32>
      %add3A_79 = arith.addi %get3A_77, %add3A_78 : vector<16xi32>
      %swap3A_80 = arith.constant 48 : index
      %swap3A_81 = tpu.vector_load %arg8[%swap3A_80] {strides = array<i32>} : memref<80xi32, #tpu.memory_space<vmem>>, vector<16xi32>,
      %swap3A_82 = vector.shape_cast %swap3A_81 : vector<16xi32> to vector<16xi32>
      %swap3A_83 = vector.shape_cast %add3A_79 : vector<16xi32> to vector<16xi32>
      tpu.vector_store %arg8[%swap3A_80], %swap3A_83 {strides = array<i32>} : memref<80xi32, #tpu.memory_space<vmem>>, vector<16xi32>,
      %get3A_84 = arith.constant 48 : index
      %get3A_85 = tpu.vector_load %arg9[%get3A_84] {strides = array<i32>} : memref<80xi32, #tpu.memory_space<vmem>>, vector<16xi32>,
      %get3A_86 = vector.shape_cast %get3A_85 : vector<16xi32> to vector<16xi32>
      %add3A_87 = vector.broadcast %mul3A_8 : i32 to vector<16xi32>
      %add3A_88 = arith.addi %get3A_86, %add3A_87 : vector<16xi32>
      %swap3A_89 = arith.constant 48 : index
      %swap3A_90 = tpu.vector_load %arg10[%swap3A_89] {strides = array<i32>} : memref<80xi32, #tpu.memory_space<vmem>>, vector<16xi32>,
      %swap3A_91 = vector.shape_cast %swap3A_90 : vector<16xi32> to vector<16xi32>
      %swap3A_92 = vector.shape_cast %add3A_88 : vector<16xi32> to vector<16xi32>
      tpu.vector_store %arg10[%swap3A_89], %swap3A_92 {strides = array<i32>} : memref<80xi32, #tpu.memory_space<vmem>>, vector<16xi32>,
      %get3A_93 = arith.constant 64 : index
      %get3A_94 = tpu.vector_load %arg8[%get3A_93] {strides = array<i32>} : memref<80xi32, #tpu.memory_space<vmem>>, vector<16xi32>,
      %get3A_95 = vector.shape_cast %get3A_94 : vector<16xi32> to vector<16xi32>
      %add3A_96 = vector.broadcast %mul3A_8 : i32 to vector<16xi32>
      %add3A_97 = arith.addi %get3A_95, %add3A_96 : vector<16xi32>
      %swap3A_98 = arith.constant 64 : index
      %swap3A_99 = tpu.vector_load %arg8[%swap3A_98] {strides = array<i32>} : memref<80xi32, #tpu.memory_space<vmem>>, vector<16xi32>,
      %swap3A_100 = vector.shape_cast %swap3A_99 : vector<16xi32> to vector<16xi32>
      %swap3A_101 = vector.shape_cast %add3A_97 : vector<16xi32> to vector<16xi32>
      tpu.vector_store %arg8[%swap3A_98], %swap3A_101 {strides = array<i32>} : memref<80xi32, #tpu.memory_space<vmem>>, vector<16xi32>,
      %get3A_102 = arith.constant 64 : index
      %get3A_103 = tpu.vector_load %arg9[%get3A_102] {strides = array<i32>} : memref<80xi32, #tpu.memory_space<vmem>>, vector<16xi32>,
      %get3A_104 = vector.shape_cast %get3A_103 : vector<16xi32> to vector<16xi32>
      %add3A_105 = vector.broadcast %mul3A_8 : i32 to vector<16xi32>
      %add3A_106 = arith.addi %get3A_104, %add3A_105 : vector<16xi32>
      %swap3A_107 = arith.constant 64 : index
      %swap3A_108 = tpu.vector_load %arg10[%swap3A_107] {strides = array<i32>} : memref<80xi32, #tpu.memory_space<vmem>>, vector<16xi32>,
      %swap3A_109 = vector.shape_cast %swap3A_108 : vector<16xi32> to vector<16xi32>
      %swap3A_110 = vector.shape_cast %add3A_106 : vector<16xi32> to vector<16xi32>
      tpu.vector_store %arg10[%swap3A_107], %swap3A_110 {strides = array<i32>} : memref<80xi32, #tpu.memory_space<vmem>>, vector<16xi32>,
      %dma_start3A = arith.constant 0 : i32
      %dma_start3A_111 = arith.constant 0 : i32
      %dma_start3A_112 = tpu.memref_slice %arg4[%dma_start3A, %dma_start3A_111] : memref<20000x128xf32, #tpu.memory_space<hbm>> -> memref<20000x128xf32, #tpu.memory_space<hbm>>
      tpu.enqueue_indirect_dma source(%dma_start3A_112 : memref<20000x128xf32, #tpu.memory_space<hbm>>) target(%arg11 : memref<80x128xf32, #tpu.memory_space<vmem>>) offsets(%arg8 : memref<80xi32, #tpu.memory_space<vmem>>) semaphore(%arg14 : memref<!tpu.dma_semaphore, #tpu.memory_space<semaphore_mem>>)
      %dma_wait3A = arith.constant 0 : i32
      %dma_wait3A_113 = arith.constant 0 : i32
      %dma_wait3A_114 = tpu.memref_slice %arg4[%dma_wait3A, %dma_wait3A_113] : memref<20000x128xf32, #tpu.memory_space<hbm>> -> memref<20000x128xf32, #tpu.memory_space<hbm>>
      tpu.wait_indirect_dma semaphore(%arg14 : memref<!tpu.dma_semaphore, #tpu.memory_space<semaphore_mem>>) src(%dma_wait3A_114 : memref<20000x128xf32, #tpu.memory_space<hbm>>) dst(%arg11 : memref<80x128xf32, #tpu.memory_space<vmem>>)
      %dma_start3A_115 = arith.constant 0 : i32
      %dma_start3A_116 = arith.constant 0 : i32
      %dma_start3A_117 = tpu.memref_slice %arg5[%dma_start3A_115, %dma_start3A_116] : memref<20000x128xf32, #tpu.memory_space<hbm>> -> memref<20000x128xf32, #tpu.memory_space<hbm>>
      tpu.enqueue_indirect_dma source(%dma_start3A_117 : memref<20000x128xf32, #tpu.memory_space<hbm>>) target(%arg12 : memref<80x128xf32, #tpu.memory_space<vmem>>) offsets(%arg10 : memref<80xi32, #tpu.memory_space<vmem>>) semaphore(%arg15 : memref<!tpu.dma_semaphore, #tpu.memory_space<semaphore_mem>>)
      %dma_wait3A_118 = arith.constant 0 : i32
      %dma_wait3A_119 = arith.constant 0 : i32
      %dma_wait3A_120 = tpu.memref_slice %arg5[%dma_wait3A_118, %dma_wait3A_119] : memref<20000x128xf32, #tpu.memory_space<hbm>> -> memref<20000x128xf32, #tpu.memory_space<hbm>>
      tpu.wait_indirect_dma semaphore(%arg15 : memref<!tpu.dma_semaphore, #tpu.memory_space<semaphore_mem>>) src(%dma_wait3A_120 : memref<20000x128xf32, #tpu.memory_space<hbm>>) dst(%arg12 : memref<80x128xf32, #tpu.memory_space<vmem>>)
      %scan3A_121 = arith.constant 0 : i32
      %scan3A_122 = arith.constant 0 : i32
      %scan3A_123 = arith.constant 80 : i32
      %scan3A_124 = arith.addi %scan3A_122, %scan3A_123 : i32
      %scan3A_125 = arith.constant 1 : i32
      scf.for %scan3A_127 = %scan3A_122 to %scan3A_124 step %scan3A_125  : i32 {
        %get3A_128 = arith.index_cast %scan3A_127 : i32 to index
        %get3A_129 = arith.constant 80 : index
        %get3A_130 = tpu.vector_load %arg11[%get3A_128, %get3A_129] {strides = array<i32>} : memref<80x128xf32, #tpu.memory_space<vmem>>, vector<1x16xf32>,
        %get3A_131 = vector.shape_cast %get3A_130 : vector<1x16xf32> to vector<16xf32>
        %get3A_132 = arith.index_cast %scan3A_127 : i32 to index
        %get3A_133 = arith.constant 0 : index
        %get3A_134 = tpu.vector_load %arg12[%get3A_132, %get3A_133] {strides = array<i32>} : memref<80x128xf32, #tpu.memory_space<vmem>>, vector<1x16xf32>,
        %get3A_135 = vector.shape_cast %get3A_134 : vector<1x16xf32> to vector<16xf32>
        %add3A_136 = arith.addf %get3A_131, %get3A_135 : vector<16xf32>
        %mul3A_137 = arith.constant 2.000000e-01 : f32
        %mul3A_138 = vector.broadcast %mul3A_137 : f32 to vector<16xf32>
        %mul3A_139 = arith.mulf %mul3A_138, %add3A_136 : vector<16xf32>
        %max3A = arith.maximumf %add3A_136, %mul3A_139 : vector<16xf32>
        %exp3A = math.exp %max3A : vector<16xf32>
        %swap3A_140 = arith.index_cast %scan3A_127 : i32 to index
        %swap3A_141 = arith.constant 80 : index
        %swap3A_142 = tpu.vector_load %arg11[%swap3A_140, %swap3A_141] {strides = array<i32>} : memref<80x128xf32, #tpu.memory_space<vmem>>, vector<1x16xf32>,
        %swap3A_143 = vector.shape_cast %swap3A_142 : vector<1x16xf32> to vector<16xf32>
        %swap3A_144 = vector.shape_cast %exp3A : vector<16xf32> to vector<1x16xf32>
        tpu.vector_store %arg11[%swap3A_140, %swap3A_141], %swap3A_144 {strides = array<i32>} : memref<80x128xf32, #tpu.memory_space<vmem>>, vector<1x16xf32>,
        %broadcast_in_dim3A = vector.shape_cast %and3A_3 : vector<16xi32> to vector<16x1xi32>
        %gather3A = vector.shape_cast %broadcast_in_dim3A : vector<16x1xi32> to vector<16xi32>
        %gather3A_145 = tpu.dynamic_gather %exp3A[%gather3A] in [0] : vector<16xf32>, vector<16xi32> -> vector<16xf32>
        %broadcast_in_dim3A_146 = vector.shape_cast %shift_right_logical3A_1 : vector<16xi32> to vector<16x1xi32>
        %gather3A_147 = vector.shape_cast %broadcast_in_dim3A_146 : vector<16x1xi32> to vector<16xi32>
        %gather3A_148 = tpu.dynamic_gather %exp3A[%gather3A_147] in [0] : vector<16xf32>, vector<16xi32> -> vector<16xf32>
        %add3A_149 = arith.constant 1 : i32
        %add3A_150 = vector.broadcast %add3A_149 : i32 to vector<16xi32>
        %add3A_151 = arith.addi %and3A_3, %add3A_150 : vector<16xi32>
        %broadcast_in_dim3A_152 = vector.shape_cast %add3A_151 : vector<16xi32> to vector<16x1xi32>
        %gather3A_153 = vector.shape_cast %broadcast_in_dim3A_152 : vector<16x1xi32> to vector<16xi32>
        %gather3A_154 = tpu.dynamic_gather %exp3A[%gather3A_153] in [0] : vector<16xf32>, vector<16xi32> -> vector<16xf32>
        %get3A_155 = arith.index_cast %scan3A_127 : i32 to index
        %get3A_156 = arith.constant 0 : index
        %get3A_157 = tpu.vector_load %arg11[%get3A_155, %get3A_156] {strides = array<i32>} : memref<80x128xf32, #tpu.memory_space<vmem>>, vector<1x16xf32>,
        %get3A_158 = vector.shape_cast %get3A_157 : vector<1x16xf32> to vector<16xf32>
        %mul3A_159 = arith.mulf %get3A_158, %gather3A_145 : vector<16xf32>
        %swap3A_160 = arith.index_cast %scan3A_127 : i32 to index
        %swap3A_161 = arith.constant 0 : index
        %swap3A_162 = tpu.vector_load %arg11[%swap3A_160, %swap3A_161] {strides = array<i32>} : memref<80x128xf32, #tpu.memory_space<vmem>>, vector<1x16xf32>,
        %swap3A_163 = vector.shape_cast %swap3A_162 : vector<1x16xf32> to vector<16xf32>
        %swap3A_164 = vector.shape_cast %mul3A_159 : vector<16xf32> to vector<1x16xf32>
        tpu.vector_store %arg11[%swap3A_160, %swap3A_161], %swap3A_164 {strides = array<i32>} : memref<80x128xf32, #tpu.memory_space<vmem>>, vector<1x16xf32>,
        %get3A_165 = arith.index_cast %scan3A_127 : i32 to index
        %get3A_166 = arith.constant 16 : index
        %get3A_167 = tpu.vector_load %arg11[%get3A_165, %get3A_166] {strides = array<i32>} : memref<80x128xf32, #tpu.memory_space<vmem>>, vector<1x16xf32>,
        %get3A_168 = vector.shape_cast %get3A_167 : vector<1x16xf32> to vector<16xf32>
        %mul3A_169 = arith.mulf %get3A_168, %gather3A_145 : vector<16xf32>
        %swap3A_170 = arith.index_cast %scan3A_127 : i32 to index
        %swap3A_171 = arith.constant 16 : index
        %swap3A_172 = tpu.vector_load %arg11[%swap3A_170, %swap3A_171] {strides = array<i32>} : memref<80x128xf32, #tpu.memory_space<vmem>>, vector<1x16xf32>,
        %swap3A_173 = vector.shape_cast %swap3A_172 : vector<1x16xf32> to vector<16xf32>
        %swap3A_174 = vector.shape_cast %mul3A_169 : vector<16xf32> to vector<1x16xf32>
        tpu.vector_store %arg11[%swap3A_170, %swap3A_171], %swap3A_174 {strides = array<i32>} : memref<80x128xf32, #tpu.memory_space<vmem>>, vector<1x16xf32>,
        %get3A_175 = arith.index_cast %scan3A_127 : i32 to index
        %get3A_176 = arith.constant 32 : index
        %get3A_177 = tpu.vector_load %arg11[%get3A_175, %get3A_176] {strides = array<i32>} : memref<80x128xf32, #tpu.memory_space<vmem>>, vector<1x16xf32>,
        %get3A_178 = vector.shape_cast %get3A_177 : vector<1x16xf32> to vector<16xf32>
        %mul3A_179 = arith.mulf %get3A_178, %gather3A_148 : vector<16xf32>
        %swap3A_180 = arith.index_cast %scan3A_127 : i32 to index
        %swap3A_181 = arith.constant 32 : index
        %swap3A_182 = tpu.vector_load %arg11[%swap3A_180, %swap3A_181] {strides = array<i32>} : memref<80x128xf32, #tpu.memory_space<vmem>>, vector<1x16xf32>,
        %swap3A_183 = vector.shape_cast %swap3A_182 : vector<1x16xf32> to vector<16xf32>
        %swap3A_184 = vector.shape_cast %mul3A_179 : vector<16xf32> to vector<1x16xf32>
        tpu.vector_store %arg11[%swap3A_180, %swap3A_181], %swap3A_184 {strides = array<i32>} : memref<80x128xf32, #tpu.memory_space<vmem>>, vector<1x16xf32>,
        %get3A_185 = arith.index_cast %scan3A_127 : i32 to index
        %get3A_186 = arith.constant 48 : index
        %get3A_187 = tpu.vector_load %arg11[%get3A_185, %get3A_186] {strides = array<i32>} : memref<80x128xf32, #tpu.memory_space<vmem>>, vector<1x16xf32>,
        %get3A_188 = vector.shape_cast %get3A_187 : vector<1x16xf32> to vector<16xf32>
        %mul3A_189 = arith.mulf %get3A_188, %gather3A_154 : vector<16xf32>
        %swap3A_190 = arith.index_cast %scan3A_127 : i32 to index
        %swap3A_191 = arith.constant 48 : index
        %swap3A_192 = tpu.vector_load %arg11[%swap3A_190, %swap3A_191] {strides = array<i32>} : memref<80x128xf32, #tpu.memory_space<vmem>>, vector<1x16xf32>,
        %swap3A_193 = vector.shape_cast %swap3A_192 : vector<1x16xf32> to vector<16xf32>
        %swap3A_194 = vector.shape_cast %mul3A_189 : vector<16xf32> to vector<1x16xf32>
        tpu.vector_store %arg11[%swap3A_190, %swap3A_191], %swap3A_194 {strides = array<i32>} : memref<80x128xf32, #tpu.memory_space<vmem>>, vector<1x16xf32>,
        %get3A_195 = arith.index_cast %scan3A_127 : i32 to index
        %get3A_196 = arith.constant 64 : index
        %get3A_197 = tpu.vector_load %arg11[%get3A_195, %get3A_196] {strides = array<i32>} : memref<80x128xf32, #tpu.memory_space<vmem>>, vector<1x16xf32>,
        %get3A_198 = vector.shape_cast %get3A_197 : vector<1x16xf32> to vector<16xf32>
        %mul3A_199 = arith.mulf %get3A_198, %gather3A_154 : vector<16xf32>
        %swap3A_200 = arith.index_cast %scan3A_127 : i32 to index
        %swap3A_201 = arith.constant 64 : index
        %swap3A_202 = tpu.vector_load %arg11[%swap3A_200, %swap3A_201] {strides = array<i32>} : memref<80x128xf32, #tpu.memory_space<vmem>>, vector<1x16xf32>,
        %swap3A_203 = vector.shape_cast %swap3A_202 : vector<1x16xf32> to vector<16xf32>
        %swap3A_204 = vector.shape_cast %mul3A_199 : vector<16xf32> to vector<1x16xf32>
        tpu.vector_store %arg11[%swap3A_200, %swap3A_201], %swap3A_204 {strides = array<i32>} : memref<80x128xf32, #tpu.memory_space<vmem>>, vector<1x16xf32>,
      }
      %scan3A_126 = arith.constant 80 : i32
      "tpu.region"() ({
        %run_scoped3A = tpu.sem_alloc : memref<!tpu.dma_semaphore, #tpu.memory_space<semaphore_mem>>
        %dma_start3A_127 = arith.constant 0 : i32
        %dma_start3A_128 = arith.constant 0 : i32
        %dma_start3A_129 = tpu.memref_slice %arg13[%dma_start3A_127, %dma_start3A_128] : memref<10000x128xf32, #tpu.memory_space<vmem_shared>> -> memref<10000x128xf32, #tpu.memory_space<vmem_shared>>
        tpu.enqueue_indirect_dma source(%arg11 : memref<80x128xf32, #tpu.memory_space<vmem>>) target(%dma_start3A_129 : memref<10000x128xf32, #tpu.memory_space<vmem_shared>>) offsets(%arg9 : memref<80xi32, #tpu.memory_space<vmem>>) semaphore(%run_scoped3A : memref<!tpu.dma_semaphore, #tpu.memory_space<semaphore_mem>>) {add = true}
        %dma_wait3A_130 = arith.constant 0 : i32
        %dma_wait3A_131 = arith.constant 0 : i32
        %dma_wait3A_132 = tpu.memref_slice %arg13[%dma_wait3A_130, %dma_wait3A_131] : memref<10000x128xf32, #tpu.memory_space<vmem_shared>> -> memref<10000x128xf32, #tpu.memory_space<vmem_shared>>
        tpu.wait_indirect_dma semaphore(%run_scoped3A : memref<!tpu.dma_semaphore, #tpu.memory_space<semaphore_mem>>) src(%arg11 : memref<80x128xf32, #tpu.memory_space<vmem>>) dst(%dma_wait3A_132 : memref<10000x128xf32, #tpu.memory_space<vmem_shared>>)
        tpu.yield
      }) : () -> ()
    }
    %scan3A_13 = arith.constant 250 : i32
    %barrier3A_14 = arith.constant 0 : index
    tpu.barrier barrier_id(%barrier3A_14)
    %eq3A_15 = arith.constant 0 : i32
    %eq3A_16 = arith.cmpi eq, %arg1, %eq3A_15 : i32
    %convert_element_type3A_17 = arith.extui %eq3A_16 : i1 to i32
    %cond3A_18 = arith.constant 0 : i32
    %cond3A_19 = arith.cmpi ne, %convert_element_type3A_17, %cond3A_18 : i32
    scf.if %cond3A_19 {
      %mul3A_20 = arith.constant 10000 : i32
      %mul3A_21 = arith.muli %arg0, %mul3A_20 : i32
      "tpu.region"() ({
        %run_scoped3A = tpu.sem_alloc : memref<!tpu.dma_semaphore, #tpu.memory_space<semaphore_mem>>
        %dma_start3A = arith.constant 0 : i32
        %dma_start3A_22 = tpu.memref_slice %arg7[%mul3A_21, %dma_start3A] : memref<20000x128xf32, #tpu.memory_space<hbm>> -> memref<10000x128xf32, #tpu.memory_space<hbm>>
        tpu.enqueue_dma source(%arg13 : memref<10000x128xf32, #tpu.memory_space<vmem_shared>>) target(%dma_start3A_22 : memref<10000x128xf32, #tpu.memory_space<hbm>>) target_semaphore(%run_scoped3A : memref<!tpu.dma_semaphore, #tpu.memory_space<semaphore_mem>>)
        %dma_wait3A = arith.constant 0 : i32
        %dma_wait3A_23 = tpu.memref_slice %arg7[%mul3A_21, %dma_wait3A] : memref<20000x128xf32, #tpu.memory_space<hbm>> -> memref<10000x128xf32, #tpu.memory_space<hbm>>
        tpu.wait_dma2 semaphore(%run_scoped3A : memref<!tpu.dma_semaphore, #tpu.memory_space<semaphore_mem>>) src(%arg13 : memref<10000x128xf32, #tpu.memory_space<vmem_shared>>) dst(%dma_wait3A_23 : memref<10000x128xf32, #tpu.memory_space<hbm>>)
        tpu.yield
      }) : () -> ()
    } else {
    }
    return
  }
}

#map = affine_map<(d0, d1) -> (0)>
#map1 = affine_map<(d0, d1) -> (0, 0)>
module attributes {stable_mosaic.version = 14 : i64} {
  func.func @sc_edge(%arg0: i32, %arg1: i32, %arg2: memref<320000xi32, #tpu.memory_space<hbm>>, %arg3: memref<320000xi32, #tpu.memory_space<hbm>>, %arg4: memref<10000x128xf32, #tpu.memory_space<hbm>>, %arg5: memref<10000x128xf32, #tpu.memory_space<hbm>>, %arg6: memref<10000x128xf32, #tpu.memory_space<hbm>>, %arg7: memref<20000x128xf32, #tpu.memory_space<hbm>>, %arg8: memref<80xi32, #tpu.memory_space<vmem>>, %arg9: memref<80xi32, #tpu.memory_space<vmem>>, %arg10: memref<80xi32, #tpu.memory_space<vmem>>, %arg11: memref<80x128xf32, #tpu.memory_space<vmem>>, %arg12: memref<80x128xf32, #tpu.memory_space<vmem>>, %arg13: memref<10000x128xf32, #tpu.memory_space<vmem_shared>>, %arg14: memref<!tpu.dma_semaphore, #tpu.memory_space<semaphore_mem>>, %arg15: memref<!tpu.dma_semaphore, #tpu.memory_space<semaphore_mem>>) attributes {dimension_semantics = [#tpu.dimension_semantics<core_parallel>, #tpu.dimension_semantics<subcore_parallel>], iteration_bounds = array<i64: 2, 16>, scalar_prefetch = 0 : i64, scratch_operands = 8 : i64, tpu.core_type = #tpu.core_type<sc_vector_subcore>, window_params = [{transform_indices = #map}, {transform_indices = #map}, {transform_indices = #map1}, {transform_indices = #map1}, {transform_indices = #map1}, {transform_indices = #map1}]} {
    %iota3A = tpu.iota {dimensions = array<i32: 0>} : vector<16xi32>
    %shift_right_logical3A = arith.constant 3 : i32
    %shift_right_logical3A_0 = vector.broadcast %shift_right_logical3A : i32 to vector<16xi32>
    %shift_right_logical3A_1 = arith.shrui %iota3A, %shift_right_logical3A_0 : vector<16xi32>
    %and3A = arith.constant 0 : i32
    %and3A_2 = vector.broadcast %and3A : i32 to vector<16xi32>
    %and3A_3 = arith.andi %iota3A, %and3A_2 : vector<16xi32>
    %eq3A = arith.constant 0 : i32
    %eq3A_4 = arith.cmpi eq, %arg1, %eq3A : i32
    %convert_element_type3A = arith.extui %eq3A_4 : i1 to i32
    %cond3A = arith.constant 0 : i32
    %cond3A_5 = arith.cmpi ne, %convert_element_type3A, %cond3A : i32
    scf.if %cond3A_5 {
      "tpu.region"() ({
        %run_scoped3A = tpu.sem_alloc : memref<!tpu.dma_semaphore, #tpu.memory_space<semaphore_mem>>
        tpu.enqueue_dma source(%arg6 : memref<10000x128xf32, #tpu.memory_space<hbm>>) target(%arg13 : memref<10000x128xf32, #tpu.memory_space<vmem_shared>>) target_semaphore(%run_scoped3A : memref<!tpu.dma_semaphore, #tpu.memory_space<semaphore_mem>>)
        tpu.wait_dma2 semaphore(%run_scoped3A : memref<!tpu.dma_semaphore, #tpu.memory_space<semaphore_mem>>) src(%arg6 : memref<10000x128xf32, #tpu.memory_space<hbm>>) dst(%arg13 : memref<10000x128xf32, #tpu.memory_space<vmem_shared>>)
        tpu.yield
      }) : () -> ()
    } else {
    }
    %barrier3A = arith.constant 0 : index
    tpu.barrier barrier_id(%barrier3A)
    %mul3A = arith.constant 2 : i32
    %mul3A_6 = arith.muli %arg1, %mul3A : i32
    %add3A = arith.addi %mul3A_6, %arg0 : i32
    %mul3A_7 = arith.constant 10000 : i32
    %mul3A_8 = arith.muli %add3A, %mul3A_7 : i32
    %scan3A = arith.constant 0 : i32
    %scan3A_9 = arith.constant 0 : i32
    %scan3A_10 = arith.constant 125 : i32
    %scan3A_11 = arith.addi %scan3A_9, %scan3A_10 : i32
    %scan3A_12 = arith.constant 1 : i32
    scf.for %scan3A_20 = %scan3A_9 to %scan3A_11 step %scan3A_12  : i32 {
      %mul3A_21 = arith.constant 80 : i32
      %mul3A_22 = arith.muli %scan3A_20, %mul3A_21 : i32
      %add3A_23 = arith.addi %mul3A_8, %mul3A_22 : i32
      "tpu.region"() ({
        %run_scoped3A = tpu.sem_alloc : memref<!tpu.dma_semaphore, #tpu.memory_space<semaphore_mem>>
        %dma_start3A_138 = tpu.memref_slice %arg2[%add3A_23] : memref<320000xi32, #tpu.memory_space<hbm>> -> memref<80xi32, #tpu.memory_space<hbm>>
        %dma_start3A_139 = tpu.memref_slice %arg2[%add3A_23] : memref<320000xi32, #tpu.memory_space<hbm>> -> memref<80xi32, #tpu.memory_space<hbm>>
        tpu.enqueue_dma source(%dma_start3A_139 : memref<80xi32, #tpu.memory_space<hbm>>) target(%arg8 : memref<80xi32, #tpu.memory_space<vmem>>) target_semaphore(%run_scoped3A : memref<!tpu.dma_semaphore, #tpu.memory_space<semaphore_mem>>)
        %dma_wait3A_140 = tpu.memref_slice %arg2[%add3A_23] : memref<320000xi32, #tpu.memory_space<hbm>> -> memref<80xi32, #tpu.memory_space<hbm>>
        %dma_wait3A_141 = tpu.memref_slice %arg2[%add3A_23] : memref<320000xi32, #tpu.memory_space<hbm>> -> memref<80xi32, #tpu.memory_space<hbm>>
        tpu.wait_dma2 semaphore(%run_scoped3A : memref<!tpu.dma_semaphore, #tpu.memory_space<semaphore_mem>>) src(%dma_wait3A_141 : memref<80xi32, #tpu.memory_space<hbm>>) dst(%arg8 : memref<80xi32, #tpu.memory_space<vmem>>)
        tpu.yield
      }) : () -> ()
      "tpu.region"() ({
        %run_scoped3A = tpu.sem_alloc : memref<!tpu.dma_semaphore, #tpu.memory_space<semaphore_mem>>
        %dma_start3A_138 = tpu.memref_slice %arg3[%add3A_23] : memref<320000xi32, #tpu.memory_space<hbm>> -> memref<80xi32, #tpu.memory_space<hbm>>
        %dma_start3A_139 = tpu.memref_slice %arg3[%add3A_23] : memref<320000xi32, #tpu.memory_space<hbm>> -> memref<80xi32, #tpu.memory_space<hbm>>
        tpu.enqueue_dma source(%dma_start3A_139 : memref<80xi32, #tpu.memory_space<hbm>>) target(%arg9 : memref<80xi32, #tpu.memory_space<vmem>>) target_semaphore(%run_scoped3A : memref<!tpu.dma_semaphore, #tpu.memory_space<semaphore_mem>>)
        %dma_wait3A_140 = tpu.memref_slice %arg3[%add3A_23] : memref<320000xi32, #tpu.memory_space<hbm>> -> memref<80xi32, #tpu.memory_space<hbm>>
        %dma_wait3A_141 = tpu.memref_slice %arg3[%add3A_23] : memref<320000xi32, #tpu.memory_space<hbm>> -> memref<80xi32, #tpu.memory_space<hbm>>
        tpu.wait_dma2 semaphore(%run_scoped3A : memref<!tpu.dma_semaphore, #tpu.memory_space<semaphore_mem>>) src(%dma_wait3A_141 : memref<80xi32, #tpu.memory_space<hbm>>) dst(%arg9 : memref<80xi32, #tpu.memory_space<vmem>>)
        tpu.yield
      }) : () -> ()
      %get3A = arith.constant 0 : index
      %get3A_24 = tpu.vector_load %arg8[%get3A] {strides = array<i32>} : memref<80xi32, #tpu.memory_space<vmem>>, vector<16xi32>,
      %get3A_25 = vector.shape_cast %get3A_24 : vector<16xi32> to vector<16xi32>
      %add3A_26 = arith.constant 0 : i32
      %add3A_27 = vector.broadcast %add3A_26 : i32 to vector<16xi32>
      %add3A_28 = arith.addi %get3A_25, %add3A_27 : vector<16xi32>
      %swap3A = arith.constant 0 : index
      %swap3A_29 = tpu.vector_load %arg8[%swap3A] {strides = array<i32>} : memref<80xi32, #tpu.memory_space<vmem>>, vector<16xi32>,
      %swap3A_30 = vector.shape_cast %swap3A_29 : vector<16xi32> to vector<16xi32>
      %swap3A_31 = vector.shape_cast %add3A_28 : vector<16xi32> to vector<16xi32>
      tpu.vector_store %arg8[%swap3A], %swap3A_31 {strides = array<i32>} : memref<80xi32, #tpu.memory_space<vmem>>, vector<16xi32>,
      %get3A_32 = arith.constant 0 : index
      %get3A_33 = tpu.vector_load %arg9[%get3A_32] {strides = array<i32>} : memref<80xi32, #tpu.memory_space<vmem>>, vector<16xi32>,
      %get3A_34 = vector.shape_cast %get3A_33 : vector<16xi32> to vector<16xi32>
      %add3A_35 = arith.constant 0 : i32
      %add3A_36 = vector.broadcast %add3A_35 : i32 to vector<16xi32>
      %add3A_37 = arith.addi %get3A_34, %add3A_36 : vector<16xi32>
      %swap3A_38 = arith.constant 0 : index
      %swap3A_39 = tpu.vector_load %arg10[%swap3A_38] {strides = array<i32>} : memref<80xi32, #tpu.memory_space<vmem>>, vector<16xi32>,
      %swap3A_40 = vector.shape_cast %swap3A_39 : vector<16xi32> to vector<16xi32>
      %swap3A_41 = vector.shape_cast %add3A_37 : vector<16xi32> to vector<16xi32>
      tpu.vector_store %arg10[%swap3A_38], %swap3A_41 {strides = array<i32>} : memref<80xi32, #tpu.memory_space<vmem>>, vector<16xi32>,
      %get3A_42 = arith.constant 16 : index
      %get3A_43 = tpu.vector_load %arg8[%get3A_42] {strides = array<i32>} : memref<80xi32, #tpu.memory_space<vmem>>, vector<16xi32>,
      %get3A_44 = vector.shape_cast %get3A_43 : vector<16xi32> to vector<16xi32>
      %add3A_45 = arith.constant 0 : i32
      %add3A_46 = vector.broadcast %add3A_45 : i32 to vector<16xi32>
      %add3A_47 = arith.addi %get3A_44, %add3A_46 : vector<16xi32>
      %swap3A_48 = arith.constant 16 : index
      %swap3A_49 = tpu.vector_load %arg8[%swap3A_48] {strides = array<i32>} : memref<80xi32, #tpu.memory_space<vmem>>, vector<16xi32>,
      %swap3A_50 = vector.shape_cast %swap3A_49 : vector<16xi32> to vector<16xi32>
      %swap3A_51 = vector.shape_cast %add3A_47 : vector<16xi32> to vector<16xi32>
      tpu.vector_store %arg8[%swap3A_48], %swap3A_51 {strides = array<i32>} : memref<80xi32, #tpu.memory_space<vmem>>, vector<16xi32>,
      %get3A_52 = arith.constant 16 : index
      %get3A_53 = tpu.vector_load %arg9[%get3A_52] {strides = array<i32>} : memref<80xi32, #tpu.memory_space<vmem>>, vector<16xi32>,
      %get3A_54 = vector.shape_cast %get3A_53 : vector<16xi32> to vector<16xi32>
      %add3A_55 = arith.constant 0 : i32
      %add3A_56 = vector.broadcast %add3A_55 : i32 to vector<16xi32>
      %add3A_57 = arith.addi %get3A_54, %add3A_56 : vector<16xi32>
      %swap3A_58 = arith.constant 16 : index
      %swap3A_59 = tpu.vector_load %arg10[%swap3A_58] {strides = array<i32>} : memref<80xi32, #tpu.memory_space<vmem>>, vector<16xi32>,
      %swap3A_60 = vector.shape_cast %swap3A_59 : vector<16xi32> to vector<16xi32>
      %swap3A_61 = vector.shape_cast %add3A_57 : vector<16xi32> to vector<16xi32>
      tpu.vector_store %arg10[%swap3A_58], %swap3A_61 {strides = array<i32>} : memref<80xi32, #tpu.memory_space<vmem>>, vector<16xi32>,
      %get3A_62 = arith.constant 32 : index
      %get3A_63 = tpu.vector_load %arg8[%get3A_62] {strides = array<i32>} : memref<80xi32, #tpu.memory_space<vmem>>, vector<16xi32>,
      %get3A_64 = vector.shape_cast %get3A_63 : vector<16xi32> to vector<16xi32>
      %add3A_65 = arith.constant 0 : i32
      %add3A_66 = vector.broadcast %add3A_65 : i32 to vector<16xi32>
      %add3A_67 = arith.addi %get3A_64, %add3A_66 : vector<16xi32>
      %swap3A_68 = arith.constant 32 : index
      %swap3A_69 = tpu.vector_load %arg8[%swap3A_68] {strides = array<i32>} : memref<80xi32, #tpu.memory_space<vmem>>, vector<16xi32>,
      %swap3A_70 = vector.shape_cast %swap3A_69 : vector<16xi32> to vector<16xi32>
      %swap3A_71 = vector.shape_cast %add3A_67 : vector<16xi32> to vector<16xi32>
      tpu.vector_store %arg8[%swap3A_68], %swap3A_71 {strides = array<i32>} : memref<80xi32, #tpu.memory_space<vmem>>, vector<16xi32>,
      %get3A_72 = arith.constant 32 : index
      %get3A_73 = tpu.vector_load %arg9[%get3A_72] {strides = array<i32>} : memref<80xi32, #tpu.memory_space<vmem>>, vector<16xi32>,
      %get3A_74 = vector.shape_cast %get3A_73 : vector<16xi32> to vector<16xi32>
      %add3A_75 = arith.constant 0 : i32
      %add3A_76 = vector.broadcast %add3A_75 : i32 to vector<16xi32>
      %add3A_77 = arith.addi %get3A_74, %add3A_76 : vector<16xi32>
      %swap3A_78 = arith.constant 32 : index
      %swap3A_79 = tpu.vector_load %arg10[%swap3A_78] {strides = array<i32>} : memref<80xi32, #tpu.memory_space<vmem>>, vector<16xi32>,
      %swap3A_80 = vector.shape_cast %swap3A_79 : vector<16xi32> to vector<16xi32>
      %swap3A_81 = vector.shape_cast %add3A_77 : vector<16xi32> to vector<16xi32>
      tpu.vector_store %arg10[%swap3A_78], %swap3A_81 {strides = array<i32>} : memref<80xi32, #tpu.memory_space<vmem>>, vector<16xi32>,
      %get3A_82 = arith.constant 48 : index
      %get3A_83 = tpu.vector_load %arg8[%get3A_82] {strides = array<i32>} : memref<80xi32, #tpu.memory_space<vmem>>, vector<16xi32>,
      %get3A_84 = vector.shape_cast %get3A_83 : vector<16xi32> to vector<16xi32>
      %add3A_85 = arith.constant 0 : i32
      %add3A_86 = vector.broadcast %add3A_85 : i32 to vector<16xi32>
      %add3A_87 = arith.addi %get3A_84, %add3A_86 : vector<16xi32>
      %swap3A_88 = arith.constant 48 : index
      %swap3A_89 = tpu.vector_load %arg8[%swap3A_88] {strides = array<i32>} : memref<80xi32, #tpu.memory_space<vmem>>, vector<16xi32>,
      %swap3A_90 = vector.shape_cast %swap3A_89 : vector<16xi32> to vector<16xi32>
      %swap3A_91 = vector.shape_cast %add3A_87 : vector<16xi32> to vector<16xi32>
      tpu.vector_store %arg8[%swap3A_88], %swap3A_91 {strides = array<i32>} : memref<80xi32, #tpu.memory_space<vmem>>, vector<16xi32>,
      %get3A_92 = arith.constant 48 : index
      %get3A_93 = tpu.vector_load %arg9[%get3A_92] {strides = array<i32>} : memref<80xi32, #tpu.memory_space<vmem>>, vector<16xi32>,
      %get3A_94 = vector.shape_cast %get3A_93 : vector<16xi32> to vector<16xi32>
      %add3A_95 = arith.constant 0 : i32
      %add3A_96 = vector.broadcast %add3A_95 : i32 to vector<16xi32>
      %add3A_97 = arith.addi %get3A_94, %add3A_96 : vector<16xi32>
      %swap3A_98 = arith.constant 48 : index
      %swap3A_99 = tpu.vector_load %arg10[%swap3A_98] {strides = array<i32>} : memref<80xi32, #tpu.memory_space<vmem>>, vector<16xi32>,
      %swap3A_100 = vector.shape_cast %swap3A_99 : vector<16xi32> to vector<16xi32>
      %swap3A_101 = vector.shape_cast %add3A_97 : vector<16xi32> to vector<16xi32>
      tpu.vector_store %arg10[%swap3A_98], %swap3A_101 {strides = array<i32>} : memref<80xi32, #tpu.memory_space<vmem>>, vector<16xi32>,
      %get3A_102 = arith.constant 64 : index
      %get3A_103 = tpu.vector_load %arg8[%get3A_102] {strides = array<i32>} : memref<80xi32, #tpu.memory_space<vmem>>, vector<16xi32>,
      %get3A_104 = vector.shape_cast %get3A_103 : vector<16xi32> to vector<16xi32>
      %add3A_105 = arith.constant 0 : i32
      %add3A_106 = vector.broadcast %add3A_105 : i32 to vector<16xi32>
      %add3A_107 = arith.addi %get3A_104, %add3A_106 : vector<16xi32>
      %swap3A_108 = arith.constant 64 : index
      %swap3A_109 = tpu.vector_load %arg8[%swap3A_108] {strides = array<i32>} : memref<80xi32, #tpu.memory_space<vmem>>, vector<16xi32>,
      %swap3A_110 = vector.shape_cast %swap3A_109 : vector<16xi32> to vector<16xi32>
      %swap3A_111 = vector.shape_cast %add3A_107 : vector<16xi32> to vector<16xi32>
      tpu.vector_store %arg8[%swap3A_108], %swap3A_111 {strides = array<i32>} : memref<80xi32, #tpu.memory_space<vmem>>, vector<16xi32>,
      %get3A_112 = arith.constant 64 : index
      %get3A_113 = tpu.vector_load %arg9[%get3A_112] {strides = array<i32>} : memref<80xi32, #tpu.memory_space<vmem>>, vector<16xi32>,
      %get3A_114 = vector.shape_cast %get3A_113 : vector<16xi32> to vector<16xi32>
      %add3A_115 = arith.constant 0 : i32
      %add3A_116 = vector.broadcast %add3A_115 : i32 to vector<16xi32>
      %add3A_117 = arith.addi %get3A_114, %add3A_116 : vector<16xi32>
      %swap3A_118 = arith.constant 64 : index
      %swap3A_119 = tpu.vector_load %arg10[%swap3A_118] {strides = array<i32>} : memref<80xi32, #tpu.memory_space<vmem>>, vector<16xi32>,
      %swap3A_120 = vector.shape_cast %swap3A_119 : vector<16xi32> to vector<16xi32>
      %swap3A_121 = vector.shape_cast %add3A_117 : vector<16xi32> to vector<16xi32>
      tpu.vector_store %arg10[%swap3A_118], %swap3A_121 {strides = array<i32>} : memref<80xi32, #tpu.memory_space<vmem>>, vector<16xi32>,
      %dma_start3A = arith.constant 0 : i32
      %dma_start3A_122 = arith.constant 0 : i32
      %dma_start3A_123 = tpu.memref_slice %arg4[%dma_start3A, %dma_start3A_122] : memref<10000x128xf32, #tpu.memory_space<hbm>> -> memref<10000x128xf32, #tpu.memory_space<hbm>>
      tpu.enqueue_indirect_dma source(%dma_start3A_123 : memref<10000x128xf32, #tpu.memory_space<hbm>>) target(%arg11 : memref<80x128xf32, #tpu.memory_space<vmem>>) offsets(%arg8 : memref<80xi32, #tpu.memory_space<vmem>>) semaphore(%arg14 : memref<!tpu.dma_semaphore, #tpu.memory_space<semaphore_mem>>)
      %dma_wait3A = arith.constant 0 : i32
      %dma_wait3A_124 = arith.constant 0 : i32
      %dma_wait3A_125 = tpu.memref_slice %arg4[%dma_wait3A, %dma_wait3A_124] : memref<10000x128xf32, #tpu.memory_space<hbm>> -> memref<10000x128xf32, #tpu.memory_space<hbm>>
      tpu.wait_indirect_dma semaphore(%arg14 : memref<!tpu.dma_semaphore, #tpu.memory_space<semaphore_mem>>) src(%dma_wait3A_125 : memref<10000x128xf32, #tpu.memory_space<hbm>>) dst(%arg11 : memref<80x128xf32, #tpu.memory_space<vmem>>)
      %dma_start3A_126 = arith.constant 0 : i32
      %dma_start3A_127 = arith.constant 0 : i32
      %dma_start3A_128 = tpu.memref_slice %arg5[%dma_start3A_126, %dma_start3A_127] : memref<10000x128xf32, #tpu.memory_space<hbm>> -> memref<10000x128xf32, #tpu.memory_space<hbm>>
      tpu.enqueue_indirect_dma source(%dma_start3A_128 : memref<10000x128xf32, #tpu.memory_space<hbm>>) target(%arg12 : memref<80x128xf32, #tpu.memory_space<vmem>>) offsets(%arg10 : memref<80xi32, #tpu.memory_space<vmem>>) semaphore(%arg15 : memref<!tpu.dma_semaphore, #tpu.memory_space<semaphore_mem>>)
      %dma_wait3A_129 = arith.constant 0 : i32
      %dma_wait3A_130 = arith.constant 0 : i32
      %dma_wait3A_131 = tpu.memref_slice %arg5[%dma_wait3A_129, %dma_wait3A_130] : memref<10000x128xf32, #tpu.memory_space<hbm>> -> memref<10000x128xf32, #tpu.memory_space<hbm>>
      tpu.wait_indirect_dma semaphore(%arg15 : memref<!tpu.dma_semaphore, #tpu.memory_space<semaphore_mem>>) src(%dma_wait3A_131 : memref<10000x128xf32, #tpu.memory_space<hbm>>) dst(%arg12 : memref<80x128xf32, #tpu.memory_space<vmem>>)
      %scan3A_132 = arith.constant 0 : i32
      %scan3A_133 = arith.constant 0 : i32
      %scan3A_134 = arith.constant 80 : i32
      %scan3A_135 = arith.addi %scan3A_133, %scan3A_134 : i32
      %scan3A_136 = arith.constant 1 : i32
      scf.for %scan3A_138 = %scan3A_133 to %scan3A_135 step %scan3A_136  : i32 {
        %get3A_139 = arith.index_cast %scan3A_138 : i32 to index
        %get3A_140 = arith.constant 64 : index
        %get3A_141 = tpu.vector_load %arg11[%get3A_139, %get3A_140] {strides = array<i32>} : memref<80x128xf32, #tpu.memory_space<vmem>>, vector<1x16xf32>,
        %get3A_142 = vector.shape_cast %get3A_141 : vector<1x16xf32> to vector<16xf32>
        %get3A_143 = arith.index_cast %scan3A_138 : i32 to index
        %get3A_144 = arith.constant 0 : index
        %get3A_145 = tpu.vector_load %arg12[%get3A_143, %get3A_144] {strides = array<i32>} : memref<80x128xf32, #tpu.memory_space<vmem>>, vector<1x16xf32>,
        %get3A_146 = vector.shape_cast %get3A_145 : vector<1x16xf32> to vector<16xf32>
        %add3A_147 = arith.addf %get3A_142, %get3A_146 : vector<16xf32>
        %mul3A_148 = arith.constant 2.000000e-01 : f32
        %mul3A_149 = vector.broadcast %mul3A_148 : f32 to vector<16xf32>
        %mul3A_150 = arith.mulf %mul3A_149, %add3A_147 : vector<16xf32>
        %max3A = arith.maximumf %add3A_147, %mul3A_150 : vector<16xf32>
        %exp3A = math.exp %max3A : vector<16xf32>
        %swap3A_151 = arith.index_cast %scan3A_138 : i32 to index
        %swap3A_152 = arith.constant 64 : index
        %swap3A_153 = tpu.vector_load %arg11[%swap3A_151, %swap3A_152] {strides = array<i32>} : memref<80x128xf32, #tpu.memory_space<vmem>>, vector<1x16xf32>,
        %swap3A_154 = vector.shape_cast %swap3A_153 : vector<1x16xf32> to vector<16xf32>
        %swap3A_155 = vector.shape_cast %exp3A : vector<16xf32> to vector<1x16xf32>
        tpu.vector_store %arg11[%swap3A_151, %swap3A_152], %swap3A_155 {strides = array<i32>} : memref<80x128xf32, #tpu.memory_space<vmem>>, vector<1x16xf32>,
        %add3A_156 = arith.constant 0 : i32
        %add3A_157 = vector.broadcast %add3A_156 : i32 to vector<16xi32>
        %add3A_158 = arith.addi %shift_right_logical3A_1, %add3A_157 : vector<16xi32>
        %broadcast_in_dim3A = vector.shape_cast %add3A_158 : vector<16xi32> to vector<16x1xi32>
        %gather3A = vector.shape_cast %broadcast_in_dim3A : vector<16x1xi32> to vector<16xi32>
        %gather3A_159 = tpu.dynamic_gather %exp3A[%gather3A] in [0] : vector<16xf32>, vector<16xi32> -> vector<16xf32>
        %get3A_160 = arith.index_cast %scan3A_138 : i32 to index
        %get3A_161 = arith.constant 0 : index
        %get3A_162 = tpu.vector_load %arg11[%get3A_160, %get3A_161] {strides = array<i32>} : memref<80x128xf32, #tpu.memory_space<vmem>>, vector<1x16xf32>,
        %get3A_163 = vector.shape_cast %get3A_162 : vector<1x16xf32> to vector<16xf32>
        %mul3A_164 = arith.mulf %get3A_163, %gather3A_159 : vector<16xf32>
        %swap3A_165 = arith.index_cast %scan3A_138 : i32 to index
        %swap3A_166 = arith.constant 0 : index
        %swap3A_167 = tpu.vector_load %arg11[%swap3A_165, %swap3A_166] {strides = array<i32>} : memref<80x128xf32, #tpu.memory_space<vmem>>, vector<1x16xf32>,
        %swap3A_168 = vector.shape_cast %swap3A_167 : vector<1x16xf32> to vector<16xf32>
        %swap3A_169 = vector.shape_cast %mul3A_164 : vector<16xf32> to vector<1x16xf32>
        tpu.vector_store %arg11[%swap3A_165, %swap3A_166], %swap3A_169 {strides = array<i32>} : memref<80x128xf32, #tpu.memory_space<vmem>>, vector<1x16xf32>,
        %add3A_170 = arith.constant 2 : i32
        %add3A_171 = vector.broadcast %add3A_170 : i32 to vector<16xi32>
        %add3A_172 = arith.addi %shift_right_logical3A_1, %add3A_171 : vector<16xi32>
        %broadcast_in_dim3A_173 = vector.shape_cast %add3A_172 : vector<16xi32> to vector<16x1xi32>
        %gather3A_174 = vector.shape_cast %broadcast_in_dim3A_173 : vector<16x1xi32> to vector<16xi32>
        %gather3A_175 = tpu.dynamic_gather %exp3A[%gather3A_174] in [0] : vector<16xf32>, vector<16xi32> -> vector<16xf32>
        %get3A_176 = arith.index_cast %scan3A_138 : i32 to index
        %get3A_177 = arith.constant 16 : index
        %get3A_178 = tpu.vector_load %arg11[%get3A_176, %get3A_177] {strides = array<i32>} : memref<80x128xf32, #tpu.memory_space<vmem>>, vector<1x16xf32>,
        %get3A_179 = vector.shape_cast %get3A_178 : vector<1x16xf32> to vector<16xf32>
        %mul3A_180 = arith.mulf %get3A_179, %gather3A_175 : vector<16xf32>
        %swap3A_181 = arith.index_cast %scan3A_138 : i32 to index
        %swap3A_182 = arith.constant 16 : index
        %swap3A_183 = tpu.vector_load %arg11[%swap3A_181, %swap3A_182] {strides = array<i32>} : memref<80x128xf32, #tpu.memory_space<vmem>>, vector<1x16xf32>,
        %swap3A_184 = vector.shape_cast %swap3A_183 : vector<1x16xf32> to vector<16xf32>
        %swap3A_185 = vector.shape_cast %mul3A_180 : vector<16xf32> to vector<1x16xf32>
        tpu.vector_store %arg11[%swap3A_181, %swap3A_182], %swap3A_185 {strides = array<i32>} : memref<80x128xf32, #tpu.memory_space<vmem>>, vector<1x16xf32>,
        %add3A_186 = arith.constant 4 : i32
        %add3A_187 = vector.broadcast %add3A_186 : i32 to vector<16xi32>
        %add3A_188 = arith.addi %shift_right_logical3A_1, %add3A_187 : vector<16xi32>
        %broadcast_in_dim3A_189 = vector.shape_cast %add3A_188 : vector<16xi32> to vector<16x1xi32>
        %gather3A_190 = vector.shape_cast %broadcast_in_dim3A_189 : vector<16x1xi32> to vector<16xi32>
        %gather3A_191 = tpu.dynamic_gather %exp3A[%gather3A_190] in [0] : vector<16xf32>, vector<16xi32> -> vector<16xf32>
        %get3A_192 = arith.index_cast %scan3A_138 : i32 to index
        %get3A_193 = arith.constant 32 : index
        %get3A_194 = tpu.vector_load %arg11[%get3A_192, %get3A_193] {strides = array<i32>} : memref<80x128xf32, #tpu.memory_space<vmem>>, vector<1x16xf32>,
        %get3A_195 = vector.shape_cast %get3A_194 : vector<1x16xf32> to vector<16xf32>
        %mul3A_196 = arith.mulf %get3A_195, %gather3A_191 : vector<16xf32>
        %swap3A_197 = arith.index_cast %scan3A_138 : i32 to index
        %swap3A_198 = arith.constant 32 : index
        %swap3A_199 = tpu.vector_load %arg11[%swap3A_197, %swap3A_198] {strides = array<i32>} : memref<80x128xf32, #tpu.memory_space<vmem>>, vector<1x16xf32>,
        %swap3A_200 = vector.shape_cast %swap3A_199 : vector<1x16xf32> to vector<16xf32>
        %swap3A_201 = vector.shape_cast %mul3A_196 : vector<16xf32> to vector<1x16xf32>
        tpu.vector_store %arg11[%swap3A_197, %swap3A_198], %swap3A_201 {strides = array<i32>} : memref<80x128xf32, #tpu.memory_space<vmem>>, vector<1x16xf32>,
        %add3A_202 = arith.constant 6 : i32
        %add3A_203 = vector.broadcast %add3A_202 : i32 to vector<16xi32>
        %add3A_204 = arith.addi %shift_right_logical3A_1, %add3A_203 : vector<16xi32>
        %broadcast_in_dim3A_205 = vector.shape_cast %add3A_204 : vector<16xi32> to vector<16x1xi32>
        %gather3A_206 = vector.shape_cast %broadcast_in_dim3A_205 : vector<16x1xi32> to vector<16xi32>
        %gather3A_207 = tpu.dynamic_gather %exp3A[%gather3A_206] in [0] : vector<16xf32>, vector<16xi32> -> vector<16xf32>
        %get3A_208 = arith.index_cast %scan3A_138 : i32 to index
        %get3A_209 = arith.constant 48 : index
        %get3A_210 = tpu.vector_load %arg11[%get3A_208, %get3A_209] {strides = array<i32>} : memref<80x128xf32, #tpu.memory_space<vmem>>, vector<1x16xf32>,
        %get3A_211 = vector.shape_cast %get3A_210 : vector<1x16xf32> to vector<16xf32>
        %mul3A_212 = arith.mulf %get3A_211, %gather3A_207 : vector<16xf32>
        %swap3A_213 = arith.index_cast %scan3A_138 : i32 to index
        %swap3A_214 = arith.constant 48 : index
        %swap3A_215 = tpu.vector_load %arg11[%swap3A_213, %swap3A_214] {strides = array<i32>} : memref<80x128xf32, #tpu.memory_space<vmem>>, vector<1x16xf32>,
        %swap3A_216 = vector.shape_cast %swap3A_215 : vector<1x16xf32> to vector<16xf32>
        %swap3A_217 = vector.shape_cast %mul3A_212 : vector<16xf32> to vector<1x16xf32>
        tpu.vector_store %arg11[%swap3A_213, %swap3A_214], %swap3A_217 {strides = array<i32>} : memref<80x128xf32, #tpu.memory_space<vmem>>, vector<1x16xf32>,
      }
      %scan3A_137 = arith.constant 80 : i32
      "tpu.region"() ({
        %run_scoped3A = tpu.sem_alloc : memref<!tpu.dma_semaphore, #tpu.memory_space<semaphore_mem>>
        %dma_start3A_138 = arith.constant 0 : i32
        %dma_start3A_139 = arith.constant 0 : i32
        %dma_start3A_140 = tpu.memref_slice %arg13[%dma_start3A_138, %dma_start3A_139] : memref<10000x128xf32, #tpu.memory_space<vmem_shared>> -> memref<10000x128xf32, #tpu.memory_space<vmem_shared>>
        tpu.enqueue_indirect_dma source(%arg11 : memref<80x128xf32, #tpu.memory_space<vmem>>) target(%dma_start3A_140 : memref<10000x128xf32, #tpu.memory_space<vmem_shared>>) offsets(%arg9 : memref<80xi32, #tpu.memory_space<vmem>>) semaphore(%run_scoped3A : memref<!tpu.dma_semaphore, #tpu.memory_space<semaphore_mem>>) {add = true}
        %dma_wait3A_141 = arith.constant 0 : i32
        %dma_wait3A_142 = arith.constant 0 : i32
        %dma_wait3A_143 = tpu.memref_slice %arg13[%dma_wait3A_141, %dma_wait3A_142] : memref<10000x128xf32, #tpu.memory_space<vmem_shared>> -> memref<10000x128xf32, #tpu.memory_space<vmem_shared>>
        tpu.wait_indirect_dma semaphore(%run_scoped3A : memref<!tpu.dma_semaphore, #tpu.memory_space<semaphore_mem>>) src(%arg11 : memref<80x128xf32, #tpu.memory_space<vmem>>) dst(%dma_wait3A_143 : memref<10000x128xf32, #tpu.memory_space<vmem_shared>>)
        tpu.yield
      }) : () -> ()
    }
    %scan3A_13 = arith.constant 125 : i32
    %barrier3A_14 = arith.constant 0 : index
    tpu.barrier barrier_id(%barrier3A_14)
    %eq3A_15 = arith.constant 0 : i32
    %eq3A_16 = arith.cmpi eq, %arg1, %eq3A_15 : i32
    %convert_element_type3A_17 = arith.extui %eq3A_16 : i1 to i32
    %cond3A_18 = arith.constant 0 : i32
    %cond3A_19 = arith.cmpi ne, %convert_element_type3A_17, %cond3A_18 : i32
    scf.if %cond3A_19 {
      %mul3A_20 = arith.constant 10000 : i32
      %mul3A_21 = arith.muli %arg0, %mul3A_20 : i32
      "tpu.region"() ({
        %run_scoped3A = tpu.sem_alloc : memref<!tpu.dma_semaphore, #tpu.memory_space<semaphore_mem>>
        %dma_start3A = arith.constant 0 : i32
        %dma_start3A_22 = tpu.memref_slice %arg7[%mul3A_21, %dma_start3A] : memref<20000x128xf32, #tpu.memory_space<hbm>> -> memref<10000x128xf32, #tpu.memory_space<hbm>>
        tpu.enqueue_dma source(%arg13 : memref<10000x128xf32, #tpu.memory_space<vmem_shared>>) target(%dma_start3A_22 : memref<10000x128xf32, #tpu.memory_space<hbm>>) target_semaphore(%run_scoped3A : memref<!tpu.dma_semaphore, #tpu.memory_space<semaphore_mem>>)
        %dma_wait3A = arith.constant 0 : i32
        %dma_wait3A_23 = tpu.memref_slice %arg7[%mul3A_21, %dma_wait3A] : memref<20000x128xf32, #tpu.memory_space<hbm>> -> memref<10000x128xf32, #tpu.memory_space<hbm>>
        tpu.wait_dma2 semaphore(%run_scoped3A : memref<!tpu.dma_semaphore, #tpu.memory_space<semaphore_mem>>) src(%arg13 : memref<10000x128xf32, #tpu.memory_space<vmem_shared>>) dst(%dma_wait3A_23 : memref<10000x128xf32, #tpu.memory_space<hbm>>)
        tpu.yield
      }) : () -> ()
    } else {
    }
    return
  }
}

module attributes {stable_mosaic.version = 14 : i64} {
  func.func @body(%arg0: i32, %arg1: memref<1000x128xf32, #tpu.memory_space<vmem>>, %arg2: memref<128x80xf32, #tpu.memory_space<vmem>>, %arg3: memref<1000x128xf32, #tpu.memory_space<vmem>>, %arg4: memref<1000x128xf32, #tpu.memory_space<vmem>>) attributes {dimension_semantics = [#tpu.dimension_semantics<arbitrary>], iteration_bounds = array<i64: 10>, scalar_prefetch = 0 : i64, scratch_operands = 0 : i64, tpu.core_type = #tpu.core_type<tc>, window_params = [{transform_indices = @transform_0, window_bounds = array<i64: 1000, 128>}, {pipeline_mode = #tpu.pipeline_mode<synchronous>, transform_indices = @transform_1, window_bounds = array<i64: 128, 80>}, {transform_indices = @transform_2, window_bounds = array<i64: 1000, 128>}, {transform_indices = @transform_3, window_bounds = array<i64: 1000, 128>}]} {
    %get3A = arith.constant 0 : index
    %get3A_0 = arith.constant 0 : index
    %get3A_1 = vector.load %arg1[%get3A, %get3A_0] : memref<1000x128xf32, #tpu.memory_space<vmem>>, vector<1000x128xf32>
    %get3A_2 = arith.constant 0 : index
    %get3A_3 = arith.constant 0 : index
    %get3A_4 = vector.load %arg2[%get3A_2, %get3A_3] : memref<128x80xf32, #tpu.memory_space<vmem>>, vector<128x80xf32>
    %dot_general3A = arith.constant dense<0.000000e+00> : vector<1000x80xf32>
    %dot_general3A_5 = tpu.matmul %get3A_1, %get3A_4, %dot_general3A {dimension_numbers = #tpu.dot_dimension_numbers<[1], [0], [0], [1], [0, 0, 1, 1], [], []>, transpose_lhs_hint = false} : vector<1000x128xf32>, vector<128x80xf32>, vector<1000x80xf32> -> vector<1000x80xf32>
    %broadcast_in_dim3A = arith.constant 0.000000e+00 : f32
    %broadcast_in_dim3A_6 = vector.broadcast %broadcast_in_dim3A : f32 to vector<1000x56xf32>
    %broadcast_in_dim3A_7 = arith.constant 0.000000e+00 : f32
    %broadcast_in_dim3A_8 = vector.broadcast %broadcast_in_dim3A_7 : f32 to vector<1000x120xf32>
    %slice3A = vector.extract_strided_slice %dot_general3A_5 {offsets = [0, 0], sizes = [1000, 72], strides = [1, 1]} : vector<1000x80xf32> to vector<1000x72xf32>
    %concatenate3A = tpu.concatenate %slice3A, %broadcast_in_dim3A_6 in 1 : vector<1000x72xf32>, vector<1000x56xf32> -> vector<1000x128xf32>
    %swap3A = arith.constant 0 : index
    %swap3A_9 = arith.constant 0 : index
    %swap3A_10 = vector.load %arg3[%swap3A, %swap3A_9] : memref<1000x128xf32, #tpu.memory_space<vmem>>, vector<1000x128xf32>
    tpu.vector_store %arg3[%swap3A, %swap3A_9], %concatenate3A {strides = array<i32>} : memref<1000x128xf32, #tpu.memory_space<vmem>>, vector<1000x128xf32>,
    %slice3A_11 = vector.extract_strided_slice %dot_general3A_5 {offsets = [0, 72], sizes = [1000, 8], strides = [1, 1]} : vector<1000x80xf32> to vector<1000x8xf32>
    %concatenate3A_12 = tpu.concatenate %slice3A_11, %broadcast_in_dim3A_8 in 1 : vector<1000x8xf32>, vector<1000x120xf32> -> vector<1000x128xf32>
    %swap3A_13 = arith.constant 0 : index
    %swap3A_14 = arith.constant 0 : index
    %swap3A_15 = vector.load %arg4[%swap3A_13, %swap3A_14] : memref<1000x128xf32, #tpu.memory_space<vmem>>, vector<1000x128xf32>
    tpu.vector_store %arg4[%swap3A_13, %swap3A_14], %concatenate3A_12 {strides = array<i32>} : memref<1000x128xf32, #tpu.memory_space<vmem>>, vector<1000x128xf32>,
    return
  }
  func.func @transform_0(%arg0: i32) -> (i32, i32) {
    %c0_i32 = arith.constant 0 : i32
    %c0_i32_0 = arith.constant 0 : i32
    return %arg0, %c0_i32 : i32, i32
  }
  func.func @transform_1(%arg0: i32) -> (i32, i32) {
    %c0_i32 = arith.constant 0 : i32
    %c0_i32_0 = arith.constant 0 : i32
    %c0_i32_1 = arith.constant 0 : i32
    return %c0_i32, %c0_i32_0 : i32, i32
  }
  func.func @transform_2(%arg0: i32) -> (i32, i32) {
    %c0_i32 = arith.constant 0 : i32
    %c0_i32_0 = arith.constant 0 : i32
    return %arg0, %c0_i32 : i32, i32
  }
  func.func @transform_3(%arg0: i32) -> (i32, i32) {
    %c0_i32 = arith.constant 0 : i32
    %c0_i32_0 = arith.constant 0 : i32
    return %arg0, %c0_i32 : i32, i32
  }
}

module attributes {stable_mosaic.version = 14 : i64} {
  func.func @body(%arg0: i32, %arg1: memref<2x1000x128xf32, #tpu.memory_space<vmem>>, %arg2: memref<1x64xf32, #tpu.memory_space<vmem>>, %arg3: memref<64x80xf32, #tpu.memory_space<vmem>>, %arg4: memref<8x64xf32, #tpu.memory_space<vmem>>, %arg5: memref<1000x128xf32, #tpu.memory_space<vmem>>, %arg6: memref<1000x128xf32, #tpu.memory_space<vmem>>) attributes {dimension_semantics = [#tpu.dimension_semantics<arbitrary>], iteration_bounds = array<i64: 10>, scalar_prefetch = 0 : i64, scratch_operands = 0 : i64, tpu.core_type = #tpu.core_type<tc>, window_params = [{transform_indices = @transform_0, window_bounds = array<i64: 2, 1000, 128>}, {pipeline_mode = #tpu.pipeline_mode<synchronous>, transform_indices = @transform_1, window_bounds = array<i64: 1, 64>}, {pipeline_mode = #tpu.pipeline_mode<synchronous>, transform_indices = @transform_2, window_bounds = array<i64: 64, 80>}, {pipeline_mode = #tpu.pipeline_mode<synchronous>, transform_indices = @transform_3, window_bounds = array<i64: 8, 64>}, {transform_indices = @transform_4, window_bounds = array<i64: 1000, 128>}, {transform_indices = @transform_5, window_bounds = array<i64: 1000, 128>}]} {
    %get3A = arith.constant 0 : index
    %get3A_0 = arith.constant 0 : index
    %get3A_1 = arith.constant 0 : index
    %get3A_2 = vector.load %arg1[%get3A, %get3A_0, %get3A_1] : memref<2x1000x128xf32, #tpu.memory_space<vmem>>, vector<1x1000x128xf32>
    %get3A_3 = vector.shape_cast %get3A_2 : vector<1x1000x128xf32> to vector<1000x128xf32>
    %get3A_4 = arith.constant 1 : index
    %get3A_5 = arith.constant 0 : index
    %get3A_6 = arith.constant 0 : index
    %get3A_7 = vector.load %arg1[%get3A_4, %get3A_5, %get3A_6] : memref<2x1000x128xf32, #tpu.memory_space<vmem>>, vector<1x1000x128xf32>
    %get3A_8 = vector.shape_cast %get3A_7 : vector<1x1000x128xf32> to vector<1000x128xf32>
    %slice3A = vector.extract_strided_slice %get3A_3 {offsets = [0, 0], sizes = [1000, 64], strides = [1, 1]} : vector<1000x128xf32> to vector<1000x64xf32>
    %slice3A_9 = vector.extract_strided_slice %get3A_8 {offsets = [0, 0], sizes = [1000, 64], strides = [1, 1]} : vector<1000x128xf32> to vector<1000x64xf32>
    %add3A = arith.addf %slice3A, %slice3A_9 : vector<1000x64xf32>
    %slice3A_10 = vector.extract_strided_slice %get3A_3 {offsets = [0, 64], sizes = [1000, 8], strides = [1, 1]} : vector<1000x128xf32> to vector<1000x8xf32>
    %slice3A_11 = vector.extract_strided_slice %get3A_8 {offsets = [0, 64], sizes = [1000, 8], strides = [1, 1]} : vector<1000x128xf32> to vector<1000x8xf32>
    %add3A_12 = arith.addf %slice3A_10, %slice3A_11 : vector<1000x8xf32>
    %max3A = arith.constant 9.99999971E-10 : f32
    %max3A_13 = vector.broadcast %max3A : f32 to vector<1000x8xf32>
    %max3A_14 = arith.maximumf %add3A_12, %max3A_13 : vector<1000x8xf32>
    %div3A = arith.constant 1.000000e+00 : f32
    %div3A_15 = vector.broadcast %div3A : f32 to vector<1000x8xf32>
    %div3A_16 = arith.divf %div3A_15, %max3A_14 : vector<1000x8xf32>
    %get3A_17 = arith.constant 0 : index
    %get3A_18 = arith.constant 0 : index
    %get3A_19 = vector.load %arg4[%get3A_17, %get3A_18] : memref<8x64xf32, #tpu.memory_space<vmem>>, vector<8x64xf32>
    %dot_general3A = arith.constant dense<0.000000e+00> : vector<1000x64xf32>
    %dot_general3A_20 = tpu.matmul %div3A_16, %get3A_19, %dot_general3A {dimension_numbers = #tpu.dot_dimension_numbers<[1], [0], [0], [1], [0, 0, 1, 1], [], []>, transpose_lhs_hint = false} : vector<1000x8xf32>, vector<8x64xf32>, vector<1000x64xf32> -> vector<1000x64xf32>
    %mul3A = arith.mulf %add3A, %dot_general3A_20 : vector<1000x64xf32>
    %get3A_21 = arith.constant 0 : index
    %get3A_22 = arith.constant 0 : index
    %get3A_23 = vector.load %arg2[%get3A_21, %get3A_22] : memref<1x64xf32, #tpu.memory_space<vmem>>, vector<1x64xf32>
    %add3A_24 = vector.broadcast %get3A_23 : vector<1x64xf32> to vector<1000x64xf32>
    %add3A_25 = arith.addf %mul3A, %add3A_24 : vector<1000x64xf32>
    %max3A_26 = arith.constant 0.000000e+00 : f32
    %max3A_27 = vector.broadcast %max3A_26 : f32 to vector<1000x64xf32>
    %max3A_28 = arith.maximumf %add3A_25, %max3A_27 : vector<1000x64xf32>
    %get3A_29 = arith.constant 0 : index
    %get3A_30 = arith.constant 0 : index
    %get3A_31 = vector.load %arg3[%get3A_29, %get3A_30] : memref<64x80xf32, #tpu.memory_space<vmem>>, vector<64x80xf32>
    %dot_general3A_32 = arith.constant dense<0.000000e+00> : vector<1000x80xf32>
    %dot_general3A_33 = tpu.matmul %max3A_28, %get3A_31, %dot_general3A_32 {dimension_numbers = #tpu.dot_dimension_numbers<[1], [0], [0], [1], [0, 0, 1, 1], [], []>, transpose_lhs_hint = false} : vector<1000x64xf32>, vector<64x80xf32>, vector<1000x80xf32> -> vector<1000x80xf32>
    %broadcast_in_dim3A = arith.constant 0.000000e+00 : f32
    %broadcast_in_dim3A_34 = vector.broadcast %broadcast_in_dim3A : f32 to vector<1000x56xf32>
    %broadcast_in_dim3A_35 = arith.constant 0.000000e+00 : f32
    %broadcast_in_dim3A_36 = vector.broadcast %broadcast_in_dim3A_35 : f32 to vector<1000x120xf32>
    %slice3A_37 = vector.extract_strided_slice %dot_general3A_33 {offsets = [0, 0], sizes = [1000, 72], strides = [1, 1]} : vector<1000x80xf32> to vector<1000x72xf32>
    %concatenate3A = tpu.concatenate %slice3A_37, %broadcast_in_dim3A_34 in 1 : vector<1000x72xf32>, vector<1000x56xf32> -> vector<1000x128xf32>
    %swap3A = arith.constant 0 : index
    %swap3A_38 = arith.constant 0 : index
    %swap3A_39 = vector.load %arg5[%swap3A, %swap3A_38] : memref<1000x128xf32, #tpu.memory_space<vmem>>, vector<1000x128xf32>
    tpu.vector_store %arg5[%swap3A, %swap3A_38], %concatenate3A {strides = array<i32>} : memref<1000x128xf32, #tpu.memory_space<vmem>>, vector<1000x128xf32>,
    %slice3A_40 = vector.extract_strided_slice %dot_general3A_33 {offsets = [0, 72], sizes = [1000, 8], strides = [1, 1]} : vector<1000x80xf32> to vector<1000x8xf32>
    %concatenate3A_41 = tpu.concatenate %slice3A_40, %broadcast_in_dim3A_36 in 1 : vector<1000x8xf32>, vector<1000x120xf32> -> vector<1000x128xf32>
    %swap3A_42 = arith.constant 0 : index
    %swap3A_43 = arith.constant 0 : index
    %swap3A_44 = vector.load %arg6[%swap3A_42, %swap3A_43] : memref<1000x128xf32, #tpu.memory_space<vmem>>, vector<1000x128xf32>
    tpu.vector_store %arg6[%swap3A_42, %swap3A_43], %concatenate3A_41 {strides = array<i32>} : memref<1000x128xf32, #tpu.memory_space<vmem>>, vector<1000x128xf32>,
    return
  }
  func.func @transform_0(%arg0: i32) -> (i32, i32, i32) {
    %c0_i32 = arith.constant 0 : i32
    %c0_i32_0 = arith.constant 0 : i32
    %c0_i32_1 = arith.constant 0 : i32
    return %c0_i32, %arg0, %c0_i32_0 : i32, i32, i32
  }
  func.func @transform_1(%arg0: i32) -> (i32, i32) {
    %c0_i32 = arith.constant 0 : i32
    %c0_i32_0 = arith.constant 0 : i32
    %c0_i32_1 = arith.constant 0 : i32
    return %c0_i32, %c0_i32_0 : i32, i32
  }
  func.func @transform_2(%arg0: i32) -> (i32, i32) {
    %c0_i32 = arith.constant 0 : i32
    %c0_i32_0 = arith.constant 0 : i32
    %c0_i32_1 = arith.constant 0 : i32
    return %c0_i32, %c0_i32_0 : i32, i32
  }
  func.func @transform_3(%arg0: i32) -> (i32, i32) {
    %c0_i32 = arith.constant 0 : i32
    %c0_i32_0 = arith.constant 0 : i32
    %c0_i32_1 = arith.constant 0 : i32
    return %c0_i32, %c0_i32_0 : i32, i32
  }
  func.func @transform_4(%arg0: i32) -> (i32, i32) {
    %c0_i32 = arith.constant 0 : i32
    %c0_i32_0 = arith.constant 0 : i32
    return %arg0, %c0_i32 : i32, i32
  }
  func.func @transform_5(%arg0: i32) -> (i32, i32) {
    %c0_i32 = arith.constant 0 : i32
    %c0_i32_0 = arith.constant 0 : i32
    return %arg0, %c0_i32 : i32, i32
  }
}

module attributes {stable_mosaic.version = 14 : i64} {
  func.func @body(%arg0: i32, %arg1: memref<2x1000x128xf32, #tpu.memory_space<vmem>>, %arg2: memref<1x64xf32, #tpu.memory_space<vmem>>, %arg3: memref<64x336xf32, #tpu.memory_space<vmem>>, %arg4: memref<8x64xf32, #tpu.memory_space<vmem>>, %arg5: memref<2x1000x128xf32, #tpu.memory_space<vmem>>, %arg6: memref<2x1000x128xf32, #tpu.memory_space<vmem>>, %arg7: memref<2x1000x128xf32, #tpu.memory_space<vmem>>, %arg8: memref<2x1000x128xf32, #tpu.memory_space<vmem>>) attributes {dimension_semantics = [#tpu.dimension_semantics<arbitrary>], iteration_bounds = array<i64: 10>, scalar_prefetch = 0 : i64, scratch_operands = 0 : i64, tpu.core_type = #tpu.core_type<tc>, window_params = [{transform_indices = @transform_0, window_bounds = array<i64: 2, 1000, 128>}, {pipeline_mode = #tpu.pipeline_mode<synchronous>, transform_indices = @transform_1, window_bounds = array<i64: 1, 64>}, {pipeline_mode = #tpu.pipeline_mode<synchronous>, transform_indices = @transform_2, window_bounds = array<i64: 64, 336>}, {pipeline_mode = #tpu.pipeline_mode<synchronous>, transform_indices = @transform_3, window_bounds = array<i64: 8, 64>}, {transform_indices = @transform_4, window_bounds = array<i64: 2, 1000, 128>}, {transform_indices = @transform_5, window_bounds = array<i64: 2, 1000, 128>}, {transform_indices = @transform_6, window_bounds = array<i64: 2, 1000, 128>}, {transform_indices = @transform_7, window_bounds = array<i64: 2, 1000, 128>}]} {
    %get3A = arith.constant 0 : index
    %get3A_0 = arith.constant 0 : index
    %get3A_1 = arith.constant 0 : index
    %get3A_2 = vector.load %arg1[%get3A, %get3A_0, %get3A_1] : memref<2x1000x128xf32, #tpu.memory_space<vmem>>, vector<1x1000x128xf32>
    %get3A_3 = vector.shape_cast %get3A_2 : vector<1x1000x128xf32> to vector<1000x128xf32>
    %get3A_4 = arith.constant 1 : index
    %get3A_5 = arith.constant 0 : index
    %get3A_6 = arith.constant 0 : index
    %get3A_7 = vector.load %arg1[%get3A_4, %get3A_5, %get3A_6] : memref<2x1000x128xf32, #tpu.memory_space<vmem>>, vector<1x1000x128xf32>
    %get3A_8 = vector.shape_cast %get3A_7 : vector<1x1000x128xf32> to vector<1000x128xf32>
    %slice3A = vector.extract_strided_slice %get3A_3 {offsets = [0, 0], sizes = [1000, 64], strides = [1, 1]} : vector<1000x128xf32> to vector<1000x64xf32>
    %slice3A_9 = vector.extract_strided_slice %get3A_8 {offsets = [0, 0], sizes = [1000, 64], strides = [1, 1]} : vector<1000x128xf32> to vector<1000x64xf32>
    %add3A = arith.addf %slice3A, %slice3A_9 : vector<1000x64xf32>
    %slice3A_10 = vector.extract_strided_slice %get3A_3 {offsets = [0, 64], sizes = [1000, 8], strides = [1, 1]} : vector<1000x128xf32> to vector<1000x8xf32>
    %slice3A_11 = vector.extract_strided_slice %get3A_8 {offsets = [0, 64], sizes = [1000, 8], strides = [1, 1]} : vector<1000x128xf32> to vector<1000x8xf32>
    %add3A_12 = arith.addf %slice3A_10, %slice3A_11 : vector<1000x8xf32>
    %max3A = arith.constant 9.99999971E-10 : f32
    %max3A_13 = vector.broadcast %max3A : f32 to vector<1000x8xf32>
    %max3A_14 = arith.maximumf %add3A_12, %max3A_13 : vector<1000x8xf32>
    %div3A = arith.constant 1.000000e+00 : f32
    %div3A_15 = vector.broadcast %div3A : f32 to vector<1000x8xf32>
    %div3A_16 = arith.divf %div3A_15, %max3A_14 : vector<1000x8xf32>
    %get3A_17 = arith.constant 0 : index
    %get3A_18 = arith.constant 0 : index
    %get3A_19 = vector.load %arg4[%get3A_17, %get3A_18] : memref<8x64xf32, #tpu.memory_space<vmem>>, vector<8x64xf32>
    %dot_general3A = arith.constant dense<0.000000e+00> : vector<1000x64xf32>
    %dot_general3A_20 = tpu.matmul %div3A_16, %get3A_19, %dot_general3A {dimension_numbers = #tpu.dot_dimension_numbers<[1], [0], [0], [1], [0, 0, 1, 1], [], []>, transpose_lhs_hint = false} : vector<1000x8xf32>, vector<8x64xf32>, vector<1000x64xf32> -> vector<1000x64xf32>
    %mul3A = arith.mulf %add3A, %dot_general3A_20 : vector<1000x64xf32>
    %get3A_21 = arith.constant 0 : index
    %get3A_22 = arith.constant 0 : index
    %get3A_23 = vector.load %arg2[%get3A_21, %get3A_22] : memref<1x64xf32, #tpu.memory_space<vmem>>, vector<1x64xf32>
    %add3A_24 = vector.broadcast %get3A_23 : vector<1x64xf32> to vector<1000x64xf32>
    %add3A_25 = arith.addf %mul3A, %add3A_24 : vector<1000x64xf32>
    %max3A_26 = arith.constant 0.000000e+00 : f32
    %max3A_27 = vector.broadcast %max3A_26 : f32 to vector<1000x64xf32>
    %max3A_28 = arith.maximumf %add3A_25, %max3A_27 : vector<1000x64xf32>
    %get3A_29 = arith.constant 0 : index
    %get3A_30 = arith.constant 0 : index
    %get3A_31 = vector.load %arg3[%get3A_29, %get3A_30] : memref<64x336xf32, #tpu.memory_space<vmem>>, vector<64x336xf32>
    %dot_general3A_32 = arith.constant dense<0.000000e+00> : vector<1000x336xf32>
    %dot_general3A_33 = tpu.matmul %max3A_28, %get3A_31, %dot_general3A_32 {dimension_numbers = #tpu.dot_dimension_numbers<[1], [0], [0], [1], [0, 0, 1, 1], [], []>, transpose_lhs_hint = false} : vector<1000x64xf32>, vector<64x336xf32>, vector<1000x336xf32> -> vector<1000x336xf32>
    %slice3A_34 = vector.extract_strided_slice %dot_general3A_33 {offsets = [0, 0], sizes = [1000, 320], strides = [1, 1]} : vector<1000x336xf32> to vector<1000x320xf32>
    %slice3A_35 = vector.extract_strided_slice %dot_general3A_33 {offsets = [0, 320], sizes = [1000, 8], strides = [1, 1]} : vector<1000x336xf32> to vector<1000x8xf32>
    %slice3A_36 = vector.extract_strided_slice %dot_general3A_33 {offsets = [0, 328], sizes = [1000, 8], strides = [1, 1]} : vector<1000x336xf32> to vector<1000x8xf32>
    %broadcast_in_dim3A = arith.constant 0.000000e+00 : f32
    %broadcast_in_dim3A_37 = vector.broadcast %broadcast_in_dim3A : f32 to vector<1000x126xf32>
    %broadcast_in_dim3A_38 = arith.constant 0.000000e+00 : f32
    %broadcast_in_dim3A_39 = vector.broadcast %broadcast_in_dim3A_38 : f32 to vector<1000x46xf32>
    %slice3A_40 = vector.extract_strided_slice %slice3A_34 {offsets = [0, 0], sizes = [1000, 80], strides = [1, 1]} : vector<1000x320xf32> to vector<1000x80xf32>
    %slice3A_41 = vector.extract_strided_slice %slice3A_35 {offsets = [0, 0], sizes = [1000, 2], strides = [1, 1]} : vector<1000x8xf32> to vector<1000x2xf32>
    %concatenate3A = tpu.concatenate %slice3A_40, %slice3A_41, %broadcast_in_dim3A_39 in 1 : vector<1000x80xf32>, vector<1000x2xf32>, vector<1000x46xf32> -> vector<1000x128xf32>
    %swap3A = arith.constant 0 : index
    %swap3A_42 = arith.constant 0 : index
    %swap3A_43 = arith.constant 0 : index
    %swap3A_44 = vector.load %arg5[%swap3A, %swap3A_42, %swap3A_43] : memref<2x1000x128xf32, #tpu.memory_space<vmem>>, vector<1x1000x128xf32>
    %swap3A_45 = vector.shape_cast %swap3A_44 : vector<1x1000x128xf32> to vector<1000x128xf32>
    %swap3A_46 = vector.shape_cast %concatenate3A : vector<1000x128xf32> to vector<1x1000x128xf32>
    tpu.vector_store %arg5[%swap3A, %swap3A_42, %swap3A_43], %swap3A_46 {strides = array<i32>} : memref<2x1000x128xf32, #tpu.memory_space<vmem>>, vector<1x1000x128xf32>,
    %slice3A_47 = vector.extract_strided_slice %slice3A_36 {offsets = [0, 0], sizes = [1000, 2], strides = [1, 1]} : vector<1000x8xf32> to vector<1000x2xf32>
    %concatenate3A_48 = tpu.concatenate %slice3A_47, %broadcast_in_dim3A_37 in 1 : vector<1000x2xf32>, vector<1000x126xf32> -> vector<1000x128xf32>
    %swap3A_49 = arith.constant 0 : index
    %swap3A_50 = arith.constant 0 : index
    %swap3A_51 = arith.constant 0 : index
    %swap3A_52 = vector.load %arg7[%swap3A_49, %swap3A_50, %swap3A_51] : memref<2x1000x128xf32, #tpu.memory_space<vmem>>, vector<1x1000x128xf32>
    %swap3A_53 = vector.shape_cast %swap3A_52 : vector<1x1000x128xf32> to vector<1000x128xf32>
    %swap3A_54 = vector.shape_cast %concatenate3A_48 : vector<1000x128xf32> to vector<1x1000x128xf32>
    tpu.vector_store %arg7[%swap3A_49, %swap3A_50, %swap3A_51], %swap3A_54 {strides = array<i32>} : memref<2x1000x128xf32, #tpu.memory_space<vmem>>, vector<1x1000x128xf32>,
    %slice3A_55 = vector.extract_strided_slice %slice3A_34 {offsets = [0, 80], sizes = [1000, 80], strides = [1, 1]} : vector<1000x320xf32> to vector<1000x80xf32>
    %slice3A_56 = vector.extract_strided_slice %slice3A_35 {offsets = [0, 2], sizes = [1000, 2], strides = [1, 1]} : vector<1000x8xf32> to vector<1000x2xf32>
    %concatenate3A_57 = tpu.concatenate %slice3A_55, %slice3A_56, %broadcast_in_dim3A_39 in 1 : vector<1000x80xf32>, vector<1000x2xf32>, vector<1000x46xf32> -> vector<1000x128xf32>
    %swap3A_58 = arith.constant 1 : index
    %swap3A_59 = arith.constant 0 : index
    %swap3A_60 = arith.constant 0 : index
    %swap3A_61 = vector.load %arg5[%swap3A_58, %swap3A_59, %swap3A_60] : memref<2x1000x128xf32, #tpu.memory_space<vmem>>, vector<1x1000x128xf32>
    %swap3A_62 = vector.shape_cast %swap3A_61 : vector<1x1000x128xf32> to vector<1000x128xf32>
    %swap3A_63 = vector.shape_cast %concatenate3A_57 : vector<1000x128xf32> to vector<1x1000x128xf32>
    tpu.vector_store %arg5[%swap3A_58, %swap3A_59, %swap3A_60], %swap3A_63 {strides = array<i32>} : memref<2x1000x128xf32, #tpu.memory_space<vmem>>, vector<1x1000x128xf32>,
    %slice3A_64 = vector.extract_strided_slice %slice3A_36 {offsets = [0, 2], sizes = [1000, 2], strides = [1, 1]} : vector<1000x8xf32> to vector<1000x2xf32>
    %concatenate3A_65 = tpu.concatenate %slice3A_64, %broadcast_in_dim3A_37 in 1 : vector<1000x2xf32>, vector<1000x126xf32> -> vector<1000x128xf32>
    %swap3A_66 = arith.constant 1 : index
    %swap3A_67 = arith.constant 0 : index
    %swap3A_68 = arith.constant 0 : index
    %swap3A_69 = vector.load %arg7[%swap3A_66, %swap3A_67, %swap3A_68] : memref<2x1000x128xf32, #tpu.memory_space<vmem>>, vector<1x1000x128xf32>
    %swap3A_70 = vector.shape_cast %swap3A_69 : vector<1x1000x128xf32> to vector<1000x128xf32>
    %swap3A_71 = vector.shape_cast %concatenate3A_65 : vector<1000x128xf32> to vector<1x1000x128xf32>
    tpu.vector_store %arg7[%swap3A_66, %swap3A_67, %swap3A_68], %swap3A_71 {strides = array<i32>} : memref<2x1000x128xf32, #tpu.memory_space<vmem>>, vector<1x1000x128xf32>,
    %slice3A_72 = vector.extract_strided_slice %slice3A_34 {offsets = [0, 160], sizes = [1000, 80], strides = [1, 1]} : vector<1000x320xf32> to vector<1000x80xf32>
    %slice3A_73 = vector.extract_strided_slice %slice3A_35 {offsets = [0, 4], sizes = [1000, 2], strides = [1, 1]} : vector<1000x8xf32> to vector<1000x2xf32>
    %concatenate3A_74 = tpu.concatenate %slice3A_72, %slice3A_73, %broadcast_in_dim3A_39 in 1 : vector<1000x80xf32>, vector<1000x2xf32>, vector<1000x46xf32> -> vector<1000x128xf32>
    %swap3A_75 = arith.constant 0 : index
    %swap3A_76 = arith.constant 0 : index
    %swap3A_77 = arith.constant 0 : index
    %swap3A_78 = vector.load %arg6[%swap3A_75, %swap3A_76, %swap3A_77] : memref<2x1000x128xf32, #tpu.memory_space<vmem>>, vector<1x1000x128xf32>
    %swap3A_79 = vector.shape_cast %swap3A_78 : vector<1x1000x128xf32> to vector<1000x128xf32>
    %swap3A_80 = vector.shape_cast %concatenate3A_74 : vector<1000x128xf32> to vector<1x1000x128xf32>
    tpu.vector_store %arg6[%swap3A_75, %swap3A_76, %swap3A_77], %swap3A_80 {strides = array<i32>} : memref<2x1000x128xf32, #tpu.memory_space<vmem>>, vector<1x1000x128xf32>,
    %slice3A_81 = vector.extract_strided_slice %slice3A_36 {offsets = [0, 4], sizes = [1000, 2], strides = [1, 1]} : vector<1000x8xf32> to vector<1000x2xf32>
    %concatenate3A_82 = tpu.concatenate %slice3A_81, %broadcast_in_dim3A_37 in 1 : vector<1000x2xf32>, vector<1000x126xf32> -> vector<1000x128xf32>
    %swap3A_83 = arith.constant 0 : index
    %swap3A_84 = arith.constant 0 : index
    %swap3A_85 = arith.constant 0 : index
    %swap3A_86 = vector.load %arg8[%swap3A_83, %swap3A_84, %swap3A_85] : memref<2x1000x128xf32, #tpu.memory_space<vmem>>, vector<1x1000x128xf32>
    %swap3A_87 = vector.shape_cast %swap3A_86 : vector<1x1000x128xf32> to vector<1000x128xf32>
    %swap3A_88 = vector.shape_cast %concatenate3A_82 : vector<1000x128xf32> to vector<1x1000x128xf32>
    tpu.vector_store %arg8[%swap3A_83, %swap3A_84, %swap3A_85], %swap3A_88 {strides = array<i32>} : memref<2x1000x128xf32, #tpu.memory_space<vmem>>, vector<1x1000x128xf32>,
    %slice3A_89 = vector.extract_strided_slice %slice3A_34 {offsets = [0, 240], sizes = [1000, 80], strides = [1, 1]} : vector<1000x320xf32> to vector<1000x80xf32>
    %slice3A_90 = vector.extract_strided_slice %slice3A_35 {offsets = [0, 6], sizes = [1000, 2], strides = [1, 1]} : vector<1000x8xf32> to vector<1000x2xf32>
    %concatenate3A_91 = tpu.concatenate %slice3A_89, %slice3A_90, %broadcast_in_dim3A_39 in 1 : vector<1000x80xf32>, vector<1000x2xf32>, vector<1000x46xf32> -> vector<1000x128xf32>
    %swap3A_92 = arith.constant 1 : index
    %swap3A_93 = arith.constant 0 : index
    %swap3A_94 = arith.constant 0 : index
    %swap3A_95 = vector.load %arg6[%swap3A_92, %swap3A_93, %swap3A_94] : memref<2x1000x128xf32, #tpu.memory_space<vmem>>, vector<1x1000x128xf32>
    %swap3A_96 = vector.shape_cast %swap3A_95 : vector<1x1000x128xf32> to vector<1000x128xf32>
    %swap3A_97 = vector.shape_cast %concatenate3A_91 : vector<1000x128xf32> to vector<1x1000x128xf32>
    tpu.vector_store %arg6[%swap3A_92, %swap3A_93, %swap3A_94], %swap3A_97 {strides = array<i32>} : memref<2x1000x128xf32, #tpu.memory_space<vmem>>, vector<1x1000x128xf32>,
    %slice3A_98 = vector.extract_strided_slice %slice3A_36 {offsets = [0, 6], sizes = [1000, 2], strides = [1, 1]} : vector<1000x8xf32> to vector<1000x2xf32>
    %concatenate3A_99 = tpu.concatenate %slice3A_98, %broadcast_in_dim3A_37 in 1 : vector<1000x2xf32>, vector<1000x126xf32> -> vector<1000x128xf32>
    %swap3A_100 = arith.constant 1 : index
    %swap3A_101 = arith.constant 0 : index
    %swap3A_102 = arith.constant 0 : index
    %swap3A_103 = vector.load %arg8[%swap3A_100, %swap3A_101, %swap3A_102] : memref<2x1000x128xf32, #tpu.memory_space<vmem>>, vector<1x1000x128xf32>
    %swap3A_104 = vector.shape_cast %swap3A_103 : vector<1x1000x128xf32> to vector<1000x128xf32>
    %swap3A_105 = vector.shape_cast %concatenate3A_99 : vector<1000x128xf32> to vector<1x1000x128xf32>
    tpu.vector_store %arg8[%swap3A_100, %swap3A_101, %swap3A_102], %swap3A_105 {strides = array<i32>} : memref<2x1000x128xf32, #tpu.memory_space<vmem>>, vector<1x1000x128xf32>,
    return
  }
  func.func @transform_0(%arg0: i32) -> (i32, i32, i32) {
    %c0_i32 = arith.constant 0 : i32
    %c0_i32_0 = arith.constant 0 : i32
    %c0_i32_1 = arith.constant 0 : i32
    return %c0_i32, %arg0, %c0_i32_0 : i32, i32, i32
  }
  func.func @transform_1(%arg0: i32) -> (i32, i32) {
    %c0_i32 = arith.constant 0 : i32
    %c0_i32_0 = arith.constant 0 : i32
    %c0_i32_1 = arith.constant 0 : i32
    return %c0_i32, %c0_i32_0 : i32, i32
  }
  func.func @transform_2(%arg0: i32) -> (i32, i32) {
    %c0_i32 = arith.constant 0 : i32
    %c0_i32_0 = arith.constant 0 : i32
    %c0_i32_1 = arith.constant 0 : i32
    return %c0_i32, %c0_i32_0 : i32, i32
  }
  func.func @transform_3(%arg0: i32) -> (i32, i32) {
    %c0_i32 = arith.constant 0 : i32
    %c0_i32_0 = arith.constant 0 : i32
    %c0_i32_1 = arith.constant 0 : i32
    return %c0_i32, %c0_i32_0 : i32, i32
  }
  func.func @transform_4(%arg0: i32) -> (i32, i32, i32) {
    %c0_i32 = arith.constant 0 : i32
    %c0_i32_0 = arith.constant 0 : i32
    %c0_i32_1 = arith.constant 0 : i32
    return %c0_i32, %arg0, %c0_i32_0 : i32, i32, i32
  }
  func.func @transform_5(%arg0: i32) -> (i32, i32, i32) {
    %c0_i32 = arith.constant 0 : i32
    %c0_i32_0 = arith.constant 0 : i32
    %c0_i32_1 = arith.constant 0 : i32
    return %c0_i32, %arg0, %c0_i32_0 : i32, i32, i32
  }
  func.func @transform_6(%arg0: i32) -> (i32, i32, i32) {
    %c0_i32 = arith.constant 0 : i32
    %c0_i32_0 = arith.constant 0 : i32
    %c0_i32_1 = arith.constant 0 : i32
    return %c0_i32, %arg0, %c0_i32_0 : i32, i32, i32
  }
  func.func @transform_7(%arg0: i32) -> (i32, i32, i32) {
    %c0_i32 = arith.constant 0 : i32
    %c0_i32_0 = arith.constant 0 : i32
    %c0_i32_1 = arith.constant 0 : i32
    return %c0_i32, %arg0, %c0_i32_0 : i32, i32, i32
  }
}

module attributes {stable_mosaic.version = 14 : i64} {
  func.func @body(%arg0: i32, %arg1: memref<2x1000x128xf32, #tpu.memory_space<vmem>>, %arg2: memref<2x1000x128xf32, #tpu.memory_space<vmem>>, %arg3: memref<2x80xf32, #tpu.memory_space<vmem>>, %arg4: memref<80x40xf32, #tpu.memory_space<vmem>>, %arg5: memref<1x40xf32, #tpu.memory_space<vmem>>, %arg6: memref<1000x40xf32, #tpu.memory_space<vmem>>) attributes {dimension_semantics = [#tpu.dimension_semantics<arbitrary>], iteration_bounds = array<i64: 10>, scalar_prefetch = 0 : i64, scratch_operands = 0 : i64, tpu.core_type = #tpu.core_type<tc>, window_params = [{transform_indices = @transform_0, window_bounds = array<i64: 2, 1000, 128>}, {transform_indices = @transform_1, window_bounds = array<i64: 2, 1000, 128>}, {pipeline_mode = #tpu.pipeline_mode<synchronous>, transform_indices = @transform_2, window_bounds = array<i64: 2, 80>}, {pipeline_mode = #tpu.pipeline_mode<synchronous>, transform_indices = @transform_3, window_bounds = array<i64: 80, 40>}, {pipeline_mode = #tpu.pipeline_mode<synchronous>, transform_indices = @transform_4, window_bounds = array<i64: 1, 40>}, {transform_indices = @transform_5, window_bounds = array<i64: 1000, 40>}]} {
    %get3A = arith.constant 0 : index
    %get3A_0 = arith.constant 0 : index
    %get3A_1 = arith.constant 0 : index
    %get3A_2 = vector.load %arg1[%get3A, %get3A_0, %get3A_1] : memref<2x1000x128xf32, #tpu.memory_space<vmem>>, vector<1x1000x128xf32>
    %get3A_3 = vector.shape_cast %get3A_2 : vector<1x1000x128xf32> to vector<1000x128xf32>
    %slice3A = vector.extract_strided_slice %get3A_3 {offsets = [0, 0], sizes = [1000, 80], strides = [1, 1]} : vector<1000x128xf32> to vector<1000x80xf32>
    %slice3A_4 = vector.extract_strided_slice %get3A_3 {offsets = [0, 80], sizes = [1000, 2], strides = [1, 1]} : vector<1000x128xf32> to vector<1000x2xf32>
    %max3A = arith.constant 9.99999971E-10 : f32
    %max3A_5 = vector.broadcast %max3A : f32 to vector<1000x2xf32>
    %max3A_6 = arith.maximumf %slice3A_4, %max3A_5 : vector<1000x2xf32>
    %div3A = arith.constant 1.000000e+00 : f32
    %div3A_7 = vector.broadcast %div3A : f32 to vector<1000x2xf32>
    %div3A_8 = arith.divf %div3A_7, %max3A_6 : vector<1000x2xf32>
    %get3A_9 = arith.constant 0 : index
    %get3A_10 = arith.constant 0 : index
    %get3A_11 = vector.load %arg3[%get3A_9, %get3A_10] : memref<2x80xf32, #tpu.memory_space<vmem>>, vector<2x80xf32>
    %dot_general3A = arith.constant dense<0.000000e+00> : vector<1000x80xf32>
    %dot_general3A_12 = tpu.matmul %div3A_8, %get3A_11, %dot_general3A {dimension_numbers = #tpu.dot_dimension_numbers<[1], [0], [0], [1], [0, 0, 1, 1], [], []>, transpose_lhs_hint = false} : vector<1000x2xf32>, vector<2x80xf32>, vector<1000x80xf32> -> vector<1000x80xf32>
    %mul3A = arith.mulf %slice3A, %dot_general3A_12 : vector<1000x80xf32>
    %get3A_13 = arith.constant 0 : index
    %get3A_14 = arith.constant 0 : index
    %get3A_15 = vector.load %arg4[%get3A_13, %get3A_14] : memref<80x40xf32, #tpu.memory_space<vmem>>, vector<80x40xf32>
    %dot_general3A_16 = arith.constant dense<0.000000e+00> : vector<1000x40xf32>
    %dot_general3A_17 = tpu.matmul %mul3A, %get3A_15, %dot_general3A_16 {dimension_numbers = #tpu.dot_dimension_numbers<[1], [0], [0], [1], [0, 0, 1, 1], [], []>, transpose_lhs_hint = false} : vector<1000x80xf32>, vector<80x40xf32>, vector<1000x40xf32> -> vector<1000x40xf32>
    %get3A_18 = arith.constant 1 : index
    %get3A_19 = arith.constant 0 : index
    %get3A_20 = arith.constant 0 : index
    %get3A_21 = vector.load %arg1[%get3A_18, %get3A_19, %get3A_20] : memref<2x1000x128xf32, #tpu.memory_space<vmem>>, vector<1x1000x128xf32>
    %get3A_22 = vector.shape_cast %get3A_21 : vector<1x1000x128xf32> to vector<1000x128xf32>
    %slice3A_23 = vector.extract_strided_slice %get3A_22 {offsets = [0, 0], sizes = [1000, 80], strides = [1, 1]} : vector<1000x128xf32> to vector<1000x80xf32>
    %slice3A_24 = vector.extract_strided_slice %get3A_22 {offsets = [0, 80], sizes = [1000, 2], strides = [1, 1]} : vector<1000x128xf32> to vector<1000x2xf32>
    %max3A_25 = arith.constant 9.99999971E-10 : f32
    %max3A_26 = vector.broadcast %max3A_25 : f32 to vector<1000x2xf32>
    %max3A_27 = arith.maximumf %slice3A_24, %max3A_26 : vector<1000x2xf32>
    %div3A_28 = arith.constant 1.000000e+00 : f32
    %div3A_29 = vector.broadcast %div3A_28 : f32 to vector<1000x2xf32>
    %div3A_30 = arith.divf %div3A_29, %max3A_27 : vector<1000x2xf32>
    %get3A_31 = arith.constant 0 : index
    %get3A_32 = arith.constant 0 : index
    %get3A_33 = vector.load %arg3[%get3A_31, %get3A_32] : memref<2x80xf32, #tpu.memory_space<vmem>>, vector<2x80xf32>
    %dot_general3A_34 = arith.constant dense<0.000000e+00> : vector<1000x80xf32>
    %dot_general3A_35 = tpu.matmul %div3A_30, %get3A_33, %dot_general3A_34 {dimension_numbers = #tpu.dot_dimension_numbers<[1], [0], [0], [1], [0, 0, 1, 1], [], []>, transpose_lhs_hint = false} : vector<1000x2xf32>, vector<2x80xf32>, vector<1000x80xf32> -> vector<1000x80xf32>
    %mul3A_36 = arith.mulf %slice3A_23, %dot_general3A_35 : vector<1000x80xf32>
    %get3A_37 = arith.constant 0 : index
    %get3A_38 = arith.constant 0 : index
    %get3A_39 = vector.load %arg4[%get3A_37, %get3A_38] : memref<80x40xf32, #tpu.memory_space<vmem>>, vector<80x40xf32>
    %dot_general3A_40 = arith.constant dense<0.000000e+00> : vector<1000x40xf32>
    %dot_general3A_41 = tpu.matmul %mul3A_36, %get3A_39, %dot_general3A_40 {dimension_numbers = #tpu.dot_dimension_numbers<[1], [0], [0], [1], [0, 0, 1, 1], [], []>, transpose_lhs_hint = false} : vector<1000x80xf32>, vector<80x40xf32>, vector<1000x40xf32> -> vector<1000x40xf32>
    %add3A = arith.addf %dot_general3A_17, %dot_general3A_41 : vector<1000x40xf32>
    %get3A_42 = arith.constant 0 : index
    %get3A_43 = arith.constant 0 : index
    %get3A_44 = arith.constant 0 : index
    %get3A_45 = vector.load %arg2[%get3A_42, %get3A_43, %get3A_44] : memref<2x1000x128xf32, #tpu.memory_space<vmem>>, vector<1x1000x128xf32>
    %get3A_46 = vector.shape_cast %get3A_45 : vector<1x1000x128xf32> to vector<1000x128xf32>
    %slice3A_47 = vector.extract_strided_slice %get3A_46 {offsets = [0, 0], sizes = [1000, 80], strides = [1, 1]} : vector<1000x128xf32> to vector<1000x80xf32>
    %slice3A_48 = vector.extract_strided_slice %get3A_46 {offsets = [0, 80], sizes = [1000, 2], strides = [1, 1]} : vector<1000x128xf32> to vector<1000x2xf32>
    %max3A_49 = arith.constant 9.99999971E-10 : f32
    %max3A_50 = vector.broadcast %max3A_49 : f32 to vector<1000x2xf32>
    %max3A_51 = arith.maximumf %slice3A_48, %max3A_50 : vector<1000x2xf32>
    %div3A_52 = arith.constant 1.000000e+00 : f32
    %div3A_53 = vector.broadcast %div3A_52 : f32 to vector<1000x2xf32>
    %div3A_54 = arith.divf %div3A_53, %max3A_51 : vector<1000x2xf32>
    %get3A_55 = arith.constant 0 : index
    %get3A_56 = arith.constant 0 : index
    %get3A_57 = vector.load %arg3[%get3A_55, %get3A_56] : memref<2x80xf32, #tpu.memory_space<vmem>>, vector<2x80xf32>
    %dot_general3A_58 = arith.constant dense<0.000000e+00> : vector<1000x80xf32>
    %dot_general3A_59 = tpu.matmul %div3A_54, %get3A_57, %dot_general3A_58 {dimension_numbers = #tpu.dot_dimension_numbers<[1], [0], [0], [1], [0, 0, 1, 1], [], []>, transpose_lhs_hint = false} : vector<1000x2xf32>, vector<2x80xf32>, vector<1000x80xf32> -> vector<1000x80xf32>
    %mul3A_60 = arith.mulf %slice3A_47, %dot_general3A_59 : vector<1000x80xf32>
    %get3A_61 = arith.constant 0 : index
    %get3A_62 = arith.constant 0 : index
    %get3A_63 = vector.load %arg4[%get3A_61, %get3A_62] : memref<80x40xf32, #tpu.memory_space<vmem>>, vector<80x40xf32>
    %dot_general3A_64 = arith.constant dense<0.000000e+00> : vector<1000x40xf32>
    %dot_general3A_65 = tpu.matmul %mul3A_60, %get3A_63, %dot_general3A_64 {dimension_numbers = #tpu.dot_dimension_numbers<[1], [0], [0], [1], [0, 0, 1, 1], [], []>, transpose_lhs_hint = false} : vector<1000x80xf32>, vector<80x40xf32>, vector<1000x40xf32> -> vector<1000x40xf32>
    %add3A_66 = arith.addf %add3A, %dot_general3A_65 : vector<1000x40xf32>
    %get3A_67 = arith.constant 1 : index
    %get3A_68 = arith.constant 0 : index
    %get3A_69 = arith.constant 0 : index
    %get3A_70 = vector.load %arg2[%get3A_67, %get3A_68, %get3A_69] : memref<2x1000x128xf32, #tpu.memory_space<vmem>>, vector<1x1000x128xf32>
    %get3A_71 = vector.shape_cast %get3A_70 : vector<1x1000x128xf32> to vector<1000x128xf32>
    %slice3A_72 = vector.extract_strided_slice %get3A_71 {offsets = [0, 0], sizes = [1000, 80], strides = [1, 1]} : vector<1000x128xf32> to vector<1000x80xf32>
    %slice3A_73 = vector.extract_strided_slice %get3A_71 {offsets = [0, 80], sizes = [1000, 2], strides = [1, 1]} : vector<1000x128xf32> to vector<1000x2xf32>
    %max3A_74 = arith.constant 9.99999971E-10 : f32
    %max3A_75 = vector.broadcast %max3A_74 : f32 to vector<1000x2xf32>
    %max3A_76 = arith.maximumf %slice3A_73, %max3A_75 : vector<1000x2xf32>
    %div3A_77 = arith.constant 1.000000e+00 : f32
    %div3A_78 = vector.broadcast %div3A_77 : f32 to vector<1000x2xf32>
    %div3A_79 = arith.divf %div3A_78, %max3A_76 : vector<1000x2xf32>
    %get3A_80 = arith.constant 0 : index
    %get3A_81 = arith.constant 0 : index
    %get3A_82 = vector.load %arg3[%get3A_80, %get3A_81] : memref<2x80xf32, #tpu.memory_space<vmem>>, vector<2x80xf32>
    %dot_general3A_83 = arith.constant dense<0.000000e+00> : vector<1000x80xf32>
    %dot_general3A_84 = tpu.matmul %div3A_79, %get3A_82, %dot_general3A_83 {dimension_numbers = #tpu.dot_dimension_numbers<[1], [0], [0], [1], [0, 0, 1, 1], [], []>, transpose_lhs_hint = false} : vector<1000x2xf32>, vector<2x80xf32>, vector<1000x80xf32> -> vector<1000x80xf32>
    %mul3A_85 = arith.mulf %slice3A_72, %dot_general3A_84 : vector<1000x80xf32>
    %get3A_86 = arith.constant 0 : index
    %get3A_87 = arith.constant 0 : index
    %get3A_88 = vector.load %arg4[%get3A_86, %get3A_87] : memref<80x40xf32, #tpu.memory_space<vmem>>, vector<80x40xf32>
    %dot_general3A_89 = arith.constant dense<0.000000e+00> : vector<1000x40xf32>
    %dot_general3A_90 = tpu.matmul %mul3A_85, %get3A_88, %dot_general3A_89 {dimension_numbers = #tpu.dot_dimension_numbers<[1], [0], [0], [1], [0, 0, 1, 1], [], []>, transpose_lhs_hint = false} : vector<1000x80xf32>, vector<80x40xf32>, vector<1000x40xf32> -> vector<1000x40xf32>
    %add3A_91 = arith.addf %add3A_66, %dot_general3A_90 : vector<1000x40xf32>
    %mul3A_92 = arith.constant 1.250000e-01 : f32
    %mul3A_93 = vector.broadcast %mul3A_92 : f32 to vector<1000x40xf32>
    %mul3A_94 = arith.mulf %add3A_91, %mul3A_93 : vector<1000x40xf32>
    %get3A_95 = arith.constant 0 : index
    %get3A_96 = arith.constant 0 : index
    %get3A_97 = vector.load %arg5[%get3A_95, %get3A_96] : memref<1x40xf32, #tpu.memory_space<vmem>>, vector<1x40xf32>
    %add3A_98 = vector.broadcast %get3A_97 : vector<1x40xf32> to vector<1000x40xf32>
    %add3A_99 = arith.addf %mul3A_94, %add3A_98 : vector<1000x40xf32>
    %reduce_max3A = arith.constant dense<0xFF800000> : vector<1000xf32>
    %reduce_max3A_100 = vector.multi_reduction <maximumf>, %add3A_99, %reduce_max3A [1] : vector<1000x40xf32> to vector<1000xf32>
    %broadcast_in_dim3A = vector.shape_cast %reduce_max3A_100 : vector<1000xf32> to vector<1000x1xf32>
    %sub3A = vector.broadcast %broadcast_in_dim3A : vector<1000x1xf32> to vector<1000x40xf32>
    %sub3A_101 = arith.subf %add3A_99, %sub3A : vector<1000x40xf32>
    %exp3A = math.exp %sub3A_101 : vector<1000x40xf32>
    %reduce_sum3A = arith.constant dense<0.000000e+00> : vector<1000xf32>
    %reduce_sum3A_102 = vector.multi_reduction <add>, %exp3A, %reduce_sum3A [1] : vector<1000x40xf32> to vector<1000xf32>
    %broadcast_in_dim3A_103 = vector.shape_cast %reduce_sum3A_102 : vector<1000xf32> to vector<1000x1xf32>
    %log3A = math.log %broadcast_in_dim3A_103 : vector<1000x1xf32>
    %sub3A_104 = vector.broadcast %log3A : vector<1000x1xf32> to vector<1000x40xf32>
    %sub3A_105 = arith.subf %sub3A_101, %sub3A_104 : vector<1000x40xf32>
    %swap3A = arith.constant 0 : index
    %swap3A_106 = arith.constant 0 : index
    %swap3A_107 = vector.load %arg6[%swap3A, %swap3A_106] : memref<1000x40xf32, #tpu.memory_space<vmem>>, vector<1000x40xf32>
    tpu.vector_store %arg6[%swap3A, %swap3A_106], %sub3A_105 {strides = array<i32>} : memref<1000x40xf32, #tpu.memory_space<vmem>>, vector<1000x40xf32>,
    return
  }
  func.func @transform_0(%arg0: i32) -> (i32, i32, i32) {
    %c0_i32 = arith.constant 0 : i32
    %c0_i32_0 = arith.constant 0 : i32
    %c0_i32_1 = arith.constant 0 : i32
    return %c0_i32, %arg0, %c0_i32_0 : i32, i32, i32
  }
  func.func @transform_1(%arg0: i32) -> (i32, i32, i32) {
    %c0_i32 = arith.constant 0 : i32
    %c0_i32_0 = arith.constant 0 : i32
    %c0_i32_1 = arith.constant 0 : i32
    return %c0_i32, %arg0, %c0_i32_0 : i32, i32, i32
  }
  func.func @transform_2(%arg0: i32) -> (i32, i32) {
    %c0_i32 = arith.constant 0 : i32
    %c0_i32_0 = arith.constant 0 : i32
    %c0_i32_1 = arith.constant 0 : i32
    return %c0_i32, %c0_i32_0 : i32, i32
  }
  func.func @transform_3(%arg0: i32) -> (i32, i32) {
    %c0_i32 = arith.constant 0 : i32
    %c0_i32_0 = arith.constant 0 : i32
    %c0_i32_1 = arith.constant 0 : i32
    return %c0_i32, %c0_i32_0 : i32, i32
  }
  func.func @transform_4(%arg0: i32) -> (i32, i32) {
    %c0_i32 = arith.constant 0 : i32
    %c0_i32_0 = arith.constant 0 : i32
    %c0_i32_1 = arith.constant 0 : i32
    return %c0_i32, %c0_i32_0 : i32, i32
  }
  func.func @transform_5(%arg0: i32) -> (i32, i32) {
    %c0_i32 = arith.constant 0 : i32
    %c0_i32_0 = arith.constant 0 : i32
    return %arg0, %c0_i32 : i32, i32
  }
}

</mosaic_0001>

<sc_bundles>
// kernel: kernel.10.cloned.1.call-start
scs
__scs_entry_jumppad:
0x0: {  	(pc) =	sbr.rel $0x88, $3  }
0x1: {  	(tag) =	ssettag $0x0;
	lr =	simm.s32 $0x1  }
0x2: {  	[smem:$0x3F90] =	sst lr;
	_ =	strace $0xD0000000  }
0x3: {  	_ = 	snop  }
0x4: {  	_ = 	snop  }
0x5: {  	_ = 	snop  }
0x6: {  	_ = 	snop  }
0x7: {  	_ = 	snop  }
__scs_overlays_trampoline_lowered:
0x8: {  	[smem:$0x3F9F] =	sst s0  }
0x9: {  	[smem:$0x3FA0] =	sst s1  }
0xa: {  	[smem:$0x3FA1] =	sst s2  }
0xb: {  	[smem:$0x3FA2] =	sst s3  }
0xc: {  	[smem:$0x3FA3] =	sst s4  }
0xd: {  	[smem:$0x3FA4] =	sst s5  }
0xe: {  	[smem:$0x3FA5] =	sst s6  }
0xf: {  	[smem:$0x3FA6] =	sst s7  }
0x10: {  	[smem:$0x3FA7] =	sst s8  }
0x11: {  	[smem:$0x3FA8] =	sst s9;
	s0 =	simm.s32 @!p0 $0x0  }
0x12: {  	s1 =	sld [smem:$0x3F8E];
	s0 =	simm.s32 @p0 $0x1  }
0x13: {  	[smem:$0x3FA9] =	sst s0;
	s0 =	simm.s32 @!p1 $0x0  }
0x14: {  	s2 =	sld [smem:$0x3F8D];
	s0 =	simm.s32 @p1 $0x1  }
0x15: {  	[smem:$0x3FAA] =	sst s0;
	s0 =	simm.s32 @!p2 $0x0  }
0x16: {  	s3 =	sld [smem:$0x3FDB];
	s0 =	simm.s32 @p2 $0x1  }
0x17: {  	s4 =	simm.s32 $0x1BF5;
	[smem:$0x3FAC] =	sst s0  }
0x18: {  	s0 =	sld [smem:$0x3F8F];
	_ =	swait.ge [sflag:s4], $0x0  }
0x19: {  	s7 =	sld [smem:$0x3F90]  }
0x1a: {  	s8 =	sadd.s32 $0xFFFFE003, lr  }
0x1b: {  	s9 =	sadd.s32 $0xFFFFFEF7, lr;
	s5 =	simm.s32 $0xFFFFFFFF;
	p2 =	slt.u32 s8, $0xFFFFF086  }
0x1c: {  	p1 =	slt.u32 s9, $0xF7A;
	s5 =	simm.s32 @!p2 $0x0  }
0x1d: {  	s5 =	simm.s32 @p1 $0x1;
	p0 =	seq.s32 s7, s2  }
0x1e: {  	s7 =	smul.u32 @!p0 $0xF7A, s2;
	p2 =	seq.s32 @!p0 s5, $0x0  }
0x1f: {  	s9 =	smul.u32 $0xF7A, s1;
	s8 =	simm.s32 @!p0 $0x1BF5;
	p2 =	por !p2, p0  }
0x20: {  	[sflag:s8] =	ssyncset.s32 @!p0 $0xFFFFF086;
	s6 =	sadd.s32 @!p0 s3, s7;
	s7 =	simm.s32 @!p0 $0x108  }
0x21: {  	s3 =	sadd.s32 s3, s9;
	s6 =	sadd.s32 @!p0 $0x88, s6;
	s7 =	simm.s32 @p2 $0x1082  }
0x22: {  	[simem:s7], [sflag:s8] =	dma.local @!p0 [hbm:s6], $0xF7A  }
0x23: {  	s9 =	sor.u32 $0xD0000000, s2;
	s6 =	simm.s32 $0x108;
	_ =	swait.ge @!p0 [sflag:s8], $0x0  }
0x24: {  	s3 =	sadd.s32 $0x88, s3;
	s6 =	simm.s32 @!p1 $0x1082;
	[sflag:s4] =	ssyncset.s32 $0xFFFFF086  }
0x25: {  	[simem:s6], [sflag:s4] =	dma.local [hbm:s3], $0xF7A  }
0x26: {  	[smem:$0x3F90] =	sst s1;
	(tag) =	ssettag s2;
	_ =	strace s9  }
0x27: {  	s1 =	sld [smem:$0x3FA0]  }
0x28: {  	s2 =	sld [smem:$0x3FA1]  }
0x29: {  	s4 =	sld [smem:$0x3FA3]  }
0x2a: {  	p0 =	seq.s32 s5, $0x0;
	s5 =	sld [smem:$0x3FA4]  }
0x2b: {  	s6 =	sld [smem:$0x3FA5]  }
0x2c: {  	s7 =	sld [smem:$0x3FA6]  }
0x2d: {  	s3 =	simm.s32 $0x108;
	s8 =	sld [smem:$0x3FA7]  }
0x2e: {  	s3 =	simm.s32 @!p0 $0x1082;
	s9 =	sld [smem:$0x3FA8]  }
0x2f: {  	lr =	sadd.s32 s0, s3;
	s0 =	sld [smem:$0x3F9F]  }
0x30: {  	s3 =	sld [smem:$0x3FA2]  }
0x31: {  	[smem:$0x3FAB] =	sst s10  }
0x32: {  	s10 =	sld [smem:$0x3FA9];
	_ =	sdelay $0x3  }
0x33: {  	p0 =	seq.s32 s10, $0x1;
	s10 =	sld [smem:$0x3FAB];
	_ =	sdelay $0x3  }
0x34: {  	[smem:$0x3FAB] =	sst s10  }
0x35: {  	s10 =	sld [smem:$0x3FAA];
	_ =	sdelay $0x3  }
0x36: {  	p1 =	seq.s32 s10, $0x1;
	s10 =	sld [smem:$0x3FAB];
	_ =	sdelay $0x3  }
0x37: {  	[smem:$0x3FAB] =	sst s10  }
0x38: {  	s10 =	sld [smem:$0x3FAC]  }
0x39: {  	_ = 	snop;
	(pc) =	sbr.ind lr, $3  }
0x3a: {  	_ = 	snop  }
0x3b: {  	_ = 	snop  }
0x3c: {  	p2 =	seq.s32 s10, $0x1;
	s10 =	sld [smem:$0x3FAB]  }
0x3d: {  	_ =	shalt  }
0x3e: {  	_ =	shalt  }
0x3f: {  	_ =	shalt  }
0x40: {  	_ =	shalt  }
0x41: {  	_ =	shalt  }
0x42: {  	_ =	shalt  }
0x43: {  	_ =	shalt  }
0x44: {  	_ =	shalt  }
0x45: {  	_ =	shalt  }
0x46: {  	_ =	shalt  }
0x47: {  	_ =	shalt  }
0x48: {  	_ =	shalt  }
0x49: {  	_ =	shalt  }
0x4a: {  	_ =	shalt  }
0x4b: {  	_ =	shalt  }
0x4c: {  	_ =	shalt  }
0x4d: {  	_ =	shalt  }
0x4e: {  	_ =	shalt  }
0x4f: {  	_ =	shalt  }
0x50: {  	_ =	shalt  }
0x51: {  	_ =	shalt  }
0x52: {  	_ =	shalt  }
0x53: {  	_ =	shalt  }
0x54: {  	_ =	shalt  }
0x55: {  	_ =	shalt  }
0x56: {  	_ =	shalt  }
0x57: {  	_ =	shalt  }
0x58: {  	_ =	shalt  }
0x59: {  	_ =	shalt  }
0x5a: {  	_ =	shalt  }
0x5b: {  	_ =	shalt  }
0x5c: {  	_ =	shalt  }
0x5d: {  	_ =	shalt  }
0x5e: {  	_ =	shalt  }
0x5f: {  	_ =	shalt  }
0x60: {  	_ =	shalt  }
0x61: {  	_ =	shalt  }
0x62: {  	_ =	shalt  }
0x63: {  	_ =	shalt  }
0x64: {  	_ =	shalt  }
0x65: {  	_ =	shalt  }
0x66: {  	_ =	shalt  }
0x67: {  	_ =	shalt  }
0x68: {  	_ =	shalt  }
0x69: {  	_ =	shalt  }
0x6a: {  	_ =	shalt  }
0x6b: {  	_ =	shalt  }
0x6c: {  	_ =	shalt  }
0x6d: {  	_ =	shalt  }
0x6e: {  	_ =	shalt  }
0x6f: {  	_ =	shalt  }
0x70: {  	_ =	shalt  }
0x71: {  	_ =	shalt  }
0x72: {  	_ =	shalt  }
0x73: {  	_ =	shalt  }
0x74: {  	_ =	shalt  }
0x75: {  	_ =	shalt  }
0x76: {  	_ =	shalt  }
0x77: {  	_ =	shalt  }
0x78: {  	_ =	shalt  }
0x79: {  	_ =	shalt  }
0x7a: {  	_ =	shalt  }
0x7b: {  	_ =	shalt  }
0x7c: {  	_ =	shalt  }
0x7d: {  	_ =	shalt  }
0x7e: {  	_ =	shalt  }
0x7f: {  	_ =	shalt  }
0x80: {  	_ =	shalt  }
0x81: {  	_ =	shalt  }
0x82: {  	_ =	shalt  }
0x83: {  	_ =	shalt  }
0x84: {  	_ =	shalt  }
0x85: {  	_ =	shalt  }
0x86: {  	_ =	shalt  }
0x87: {  	_ =	shalt  }
.Lfunc_end0:
.L_simem_size_0:
called_computation_lowered:
.L_overlay_start_0:
0x88: {  	s2 =	sld [smem:$0x3FD9]  }
0x89: {  	s3 =	sld [smem:$0x3FFE];
	_ =	sdelay $0x1  }
0x8a: {  	s1 =	srdreg.scid  }
0x8b: {  	s0 =	sand.u32 $0x1, s1  }
0x8c: {  	s17 =	sshll.u32 s0, $0xA;
	s2 =	sadd.s32 s3, s2  }
0x8d: {  	s2 =	sadd.s32 s2, s17  }
0x8e: {  	[smem:$0x3FB7] =	sst s2  }
0x8f: {  	_ = 	snop  }
0x90: {  	s2 =	sld [smem:$0x3FD0];
	(tm) =	ssettm $0x1  }
0x91: {  	s18 =	sld [smem:$0x3FFB];
	_ =	sdelay $0x3  }
0x92: {  	_ =	strace s18  }
0x93: {  	s3 =	sld [smem:$0x3FFC];
	_ =	sdelay $0x3  }
0x94: {  	_ =	strace s3  }
0x95: {  	s3 =	sld [smem:$0x3FFD];
	_ =	sdelay $0x3  }
0x96: {  	_ =	strace s3  }
0x97: {  	_ =	strace $0x8FFFFFFF  }
0x98: {  	s19 =	sld [smem:$0x3FDB];
	_ =	sdelay $0x1  }
0x99: {  	s4 =	simm.s32 $_scs_section_size  }
0x9a: {  	s5 =	simm.s32 $_size__tile_overlayer_lowered;
	s6 =	simm.s32 $_tile_overlayer_lowered  }
0x9b: {  	s22 =	simm.s32 $0x1BFF;
	s21 =	sshll.u32 s6, $0x1;
	s3 =	sadd.s32 s4, s19  }
0x9c: {  	s7 =	simm.s32 $0x0;
	s20 =	sshll.u32 s5, $0x1;
	s5 =	sadd.s32 s21, s3  }
0x9d: {  	[timem:s7], [sflag:s22] =	dma.local [hbm:s5], s20  }
0x9e: {  	_ =	swait.ge [sflag:s22], s20  }
0x9f: {  	s4 =	ssub.s32 $0x0, s20;
	[sflag:s22] =	ssyncset.done $0x0  }
0xa0: {  	[sflag:s22] =	ssyncadd.s32 s4;
	_ =	sdelay $0x1  }
0xa1: {  	s23 =	simm.s32 $0x1B8B  }
0xa2: {  	_ =	swait.ge [sflag:s23], $0x1  }
0xa3: {  	[sflag:s23] =	ssyncset.done $0x0  }
0xa4: {  	s25 =	simm.s32 $0x1B8E;
	s24 =	sld [smem:$0x3FFE];
	[sflag:s23] =	ssyncadd.s32 $0xFFFFFFFF  }
0xa5: {  	s26 =	simm.s32 $execute0_lowered;
	[smem:$0x3FD2] =	sst s25  }
0xa6: {  	s5 =	sshll.u32 s26, $0x1;
	_ =	strace $0x80000046;
	[dreg:$0x1] =	wrdreg $0xFFFFFFFF  }
0xa7: {  	s28 =	simm.s32 $_size_execute0_lowered;
	s3 =	sadd.s32 s3, s5;
	[dreg:$0x0] =	wrdreg $0x0  }
0xa8: {  	s5 =	sshll.u32 s28, $0x1;
	[dreg:$0x2] =	wrdreg s3  }
0xa9: {  	[dreg:$0x3] =	wrdreg s5  }
0xaa: {  	[dreg:$0x4] =	wrdreg $0xC0  }
0xab: {  	_ =	task [dreg:s7], $0x5FFFF  }
0xac: {  	[dreg:$0x1] =	wrdreg $0xFFFFFFFF  }
0xad: {  	[dreg:$0x0] =	wrdreg $0x60  }
0xae: {  	[dreg:$0x2] =	wrdreg s24  }
0xaf: {  	[dreg:$0x3] =	wrdreg s2  }
0xb0: {  	[dreg:$0x4] =	wrdreg $0x51800  }
0xb1: {  	[dreg:$0x5] =	wrdreg $0x9  }
0xb2: {  	_ =	task.clear_ibuf [dreg:s7], $0x6FFFF;
	_ =	strace $0x90000046  }
0xb3: {  	s29 =	simm.s32 $0x9;
	_ =	strace $0x80000048  }
0xb4: {  	_ =	swait.ge [sflag:s29], $0x1  }
0xb5: {  	[sflag:s29] =	ssyncadd.s32 $0xFFFFFFFF  }
0xb6: {  	_ =	strace $0x90000048  }
0xb7: {  	_ =	sfence  }
0xb8: {  	s30 =	sld [smem:$0x0];
	_ =	sdelay $0x2  }
0xb9: {  	s31 =	sshll.u32 s1, $0xD;
	s1 =	sshrl.u32 s1, $0x2  }
0xba: {  	s3 =	sand.u32 $0x4000, s31;
	s1 =	sadd.s32 s1, s30  }
0xbb: {  	s0 =	sor.u32 s3, s0;
	s1 =	sshll.u32 s1, $0x11  }
0xbc: {  	s0 =	sor.u32 s1, s0  }
0xbd: {  	s0 =	sadd.s32 $0x8F2B, s0  }
0xbe: {  	[sflag:s0] =	ssyncadd.remote.s32 $0x1  }
0xbf: {  	_ =	sfence.sel $0xFFFF  }
0xc0: {  	[dreg:$0x0] =	wrdreg $0xFFFFFFFF;
	(pc) =	sbr.abs _section_cstart, $3  }
0xc1: {  	[dreg:$0x1] =	wrdreg $0xFFFFFFFF  }
0xc2: {  	_ =	task.clear_ibuf [dreg:s7], $0x2FFFF;
	_ =	strace $0x9FFFFFFF  }
0xc3: {  	(tm) =	ssettm $0x7FFFFFFF  }
tec
execute0_lowered:
.L_overlay_start_1:
0x0: {  	(tag) =	ssettag $0x1  }
0x1: {  	s8 =	rddreg [dreg:$0x0]  }
0x2: {  	s1 =	rddreg [dreg:$0x1]  }
0x3: {  	s2 =	rddreg [dreg:$0x2]  }
0x4: {  	s0 =	rddreg [dreg:$0x3]  }
0x5: {  	s3 =	simm.s32 $0x0;
	s7 =	srdreg.scid;
	s11 =	stileid.u32  }
0x6: {  	s15 =	simm.s32 $0x180;
	s16 =	simm.s32 $0x1;
	s17 =	simm.s32 $0x100  }
0x7: {  	s18 =	simm.s32 $0x2980;
	s19 =	simm.s32 $0x2;
	[smem:$0x7FF] =	sst s3  }
0x8: {  	s4 =	sadd.s32 $0x4000, s8;
	s5 =	sadd.s32 $0x35000, s8;
	s6 =	sadd.s32 $0xDE00, s8  }
0x9: {  	s9 =	sand.u32 $0x1, s7;
	s13 =	sshll.u32 s11, $0x1;
	s7 =	sadd.s32 $0x5C200, s8  }
0xa: {  	p0 =	sne.s32 s11, $0x0;
	_ =	strace $0x80000047;
	s10 =	smul.u32 $0x27100, s9  }
0xb: {  	s12 =	ssub.s32 $0x2, s9;
	s9 =	sor.u32 s9, s13;
	s11 =	sshrl.u32 @!p0 s2, $0x3  }
0xc: {  	v0 =	vlaneseq.u32;
	s13 =	simm.s32 $0x80;
	s14 =	sshrl.u32 s12, $0x1;
	s10 =	sadd.s32 s10, s8  }
0xd: {  	v0 =	vshrl.u32 v0, $0x3;
	s12 =	ssub.s32 s12, s14;
	s8 =	smul.u32 $0x2710, s9;
	s14 =	simm.s32 $0x50  }
0xe: {  	v1 =	vor.u32 $0x2, v0;
	v2 =	vor.u32 $0x4, v0;
	v3 =	vor.u32 $0x6, v0;
	s9 =	sadd.s32 $0x83400, s10;
	s10 =	smax.u32 s12, $0x1;
	s12 =	simm.s32 $0x3  }
.LBB2_1:
0xf: {  	s20 =	simm.s32 @!p0 $0x1C03  }
0x10: {  	[spmem:s11], [sflag:s20] =	dma.local @!p0 [hbm:s7], $0x27100  }
0x11: {  	s20 =	simm.s32 @!p0 $0x3  }
0x12: {  	_ =	swait.ge @!p0 [sflag:s20], $0x27100  }
0x13: {  	[sflag:s20] =	ssyncset.done @!p0 $0x0  }
0x14: {  	[sflag:s20] =	ssyncadd.s32 @!p0 $0xFFFD8F00  }
0x15: {  	s20 =	simm.s32 $0x0;
	[bflag:$0x0] =	sbarrier.arrive $0xFFFF  }
.LBB2_2:
0x16: {  	s21 =	smul.u32 $0x50, s20;
	_ =	sdelay $0x1  }
0x17: {  	s21 =	sadd.s32 s8, s21  }
0x18: {  	s21 =	sshrl.u32 s21, $0x3  }
0x19: {  	s23 =	simm.s32 $0x0;
	s22 =	sadd.s32 s4, s21  }
0x1a: {  	[tilespmem:s23], [sflag:$0x3] =	stream.linear.gather [hbm4b:s22+s23], $0x50, $0x38;
	[tilespmem:$0x18A00] =	vst v63  }
0x1b: {  	_ =	swait.ge [sflag:s12], $0x50  }
0x1c: {  	[sflag:s12] =	ssyncset.done $0x0  }
0x1d: {  	s21 =	sadd.s32 s1, s21;
	[sflag:s12] =	ssyncadd.s32 $0xFFFFFFB0  }
0x1e: {  	[tilespmem:s13], [sflag:$0x3] =	stream.linear.gather [hbm4b:s21+s23], $0x50, $0x38;
	[tilespmem:$0x18A00] =	vst v63  }
0x1f: {  	_ =	swait.ge [sflag:s12], $0x50  }
0x20: {  	[sflag:s12] =	ssyncset.done $0x0  }
0x21: {  	[sflag:s12] =	ssyncadd.s32 $0xFFFFFFB0  }
0x22: {  	v4 =	vld [tilespmem:$0x80]  }
0x23: {  	v5 =	vld [tilespmem:$0x90]  }
0x24: {  	v6 =	vld [tilespmem:$0xA0]  }
0x25: {  	v7 =	vld [tilespmem:$0xB0]  }
0x26: {  	v8 =	vld [tilespmem:$0xC0]  }
0x27: {  	[tilespmem:$0x100] =	vst v4  }
0x28: {  	[tilespmem:$0x110] =	vst v5  }
0x29: {  	[tilespmem:$0x120] =	vst v6  }
0x2a: {  	[tilespmem:$0x130] =	vst v7  }
0x2b: {  	[tilespmem:$0x140] =	vst v8  }
0x2c: {  	[tilespmem:s15], [sflag:$0x1] =	stream.indirect.gather [hbm4b:s5+s14], $0x80, s23, s14, $0xb8;
	[tilespmem:$0x18A00] =	vst v63  }
0x2d: {  	_ =	swait.ge [sflag:s16], $0x2800  }
0x2e: {  	[sflag:s16] =	ssyncset.done $0x0  }
0x2f: {  	[sflag:s16] =	ssyncadd.s32 $0xFFFFD800  }
0x30: {  	[tilespmem:s18], [sflag:$0x2] =	stream.indirect.gather [hbm4b:s6+s14], $0x80, s17, s14, $0xb8;
	[tilespmem:$0x18A00] =	vst v63  }
0x31: {  	_ =	swait.ge [sflag:s19], $0x2800  }
0x32: {  	[sflag:s19] =	ssyncset.done $0x0  }
0x33: {  	s21 =	simm.s32 $0x0;
	[sflag:s19] =	ssyncadd.s32 $0xFFFFD800  }
0x34: {  	v4 =	vld [tilespmem:s21+$0x2980]  }
0x35: {  	v5 =	vld [tilespmem:s21+$0x1C0];
	_ =	sdelay $0x4  }
0x36: {  	v4 =	vadd.f32 v4, v5;
	_ =	sdelay $0x1  }
0x37: {  	v5 =	vmul.f32 $2.000000030e-01, v4;
	_ =	sdelay $0x1  }
0x38: {  	v4 =	vmax.f32 v4, v5  }
0x39: {  	v5 =	vmul.f32 $1.442695020e+00, v4;
	_ =	sdelay $0x1  }
0x3a: {  	(erf) = vpow2.f32 v5;
	_ =	sdelay $0x4  }
0x3b: {  	v4 =	vld [tilespmem:s21+$0x180]  }
0x3c: {  	s22 =	simm.s32 $0x200;
	s23 =	simm.s32 $0x400;
	v5 =	vld [tilespmem:s21+$0x1A0]  }
.LBB2_3:
0x3d: {  	p1 =	sne.s32 s23, $0x9E00;
	v6 =	vld [tilespmem:s21+$0x1B0]  }
0x3e: {  	v7 =	vld [tilespmem:s21+$0x190]  }
0x3f: {  	s24 =	sshra.s32 s22, $0x2;
	s22 =	smov.u32 s23;
	v8 =	vpop (erf)  }
0x40: {  	v9 =	vld [tilespmem:s24+$0x2980];
	[tilespmem:s21+$0x1C0] =	vst v8;
	v10 =	vperm.xlane v8, v2;
	v11 =	vperm.xlane v8, v3  }
0x41: {  	v13 =	vperm.xlane v8, v0;
	v8 =	vperm.xlane v8, v1;
	v12 =	vld [tilespmem:s24+$0x1C0]  }
0x42: {  	v5 =	vmul.f32 v5, v10;
	v6 =	vmul.f32 v6, v11  }
0x43: {  	v4 =	vmul.f32 v4, v13;
	v7 =	vmul.f32 v7, v8  }
0x44: {  	[tilespmem:s21+$0x1B0] =	vst v6  }
0x45: {  	[tilespmem:s21+$0x1A0] =	vst v5  }
0x46: {  	v5 =	vadd.f32 v9, v12;
	[tilespmem:s21+$0x190] =	vst v7  }
0x47: {  	[tilespmem:s21+$0x180] =	vst v4;
	s21 =	smov.u32 s24  }
0x48: {  	v4 =	vmul.f32 $2.000000030e-01, v5;
	_ =	sdelay $0x1  }
0x49: {  	v4 =	vmax.f32 v5, v4  }
0x4a: {  	v4 =	vmul.f32 $1.442695020e+00, v4;
	_ =	sdelay $0x1  }
0x4b: {  	(erf) = vpow2.f32 v4;
	_ =	sdelay $0x1  }
.Ltmp0:
0x4c: {  	(pc) =	sbr.rel @p1 .LBB2_3-.Ltmp0, $3  }
0x4d: {  	_ =	sdelay $0x1  }
0x4e: {  	v4 =	vld [tilespmem:s21+$0x180]  }
0x4f: {  	s23 =	sadd.s32 $0x200, s23;
	v5 =	vld [tilespmem:s21+$0x1A0]  }
0x50: {  	_ =	sdelay $0x1  }
0x51: {  	s22 =	sshra.s32 s22, $0x2;
	v8 =	vpop (erf)  }
0x52: {  	v9 =	vld [tilespmem:s22+$0x2980];
	[tilespmem:s21+$0x1C0] =	vst v8  }
0x53: {  	v10 =	vld [tilespmem:s22+$0x1C0];
	_ =	sdelay $0x4  }
0x54: {  	v9 =	vadd.f32 v9, v10;
	_ =	sdelay $0x1  }
0x55: {  	v10 =	vmul.f32 $2.000000030e-01, v9  }
0x56: {  	v6 =	vld [tilespmem:s21+$0x1B0]  }
0x57: {  	v9 =	vmax.f32 v9, v10  }
0x58: {  	v7 =	vld [tilespmem:s21+$0x190];
	v9 =	vmul.f32 $1.442695020e+00, v9  }
0x59: {  	v57 =	vperm.xlane v8, v3  }
0x5a: {  	v11 =	vperm.xlane v8, v2;
	(erf) = vpow2.f32 v9  }
0x5b: {  	v58 =	vperm.xlane v8, v1;
	v6 =	vmul.f32 v6, v57  }
0x5c: {  	v8 =	vperm.xlane v8, v0;
	v5 =	vmul.f32 v5, v11  }
0x5d: {  	v7 =	vmul.f32 v7, v58;
	[tilespmem:s21+$0x1B0] =	vst v6  }
0x5e: {  	v4 =	vmul.f32 v4, v8;
	[tilespmem:s21+$0x1A0] =	vst v5  }
0x5f: {  	[tilespmem:s21+$0x190] =	vst v7  }
0x60: {  	[tilespmem:s21+$0x180] =	vst v4  }
0x61: {  	v4 =	vld [tilespmem:s22+$0x1B0]  }
0x62: {  	v5 =	vld [tilespmem:s22+$0x1A0]  }
0x63: {  	v6 =	vld [tilespmem:s22+$0x190];
	v59 =	vpop (erf)  }
0x64: {  	v60 =	vld [tilespmem:s22+$0x180];
	v61 =	vperm.xlane v59, v3  }
0x65: {  	v62 =	vperm.xlane v59, v2  }
0x66: {  	v63 =	vperm.xlane v59, v1;
	v4 =	vmul.f32 v4, v61  }
0x67: {  	[tilespmem:s22+$0x1C0] =	vst v59;
	v7 =	vperm.xlane v59, v0;
	v5 =	vmul.f32 v5, v62  }
0x68: {  	v6 =	vmul.f32 v6, v63;
	[tilespmem:s22+$0x1B0] =	vst v4  }
0x69: {  	s20 =	sadd.s32 $0x1, s20;
	v4 =	vmul.f32 v60, v7;
	[tilespmem:s22+$0x1A0] =	vst v5  }
0x6a: {  	p1 =	sne.s32 s20, $0x7D;
	[tilespmem:s22+$0x190] =	vst v6  }
.Ltmp1:
0x6b: {  	[tilespmem:s22+$0x180] =	vst v4;
	(pc) =	sbr.rel @p1 .LBB2_2-.Ltmp1, $4  }
0x6c: {  	[spmem:s2] =	stream.indirect.scatter.add.f32 [tilespmem:s15], [sflag:$0x3], $0x80, s13, s14, $0xb8;
	[tilespmem:$0x18A00] =	vst v63  }
0x6d: {  	_ =	swait.ge [sflag:s12], $0x2800  }
0x6e: {  	[sflag:s12] =	ssyncset.done $0x0  }
0x6f: {  	[sflag:s12] =	ssyncadd.s32 $0xFFFFD800  }
0x70: {  	[bflag:$0x0] =	sbarrier.arrive $0xFFFF;
	s20 =	simm.s32 @!p0 $0x1C03;
	s3 =	sadd.s32 $0x1, s3  }
0x71: {  	[hbm:s9], [sflag:s20] =	dma.local @!p0 [spmem:s11], $0x27100  }
0x72: {  	p1 =	sne.s32 s3, s10  }
.Ltmp2:
0x73: {  	_ = 	snop;
	(pc) =	sbr.rel @p1 .LBB2_1-.Ltmp2, $4  }
0x74: {  	s20 =	simm.s32 @!p0 $0x3  }
0x75: {  	_ =	swait.ge @!p0 [sflag:s20], $0x27100  }
0x76: {  	[sflag:s20] =	ssyncset.done @!p0 $0x0  }
0x77: {  	[sflag:s20] =	ssyncadd.s32 @!p0 $0xFFFD8F00  }
0x78: {  	_ =	sfence.sel $0x180000  }
0x79: {  	[bflag:$0x0] =	sbarrier.arrive $0xFFFF  }
0x7a: {  	_ =	strace $0x90000047  }
0x7b: {  	s0 =	sadd.s32 @!p0 $0x100000, s0;
	[bflag:$0x2] =	sbarrier.arrive $0xFFFF  }
0x7c: {  	[sflag:s0] =	ssyncadd.tile.s32 @!p0 $0x1;
	_ =	shalt  }
.Lfunc_end2:
_tile_overlayer_lowered:
.L_overlay_start_2:
0x7d: {  	(tag) =	ssettag $0x2  }
0x7e: {  	s0 =	rddreg [dreg:$0x0];
	s2 =	stileid.u32  }
0x7f: {  	s1 =	rddreg [dreg:$0x1];
	p0 =	sne.s32 s2, $0x0  }
0x80: {  	s3 =	rddreg [dreg:$0x2];
	[bflag:$0x3] =	sbarrier.arrive $0xFFFF;
	s2 =	simm.s32 @!p0 $0x1C03  }
0x81: {  	[timem:s3], [sflag:s2] =	dma.local @!p0 [hbm:s0], s1  }
0x82: {  	s0 =	simm.s32 @!p0 $0x3  }
0x83: {  	_ =	swait.ge @!p0 [sflag:s0], s1  }
0x84: {  	s1 =	ssub.s32 @!p0 $0x0, s1;
	[sflag:s0] =	ssyncset.done @!p0 $0x0  }
0x85: {  	[sflag:s0] =	ssyncadd.s32 @!p0 s1  }
0x86: {  	[bflag:$0x3] =	sbarrier.arrive $0xFFFF  }
0x87: {  	_ =	shalt  }

// kernel: kernel.13.cloned.1.call-start
scs
__scs_entry_jumppad:
0x0: {  	(pc) =	sbr.rel $0x88, $3  }
0x1: {  	(tag) =	ssettag $0x0;
	lr =	simm.s32 $0x1  }
0x2: {  	[smem:$0x3F90] =	sst lr;
	_ =	strace $0xD0000000  }
0x3: {  	_ = 	snop  }
0x4: {  	_ = 	snop  }
0x5: {  	_ = 	snop  }
0x6: {  	_ = 	snop  }
0x7: {  	_ = 	snop  }
__scs_overlays_trampoline_lowered:
0x8: {  	[smem:$0x3F9F] =	sst s0  }
0x9: {  	[smem:$0x3FA0] =	sst s1  }
0xa: {  	[smem:$0x3FA1] =	sst s2  }
0xb: {  	[smem:$0x3FA2] =	sst s3  }
0xc: {  	[smem:$0x3FA3] =	sst s4  }
0xd: {  	[smem:$0x3FA4] =	sst s5  }
0xe: {  	[smem:$0x3FA5] =	sst s6  }
0xf: {  	[smem:$0x3FA6] =	sst s7  }
0x10: {  	[smem:$0x3FA7] =	sst s8  }
0x11: {  	[smem:$0x3FA8] =	sst s9;
	s0 =	simm.s32 @!p0 $0x0  }
0x12: {  	s1 =	sld [smem:$0x3F8E];
	s0 =	simm.s32 @p0 $0x1  }
0x13: {  	[smem:$0x3FA9] =	sst s0;
	s0 =	simm.s32 @!p1 $0x0  }
0x14: {  	s2 =	sld [smem:$0x3F8D];
	s0 =	simm.s32 @p1 $0x1  }
0x15: {  	[smem:$0x3FAA] =	sst s0;
	s0 =	simm.s32 @!p2 $0x0  }
0x16: {  	s3 =	sld [smem:$0x3FDB];
	s0 =	simm.s32 @p2 $0x1  }
0x17: {  	s4 =	simm.s32 $0x1BF5;
	[smem:$0x3FAC] =	sst s0  }
0x18: {  	s0 =	sld [smem:$0x3F8F];
	_ =	swait.ge [sflag:s4], $0x0  }
0x19: {  	s7 =	sld [smem:$0x3F90]  }
0x1a: {  	s8 =	sadd.s32 $0xFFFFE003, lr  }
0x1b: {  	s9 =	sadd.s32 $0xFFFFFEF7, lr;
	s5 =	simm.s32 $0xFFFFFFFF;
	p2 =	slt.u32 s8, $0xFFFFF086  }
0x1c: {  	p1 =	slt.u32 s9, $0xF7A;
	s5 =	simm.s32 @!p2 $0x0  }
0x1d: {  	s5 =	simm.s32 @p1 $0x1;
	p0 =	seq.s32 s7, s2  }
0x1e: {  	s7 =	smul.u32 @!p0 $0xF7A, s2;
	p2 =	seq.s32 @!p0 s5, $0x0  }
0x1f: {  	s9 =	smul.u32 $0xF7A, s1;
	s8 =	simm.s32 @!p0 $0x1BF5;
	p2 =	por !p2, p0  }
0x20: {  	[sflag:s8] =	ssyncset.s32 @!p0 $0xFFFFF086;
	s6 =	sadd.s32 @!p0 s3, s7;
	s7 =	simm.s32 @!p0 $0x108  }
0x21: {  	s3 =	sadd.s32 s3, s9;
	s6 =	sadd.s32 @!p0 $0x88, s6;
	s7 =	simm.s32 @p2 $0x1082  }
0x22: {  	[simem:s7], [sflag:s8] =	dma.local @!p0 [hbm:s6], $0xF7A  }
0x23: {  	s9 =	sor.u32 $0xD0000000, s2;
	s6 =	simm.s32 $0x108;
	_ =	swait.ge @!p0 [sflag:s8], $0x0  }
0x24: {  	s3 =	sadd.s32 $0x88, s3;
	s6 =	simm.s32 @!p1 $0x1082;
	[sflag:s4] =	ssyncset.s32 $0xFFFFF086  }
0x25: {  	[simem:s6], [sflag:s4] =	dma.local [hbm:s3], $0xF7A  }
0x26: {  	[smem:$0x3F90] =	sst s1;
	(tag) =	ssettag s2;
	_ =	strace s9  }
0x27: {  	s1 =	sld [smem:$0x3FA0]  }
0x28: {  	s2 =	sld [smem:$0x3FA1]  }
0x29: {  	s4 =	sld [smem:$0x3FA3]  }
0x2a: {  	p0 =	seq.s32 s5, $0x0;
	s5 =	sld [smem:$0x3FA4]  }
0x2b: {  	s6 =	sld [smem:$0x3FA5]  }
0x2c: {  	s7 =	sld [smem:$0x3FA6]  }
0x2d: {  	s3 =	simm.s32 $0x108;
	s8 =	sld [smem:$0x3FA7]  }
0x2e: {  	s3 =	simm.s32 @!p0 $0x1082;
	s9 =	sld [smem:$0x3FA8]  }
0x2f: {  	lr =	sadd.s32 s0, s3;
	s0 =	sld [smem:$0x3F9F]  }
0x30: {  	s3 =	sld [smem:$0x3FA2]  }
0x31: {  	[smem:$0x3FAB] =	sst s10  }
0x32: {  	s10 =	sld [smem:$0x3FA9];
	_ =	sdelay $0x3  }
0x33: {  	p0 =	seq.s32 s10, $0x1;
	s10 =	sld [smem:$0x3FAB];
	_ =	sdelay $0x3  }
0x34: {  	[smem:$0x3FAB] =	sst s10  }
0x35: {  	s10 =	sld [smem:$0x3FAA];
	_ =	sdelay $0x3  }
0x36: {  	p1 =	seq.s32 s10, $0x1;
	s10 =	sld [smem:$0x3FAB];
	_ =	sdelay $0x3  }
0x37: {  	[smem:$0x3FAB] =	sst s10  }
0x38: {  	s10 =	sld [smem:$0x3FAC]  }
0x39: {  	_ = 	snop;
	(pc) =	sbr.ind lr, $3  }
0x3a: {  	_ = 	snop  }
0x3b: {  	_ = 	snop  }
0x3c: {  	p2 =	seq.s32 s10, $0x1;
	s10 =	sld [smem:$0x3FAB]  }
0x3d: {  	_ =	shalt  }
0x3e: {  	_ =	shalt  }
0x3f: {  	_ =	shalt  }
0x40: {  	_ =	shalt  }
0x41: {  	_ =	shalt  }
0x42: {  	_ =	shalt  }
0x43: {  	_ =	shalt  }
0x44: {  	_ =	shalt  }
0x45: {  	_ =	shalt  }
0x46: {  	_ =	shalt  }
0x47: {  	_ =	shalt  }
0x48: {  	_ =	shalt  }
0x49: {  	_ =	shalt  }
0x4a: {  	_ =	shalt  }
0x4b: {  	_ =	shalt  }
0x4c: {  	_ =	shalt  }
0x4d: {  	_ =	shalt  }
0x4e: {  	_ =	shalt  }
0x4f: {  	_ =	shalt  }
0x50: {  	_ =	shalt  }
0x51: {  	_ =	shalt  }
0x52: {  	_ =	shalt  }
0x53: {  	_ =	shalt  }
0x54: {  	_ =	shalt  }
0x55: {  	_ =	shalt  }
0x56: {  	_ =	shalt  }
0x57: {  	_ =	shalt  }
0x58: {  	_ =	shalt  }
0x59: {  	_ =	shalt  }
0x5a: {  	_ =	shalt  }
0x5b: {  	_ =	shalt  }
0x5c: {  	_ =	shalt  }
0x5d: {  	_ =	shalt  }
0x5e: {  	_ =	shalt  }
0x5f: {  	_ =	shalt  }
0x60: {  	_ =	shalt  }
0x61: {  	_ =	shalt  }
0x62: {  	_ =	shalt  }
0x63: {  	_ =	shalt  }
0x64: {  	_ =	shalt  }
0x65: {  	_ =	shalt  }
0x66: {  	_ =	shalt  }
0x67: {  	_ =	shalt  }
0x68: {  	_ =	shalt  }
0x69: {  	_ =	shalt  }
0x6a: {  	_ =	shalt  }
0x6b: {  	_ =	shalt  }
0x6c: {  	_ =	shalt  }
0x6d: {  	_ =	shalt  }
0x6e: {  	_ =	shalt  }
0x6f: {  	_ =	shalt  }
0x70: {  	_ =	shalt  }
0x71: {  	_ =	shalt  }
0x72: {  	_ =	shalt  }
0x73: {  	_ =	shalt  }
0x74: {  	_ =	shalt  }
0x75: {  	_ =	shalt  }
0x76: {  	_ =	shalt  }
0x77: {  	_ =	shalt  }
0x78: {  	_ =	shalt  }
0x79: {  	_ =	shalt  }
0x7a: {  	_ =	shalt  }
0x7b: {  	_ =	shalt  }
0x7c: {  	_ =	shalt  }
0x7d: {  	_ =	shalt  }
0x7e: {  	_ =	shalt  }
0x7f: {  	_ =	shalt  }
0x80: {  	_ =	shalt  }
0x81: {  	_ =	shalt  }
0x82: {  	_ =	shalt  }
0x83: {  	_ =	shalt  }
0x84: {  	_ =	shalt  }
0x85: {  	_ =	shalt  }
0x86: {  	_ =	shalt  }
0x87: {  	_ =	shalt  }
.Lfunc_end0:
.L_simem_size_0:
called_computation.1_lowered:
.L_overlay_start_0:
0x88: {  	s2 =	sld [smem:$0x3FD9]  }
0x89: {  	s3 =	sld [smem:$0x3FFE];
	_ =	sdelay $0x1  }
0x8a: {  	s1 =	srdreg.scid  }
0x8b: {  	s0 =	sand.u32 $0x1, s1  }
0x8c: {  	s17 =	sshll.u32 s0, $0xA;
	s2 =	sadd.s32 s3, s2  }
0x8d: {  	s2 =	sadd.s32 s2, s17  }
0x8e: {  	[smem:$0x3FB7] =	sst s2  }
0x8f: {  	_ = 	snop  }
0x90: {  	s2 =	sld [smem:$0x3FD0];
	(tm) =	ssettm $0x1  }
0x91: {  	s18 =	sld [smem:$0x3FFB];
	_ =	sdelay $0x3  }
0x92: {  	_ =	strace s18  }
0x93: {  	s3 =	sld [smem:$0x3FFC];
	_ =	sdelay $0x3  }
0x94: {  	_ =	strace s3  }
0x95: {  	s3 =	sld [smem:$0x3FFD];
	_ =	sdelay $0x3  }
0x96: {  	_ =	strace s3  }
0x97: {  	_ =	strace $0x8FFFFFFF  }
0x98: {  	s19 =	sld [smem:$0x3FDB];
	_ =	sdelay $0x1  }
0x99: {  	s4 =	simm.s32 $_scs_section_size  }
0x9a: {  	s5 =	simm.s32 $_size__tile_overlayer_lowered;
	s6 =	simm.s32 $_tile_overlayer_lowered  }
0x9b: {  	s22 =	simm.s32 $0x1BFF;
	s21 =	sshll.u32 s6, $0x1;
	s3 =	sadd.s32 s4, s19  }
0x9c: {  	s7 =	simm.s32 $0x0;
	s20 =	sshll.u32 s5, $0x1;
	s5 =	sadd.s32 s21, s3  }
0x9d: {  	[timem:s7], [sflag:s22] =	dma.local [hbm:s5], s20  }
0x9e: {  	_ =	swait.ge [sflag:s22], s20  }
0x9f: {  	s4 =	ssub.s32 $0x0, s20;
	[sflag:s22] =	ssyncset.done $0x0  }
0xa0: {  	[sflag:s22] =	ssyncadd.s32 s4;
	_ =	sdelay $0x1  }
0xa1: {  	s23 =	simm.s32 $0x1B8B  }
0xa2: {  	_ =	swait.ge [sflag:s23], $0x1  }
0xa3: {  	[sflag:s23] =	ssyncset.done $0x0  }
0xa4: {  	s25 =	simm.s32 $0x1B8E;
	s24 =	sld [smem:$0x3FFE];
	[sflag:s23] =	ssyncadd.s32 $0xFFFFFFFF  }
0xa5: {  	s26 =	simm.s32 $execute0_lowered;
	[smem:$0x3FD2] =	sst s25  }
0xa6: {  	s5 =	sshll.u32 s26, $0x1;
	_ =	strace $0x80000049;
	[dreg:$0x1] =	wrdreg $0xFFFFFFFF  }
0xa7: {  	s28 =	simm.s32 $_size_execute0_lowered;
	s3 =	sadd.s32 s3, s5;
	[dreg:$0x0] =	wrdreg $0x0  }
0xa8: {  	s5 =	sshll.u32 s28, $0x1;
	[dreg:$0x2] =	wrdreg s3  }
0xa9: {  	[dreg:$0x3] =	wrdreg s5  }
0xaa: {  	[dreg:$0x4] =	wrdreg $0xC0  }
0xab: {  	_ =	task [dreg:s7], $0x5FFFF  }
0xac: {  	[dreg:$0x1] =	wrdreg $0xFFFFFFFF  }
0xad: {  	[dreg:$0x0] =	wrdreg $0x60  }
0xae: {  	[dreg:$0x2] =	wrdreg s24  }
0xaf: {  	[dreg:$0x3] =	wrdreg s2  }
0xb0: {  	[dreg:$0x4] =	wrdreg $0x51800  }
0xb1: {  	[dreg:$0x5] =	wrdreg $0x9  }
0xb2: {  	_ =	task.clear_ibuf [dreg:s7], $0x6FFFF;
	_ =	strace $0x90000049  }
0xb3: {  	s29 =	simm.s32 $0x9;
	_ =	strace $0x8000004B  }
0xb4: {  	_ =	swait.ge [sflag:s29], $0x1  }
0xb5: {  	[sflag:s29] =	ssyncadd.s32 $0xFFFFFFFF  }
0xb6: {  	_ =	strace $0x9000004B  }
0xb7: {  	_ =	sfence  }
0xb8: {  	s30 =	sld [smem:$0x0];
	_ =	sdelay $0x2  }
0xb9: {  	s31 =	sshll.u32 s1, $0xD;
	s1 =	sshrl.u32 s1, $0x2  }
0xba: {  	s3 =	sand.u32 $0x4000, s31;
	s1 =	sadd.s32 s1, s30  }
0xbb: {  	s0 =	sor.u32 s3, s0;
	s1 =	sshll.u32 s1, $0x11  }
0xbc: {  	s0 =	sor.u32 s1, s0  }
0xbd: {  	s0 =	sadd.s32 $0x8F2B, s0  }
0xbe: {  	[sflag:s0] =	ssyncadd.remote.s32 $0x1  }
0xbf: {  	_ =	sfence.sel $0xFFFF  }
0xc0: {  	[dreg:$0x0] =	wrdreg $0xFFFFFFFF;
	(pc) =	sbr.abs _section_cstart, $3  }
0xc1: {  	[dreg:$0x1] =	wrdreg $0xFFFFFFFF  }
0xc2: {  	_ =	task.clear_ibuf [dreg:s7], $0x2FFFF;
	_ =	strace $0x9FFFFFFF  }
0xc3: {  	(tm) =	ssettm $0x7FFFFFFF  }
tec
execute0_lowered:
.L_overlay_start_1:
0x0: {  	(tag) =	ssettag $0x1  }
0x1: {  	s8 =	rddreg [dreg:$0x0]  }
0x2: {  	s1 =	rddreg [dreg:$0x1]  }
0x3: {  	s2 =	rddreg [dreg:$0x2]  }
0x4: {  	s0 =	rddreg [dreg:$0x3]  }
0x5: {  	s3 =	simm.s32 $0x0;
	s7 =	srdreg.scid;
	s11 =	stileid.u32  }
0x6: {  	s15 =	simm.s32 $0x180;
	s16 =	simm.s32 $0x1;
	s17 =	simm.s32 $0x100  }
0x7: {  	s18 =	simm.s32 $0x2980;
	s19 =	simm.s32 $0x2;
	[smem:$0x7FF] =	sst s3  }
0x8: {  	s4 =	sadd.s32 $0x4000, s8;
	s5 =	sadd.s32 $0xDE00, s8;
	s6 =	sadd.s32 $0x35000, s8  }
0x9: {  	s9 =	sand.u32 $0x1, s7;
	s13 =	sshll.u32 s11, $0x1;
	s7 =	sadd.s32 $0x5C200, s8  }
0xa: {  	p0 =	sne.s32 s11, $0x0;
	_ =	strace $0x8000004A;
	s10 =	smul.u32 $0x27100, s9  }
0xb: {  	s12 =	ssub.s32 $0x2, s9;
	s9 =	sor.u32 s9, s13;
	s11 =	sshrl.u32 @!p0 s2, $0x3  }
0xc: {  	v0 =	vlaneseq.u32;
	s13 =	simm.s32 $0x80;
	s14 =	sshrl.u32 s12, $0x1;
	s10 =	sadd.s32 s10, s8  }
0xd: {  	v0 =	vshrl.u32 v0, $0x3;
	s12 =	ssub.s32 s12, s14;
	s8 =	smul.u32 $0x2710, s9;
	s14 =	simm.s32 $0x50  }
0xe: {  	v1 =	vor.u32 $0x2, v0;
	v2 =	vor.u32 $0x4, v0;
	v3 =	vor.u32 $0x6, v0;
	s9 =	sadd.s32 $0x83400, s10;
	s10 =	smax.u32 s12, $0x1;
	s12 =	simm.s32 $0x3  }
.LBB2_1:
0xf: {  	s20 =	simm.s32 @!p0 $0x1C03  }
0x10: {  	[spmem:s11], [sflag:s20] =	dma.local @!p0 [hbm:s7], $0x27100  }
0x11: {  	s20 =	simm.s32 @!p0 $0x3  }
0x12: {  	_ =	swait.ge @!p0 [sflag:s20], $0x27100  }
0x13: {  	[sflag:s20] =	ssyncset.done @!p0 $0x0  }
0x14: {  	[sflag:s20] =	ssyncadd.s32 @!p0 $0xFFFD8F00  }
0x15: {  	s20 =	simm.s32 $0x0;
	[bflag:$0x0] =	sbarrier.arrive $0xFFFF  }
.LBB2_2:
0x16: {  	s21 =	smul.u32 $0x50, s20;
	_ =	sdelay $0x1  }
0x17: {  	s21 =	sadd.s32 s8, s21  }
0x18: {  	s21 =	sshrl.u32 s21, $0x3  }
0x19: {  	s23 =	simm.s32 $0x0;
	s22 =	sadd.s32 s4, s21  }
0x1a: {  	[tilespmem:s23], [sflag:$0x3] =	stream.linear.gather [hbm4b:s22+s23], $0x50, $0x38;
	[tilespmem:$0x18A00] =	vst v63  }
0x1b: {  	_ =	swait.ge [sflag:s12], $0x50  }
0x1c: {  	[sflag:s12] =	ssyncset.done $0x0  }
0x1d: {  	s21 =	sadd.s32 s1, s21;
	[sflag:s12] =	ssyncadd.s32 $0xFFFFFFB0  }
0x1e: {  	[tilespmem:s13], [sflag:$0x3] =	stream.linear.gather [hbm4b:s21+s23], $0x50, $0x38;
	[tilespmem:$0x18A00] =	vst v63  }
0x1f: {  	_ =	swait.ge [sflag:s12], $0x50  }
0x20: {  	[sflag:s12] =	ssyncset.done $0x0  }
0x21: {  	[sflag:s12] =	ssyncadd.s32 $0xFFFFFFB0  }
0x22: {  	v4 =	vld [tilespmem:$0x80]  }
0x23: {  	v5 =	vld [tilespmem:$0x90]  }
0x24: {  	v6 =	vld [tilespmem:$0xA0]  }
0x25: {  	v7 =	vld [tilespmem:$0xB0]  }
0x26: {  	v8 =	vld [tilespmem:$0xC0]  }
0x27: {  	[tilespmem:$0x100] =	vst v4  }
0x28: {  	[tilespmem:$0x110] =	vst v5  }
0x29: {  	[tilespmem:$0x120] =	vst v6  }
0x2a: {  	[tilespmem:$0x130] =	vst v7  }
0x2b: {  	[tilespmem:$0x140] =	vst v8  }
0x2c: {  	[tilespmem:s15], [sflag:$0x1] =	stream.indirect.gather [hbm4b:s5+s14], $0x80, s23, s14, $0xb8;
	[tilespmem:$0x18A00] =	vst v63  }
0x2d: {  	_ =	swait.ge [sflag:s16], $0x2800  }
0x2e: {  	[sflag:s16] =	ssyncset.done $0x0  }
0x2f: {  	[sflag:s16] =	ssyncadd.s32 $0xFFFFD800  }
0x30: {  	[tilespmem:s18], [sflag:$0x2] =	stream.indirect.gather [hbm4b:s6+s14], $0x80, s17, s14, $0xb8;
	[tilespmem:$0x18A00] =	vst v63  }
0x31: {  	_ =	swait.ge [sflag:s19], $0x2800  }
0x32: {  	[sflag:s19] =	ssyncset.done $0x0  }
0x33: {  	s21 =	simm.s32 $0x0;
	[sflag:s19] =	ssyncadd.s32 $0xFFFFD800  }
0x34: {  	v4 =	vld [tilespmem:s21+$0x2980]  }
0x35: {  	v5 =	vld [tilespmem:s21+$0x1C0];
	_ =	sdelay $0x4  }
0x36: {  	v4 =	vadd.f32 v4, v5;
	_ =	sdelay $0x1  }
0x37: {  	v5 =	vmul.f32 $2.000000030e-01, v4;
	_ =	sdelay $0x1  }
0x38: {  	v4 =	vmax.f32 v4, v5  }
0x39: {  	v5 =	vmul.f32 $1.442695020e+00, v4;
	_ =	sdelay $0x1  }
0x3a: {  	(erf) = vpow2.f32 v5;
	_ =	sdelay $0x4  }
0x3b: {  	v4 =	vld [tilespmem:s21+$0x180]  }
0x3c: {  	s22 =	simm.s32 $0x200;
	s23 =	simm.s32 $0x400;
	v5 =	vld [tilespmem:s21+$0x1A0]  }
.LBB2_3:
0x3d: {  	p1 =	sne.s32 s23, $0x9E00;
	v6 =	vld [tilespmem:s21+$0x1B0]  }
0x3e: {  	v7 =	vld [tilespmem:s21+$0x190]  }
0x3f: {  	s24 =	sshra.s32 s22, $0x2;
	s22 =	smov.u32 s23;
	v8 =	vpop (erf)  }
0x40: {  	v9 =	vld [tilespmem:s24+$0x2980];
	[tilespmem:s21+$0x1C0] =	vst v8;
	v10 =	vperm.xlane v8, v2;
	v11 =	vperm.xlane v8, v3  }
0x41: {  	v13 =	vperm.xlane v8, v0;
	v8 =	vperm.xlane v8, v1;
	v12 =	vld [tilespmem:s24+$0x1C0]  }
0x42: {  	v5 =	vmul.f32 v5, v10;
	v6 =	vmul.f32 v6, v11  }
0x43: {  	v4 =	vmul.f32 v4, v13;
	v7 =	vmul.f32 v7, v8  }
0x44: {  	[tilespmem:s21+$0x1B0] =	vst v6  }
0x45: {  	[tilespmem:s21+$0x1A0] =	vst v5  }
0x46: {  	v5 =	vadd.f32 v9, v12;
	[tilespmem:s21+$0x190] =	vst v7  }
0x47: {  	[tilespmem:s21+$0x180] =	vst v4;
	s21 =	smov.u32 s24  }
0x48: {  	v4 =	vmul.f32 $2.000000030e-01, v5;
	_ =	sdelay $0x1  }
0x49: {  	v4 =	vmax.f32 v5, v4  }
0x4a: {  	v4 =	vmul.f32 $1.442695020e+00, v4;
	_ =	sdelay $0x1  }
0x4b: {  	(erf) = vpow2.f32 v4;
	_ =	sdelay $0x1  }
.Ltmp0:
0x4c: {  	(pc) =	sbr.rel @p1 .LBB2_3-.Ltmp0, $3  }
0x4d: {  	_ =	sdelay $0x1  }
0x4e: {  	v4 =	vld [tilespmem:s21+$0x180]  }
0x4f: {  	s23 =	sadd.s32 $0x200, s23;
	v5 =	vld [tilespmem:s21+$0x1A0]  }
0x50: {  	_ =	sdelay $0x1  }
0x51: {  	s22 =	sshra.s32 s22, $0x2;
	v8 =	vpop (erf)  }
0x52: {  	v9 =	vld [tilespmem:s22+$0x2980];
	[tilespmem:s21+$0x1C0] =	vst v8  }
0x53: {  	v10 =	vld [tilespmem:s22+$0x1C0];
	_ =	sdelay $0x4  }
0x54: {  	v9 =	vadd.f32 v9, v10;
	_ =	sdelay $0x1  }
0x55: {  	v10 =	vmul.f32 $2.000000030e-01, v9  }
0x56: {  	v6 =	vld [tilespmem:s21+$0x1B0]  }
0x57: {  	v9 =	vmax.f32 v9, v10  }
0x58: {  	v7 =	vld [tilespmem:s21+$0x190];
	v9 =	vmul.f32 $1.442695020e+00, v9  }
0x59: {  	v57 =	vperm.xlane v8, v3  }
0x5a: {  	v11 =	vperm.xlane v8, v2;
	(erf) = vpow2.f32 v9  }
0x5b: {  	v58 =	vperm.xlane v8, v1;
	v6 =	vmul.f32 v6, v57  }
0x5c: {  	v8 =	vperm.xlane v8, v0;
	v5 =	vmul.f32 v5, v11  }
0x5d: {  	v7 =	vmul.f32 v7, v58;
	[tilespmem:s21+$0x1B0] =	vst v6  }
0x5e: {  	v4 =	vmul.f32 v4, v8;
	[tilespmem:s21+$0x1A0] =	vst v5  }
0x5f: {  	[tilespmem:s21+$0x190] =	vst v7  }
0x60: {  	[tilespmem:s21+$0x180] =	vst v4  }
0x61: {  	v4 =	vld [tilespmem:s22+$0x1B0]  }
0x62: {  	v5 =	vld [tilespmem:s22+$0x1A0]  }
0x63: {  	v6 =	vld [tilespmem:s22+$0x190];
	v59 =	vpop (erf)  }
0x64: {  	v60 =	vld [tilespmem:s22+$0x180];
	v61 =	vperm.xlane v59, v3  }
0x65: {  	v62 =	vperm.xlane v59, v2  }
0x66: {  	v63 =	vperm.xlane v59, v1;
	v4 =	vmul.f32 v4, v61  }
0x67: {  	[tilespmem:s22+$0x1C0] =	vst v59;
	v7 =	vperm.xlane v59, v0;
	v5 =	vmul.f32 v5, v62  }
0x68: {  	v6 =	vmul.f32 v6, v63;
	[tilespmem:s22+$0x1B0] =	vst v4  }
0x69: {  	s20 =	sadd.s32 $0x1, s20;
	v4 =	vmul.f32 v60, v7;
	[tilespmem:s22+$0x1A0] =	vst v5  }
0x6a: {  	p1 =	sne.s32 s20, $0x7D;
	[tilespmem:s22+$0x190] =	vst v6  }
.Ltmp1:
0x6b: {  	[tilespmem:s22+$0x180] =	vst v4;
	(pc) =	sbr.rel @p1 .LBB2_2-.Ltmp1, $4  }
0x6c: {  	[spmem:s2] =	stream.indirect.scatter.add.f32 [tilespmem:s15], [sflag:$0x3], $0x80, s13, s14, $0xb8;
	[tilespmem:$0x18A00] =	vst v63  }
0x6d: {  	_ =	swait.ge [sflag:s12], $0x2800  }
0x6e: {  	[sflag:s12] =	ssyncset.done $0x0  }
0x6f: {  	[sflag:s12] =	ssyncadd.s32 $0xFFFFD800  }
0x70: {  	[bflag:$0x0] =	sbarrier.arrive $0xFFFF;
	s20 =	simm.s32 @!p0 $0x1C03;
	s3 =	sadd.s32 $0x1, s3  }
0x71: {  	[hbm:s9], [sflag:s20] =	dma.local @!p0 [spmem:s11], $0x27100  }
0x72: {  	p1 =	sne.s32 s3, s10  }
.Ltmp2:
0x73: {  	_ = 	snop;
	(pc) =	sbr.rel @p1 .LBB2_1-.Ltmp2, $4  }
0x74: {  	s20 =	simm.s32 @!p0 $0x3  }
0x75: {  	_ =	swait.ge @!p0 [sflag:s20], $0x27100  }
0x76: {  	[sflag:s20] =	ssyncset.done @!p0 $0x0  }
0x77: {  	[sflag:s20] =	ssyncadd.s32 @!p0 $0xFFFD8F00  }
0x78: {  	_ =	sfence.sel $0x180000  }
0x79: {  	[bflag:$0x0] =	sbarrier.arrive $0xFFFF  }
0x7a: {  	_ =	strace $0x9000004A  }
0x7b: {  	s0 =	sadd.s32 @!p0 $0x100000, s0;
	[bflag:$0x2] =	sbarrier.arrive $0xFFFF  }
0x7c: {  	[sflag:s0] =	ssyncadd.tile.s32 @!p0 $0x1;
	_ =	shalt  }
.Lfunc_end2:
_tile_overlayer_lowered:
.L_overlay_start_2:
0x7d: {  	(tag) =	ssettag $0x2  }
0x7e: {  	s0 =	rddreg [dreg:$0x0];
	s2 =	stileid.u32  }
0x7f: {  	s1 =	rddreg [dreg:$0x1];
	p0 =	sne.s32 s2, $0x0  }
0x80: {  	s3 =	rddreg [dreg:$0x2];
	[bflag:$0x3] =	sbarrier.arrive $0xFFFF;
	s2 =	simm.s32 @!p0 $0x1C03  }
0x81: {  	[timem:s3], [sflag:s2] =	dma.local @!p0 [hbm:s0], s1  }
0x82: {  	s0 =	simm.s32 @!p0 $0x3  }
0x83: {  	_ =	swait.ge @!p0 [sflag:s0], s1  }
0x84: {  	s1 =	ssub.s32 @!p0 $0x0, s1;
	[sflag:s0] =	ssyncset.done @!p0 $0x0  }
0x85: {  	[sflag:s0] =	ssyncadd.s32 @!p0 s1  }
0x86: {  	[bflag:$0x3] =	sbarrier.arrive $0xFFFF  }
0x87: {  	_ =	shalt  }

// kernel: kernel.16.cloned.1.call-start
scs
__scs_entry_jumppad:
0x0: {  	(pc) =	sbr.rel $0x88, $3  }
0x1: {  	(tag) =	ssettag $0x0;
	lr =	simm.s32 $0x1  }
0x2: {  	[smem:$0x3F90] =	sst lr;
	_ =	strace $0xD0000000  }
0x3: {  	_ = 	snop  }
0x4: {  	_ = 	snop  }
0x5: {  	_ = 	snop  }
0x6: {  	_ = 	snop  }
0x7: {  	_ = 	snop  }
__scs_overlays_trampoline_lowered:
0x8: {  	[smem:$0x3F9F] =	sst s0  }
0x9: {  	[smem:$0x3FA0] =	sst s1  }
0xa: {  	[smem:$0x3FA1] =	sst s2  }
0xb: {  	[smem:$0x3FA2] =	sst s3  }
0xc: {  	[smem:$0x3FA3] =	sst s4  }
0xd: {  	[smem:$0x3FA4] =	sst s5  }
0xe: {  	[smem:$0x3FA5] =	sst s6  }
0xf: {  	[smem:$0x3FA6] =	sst s7  }
0x10: {  	[smem:$0x3FA7] =	sst s8  }
0x11: {  	[smem:$0x3FA8] =	sst s9;
	s0 =	simm.s32 @!p0 $0x0  }
0x12: {  	s1 =	sld [smem:$0x3F8E];
	s0 =	simm.s32 @p0 $0x1  }
0x13: {  	[smem:$0x3FA9] =	sst s0;
	s0 =	simm.s32 @!p1 $0x0  }
0x14: {  	s2 =	sld [smem:$0x3F8D];
	s0 =	simm.s32 @p1 $0x1  }
0x15: {  	[smem:$0x3FAA] =	sst s0;
	s0 =	simm.s32 @!p2 $0x0  }
0x16: {  	s3 =	sld [smem:$0x3FDB];
	s0 =	simm.s32 @p2 $0x1  }
0x17: {  	s4 =	simm.s32 $0x1BF5;
	[smem:$0x3FAC] =	sst s0  }
0x18: {  	s0 =	sld [smem:$0x3F8F];
	_ =	swait.ge [sflag:s4], $0x0  }
0x19: {  	s7 =	sld [smem:$0x3F90]  }
0x1a: {  	s8 =	sadd.s32 $0xFFFFE003, lr  }
0x1b: {  	s9 =	sadd.s32 $0xFFFFFEF7, lr;
	s5 =	simm.s32 $0xFFFFFFFF;
	p2 =	slt.u32 s8, $0xFFFFF086  }
0x1c: {  	p1 =	slt.u32 s9, $0xF7A;
	s5 =	simm.s32 @!p2 $0x0  }
0x1d: {  	s5 =	simm.s32 @p1 $0x1;
	p0 =	seq.s32 s7, s2  }
0x1e: {  	s7 =	smul.u32 @!p0 $0xF7A, s2;
	p2 =	seq.s32 @!p0 s5, $0x0  }
0x1f: {  	s9 =	smul.u32 $0xF7A, s1;
	s8 =	simm.s32 @!p0 $0x1BF5;
	p2 =	por !p2, p0  }
0x20: {  	[sflag:s8] =	ssyncset.s32 @!p0 $0xFFFFF086;
	s6 =	sadd.s32 @!p0 s3, s7;
	s7 =	simm.s32 @!p0 $0x108  }
0x21: {  	s3 =	sadd.s32 s3, s9;
	s6 =	sadd.s32 @!p0 $0x88, s6;
	s7 =	simm.s32 @p2 $0x1082  }
0x22: {  	[simem:s7], [sflag:s8] =	dma.local @!p0 [hbm:s6], $0xF7A  }
0x23: {  	s9 =	sor.u32 $0xD0000000, s2;
	s6 =	simm.s32 $0x108;
	_ =	swait.ge @!p0 [sflag:s8], $0x0  }
0x24: {  	s3 =	sadd.s32 $0x88, s3;
	s6 =	simm.s32 @!p1 $0x1082;
	[sflag:s4] =	ssyncset.s32 $0xFFFFF086  }
0x25: {  	[simem:s6], [sflag:s4] =	dma.local [hbm:s3], $0xF7A  }
0x26: {  	[smem:$0x3F90] =	sst s1;
	(tag) =	ssettag s2;
	_ =	strace s9  }
0x27: {  	s1 =	sld [smem:$0x3FA0]  }
0x28: {  	s2 =	sld [smem:$0x3FA1]  }
0x29: {  	s4 =	sld [smem:$0x3FA3]  }
0x2a: {  	p0 =	seq.s32 s5, $0x0;
	s5 =	sld [smem:$0x3FA4]  }
0x2b: {  	s6 =	sld [smem:$0x3FA5]  }
0x2c: {  	s7 =	sld [smem:$0x3FA6]  }
0x2d: {  	s3 =	simm.s32 $0x108;
	s8 =	sld [smem:$0x3FA7]  }
0x2e: {  	s3 =	simm.s32 @!p0 $0x1082;
	s9 =	sld [smem:$0x3FA8]  }
0x2f: {  	lr =	sadd.s32 s0, s3;
	s0 =	sld [smem:$0x3F9F]  }
0x30: {  	s3 =	sld [smem:$0x3FA2]  }
0x31: {  	[smem:$0x3FAB] =	sst s10  }
0x32: {  	s10 =	sld [smem:$0x3FA9];
	_ =	sdelay $0x3  }
0x33: {  	p0 =	seq.s32 s10, $0x1;
	s10 =	sld [smem:$0x3FAB];
	_ =	sdelay $0x3  }
0x34: {  	[smem:$0x3FAB] =	sst s10  }
0x35: {  	s10 =	sld [smem:$0x3FAA];
	_ =	sdelay $0x3  }
0x36: {  	p1 =	seq.s32 s10, $0x1;
	s10 =	sld [smem:$0x3FAB];
	_ =	sdelay $0x3  }
0x37: {  	[smem:$0x3FAB] =	sst s10  }
0x38: {  	s10 =	sld [smem:$0x3FAC]  }
0x39: {  	_ = 	snop;
	(pc) =	sbr.ind lr, $3  }
0x3a: {  	_ = 	snop  }
0x3b: {  	_ = 	snop  }
0x3c: {  	p2 =	seq.s32 s10, $0x1;
	s10 =	sld [smem:$0x3FAB]  }
0x3d: {  	_ =	shalt  }
0x3e: {  	_ =	shalt  }
0x3f: {  	_ =	shalt  }
0x40: {  	_ =	shalt  }
0x41: {  	_ =	shalt  }
0x42: {  	_ =	shalt  }
0x43: {  	_ =	shalt  }
0x44: {  	_ =	shalt  }
0x45: {  	_ =	shalt  }
0x46: {  	_ =	shalt  }
0x47: {  	_ =	shalt  }
0x48: {  	_ =	shalt  }
0x49: {  	_ =	shalt  }
0x4a: {  	_ =	shalt  }
0x4b: {  	_ =	shalt  }
0x4c: {  	_ =	shalt  }
0x4d: {  	_ =	shalt  }
0x4e: {  	_ =	shalt  }
0x4f: {  	_ =	shalt  }
0x50: {  	_ =	shalt  }
0x51: {  	_ =	shalt  }
0x52: {  	_ =	shalt  }
0x53: {  	_ =	shalt  }
0x54: {  	_ =	shalt  }
0x55: {  	_ =	shalt  }
0x56: {  	_ =	shalt  }
0x57: {  	_ =	shalt  }
0x58: {  	_ =	shalt  }
0x59: {  	_ =	shalt  }
0x5a: {  	_ =	shalt  }
0x5b: {  	_ =	shalt  }
0x5c: {  	_ =	shalt  }
0x5d: {  	_ =	shalt  }
0x5e: {  	_ =	shalt  }
0x5f: {  	_ =	shalt  }
0x60: {  	_ =	shalt  }
0x61: {  	_ =	shalt  }
0x62: {  	_ =	shalt  }
0x63: {  	_ =	shalt  }
0x64: {  	_ =	shalt  }
0x65: {  	_ =	shalt  }
0x66: {  	_ =	shalt  }
0x67: {  	_ =	shalt  }
0x68: {  	_ =	shalt  }
0x69: {  	_ =	shalt  }
0x6a: {  	_ =	shalt  }
0x6b: {  	_ =	shalt  }
0x6c: {  	_ =	shalt  }
0x6d: {  	_ =	shalt  }
0x6e: {  	_ =	shalt  }
0x6f: {  	_ =	shalt  }
0x70: {  	_ =	shalt  }
0x71: {  	_ =	shalt  }
0x72: {  	_ =	shalt  }
0x73: {  	_ =	shalt  }
0x74: {  	_ =	shalt  }
0x75: {  	_ =	shalt  }
0x76: {  	_ =	shalt  }
0x77: {  	_ =	shalt  }
0x78: {  	_ =	shalt  }
0x79: {  	_ =	shalt  }
0x7a: {  	_ =	shalt  }
0x7b: {  	_ =	shalt  }
0x7c: {  	_ =	shalt  }
0x7d: {  	_ =	shalt  }
0x7e: {  	_ =	shalt  }
0x7f: {  	_ =	shalt  }
0x80: {  	_ =	shalt  }
0x81: {  	_ =	shalt  }
0x82: {  	_ =	shalt  }
0x83: {  	_ =	shalt  }
0x84: {  	_ =	shalt  }
0x85: {  	_ =	shalt  }
0x86: {  	_ =	shalt  }
0x87: {  	_ =	shalt  }
.Lfunc_end0:
.L_simem_size_0:
called_computation.2_lowered:
.L_overlay_start_0:
0x88: {  	s2 =	sld [smem:$0x3FD9]  }
0x89: {  	s3 =	sld [smem:$0x3FFE];
	_ =	sdelay $0x1  }
0x8a: {  	s1 =	srdreg.scid  }
0x8b: {  	s0 =	sand.u32 $0x1, s1  }
0x8c: {  	s17 =	sshll.u32 s0, $0xA;
	s2 =	sadd.s32 s3, s2  }
0x8d: {  	s2 =	sadd.s32 s2, s17  }
0x8e: {  	[smem:$0x3FB7] =	sst s2  }
0x8f: {  	_ = 	snop  }
0x90: {  	s18 =	sld [smem:$0x3FD0];
	(tm) =	ssettm $0x1  }
0x91: {  	s19 =	sld [smem:$0x3FFB];
	_ =	sdelay $0x3  }
0x92: {  	_ =	strace s19  }
0x93: {  	s2 =	sld [smem:$0x3FFC];
	_ =	sdelay $0x3  }
0x94: {  	_ =	strace s2  }
0x95: {  	s2 =	sld [smem:$0x3FFD];
	_ =	sdelay $0x3  }
0x96: {  	_ =	strace s2  }
0x97: {  	_ =	strace $0x8FFFFFFF  }
0x98: {  	s20 =	sld [smem:$0x3FDB];
	_ =	sdelay $0x1  }
0x99: {  	s4 =	simm.s32 $_scs_section_size  }
0x9a: {  	s5 =	simm.s32 $_size__tile_overlayer_lowered;
	s6 =	simm.s32 $_tile_overlayer_lowered  }
0x9b: {  	s7 =	simm.s32 $0x1BFF;
	s21 =	sshll.u32 s6, $0x1;
	s4 =	sadd.s32 s4, s20  }
0x9c: {  	s22 =	simm.s32 $0x0;
	s5 =	sshll.u32 s5, $0x1;
	s6 =	sadd.s32 s21, s4  }
0x9d: {  	[timem:s22], [sflag:s7] =	dma.local [hbm:s6], s5  }
0x9e: {  	_ =	swait.ge [sflag:s7], s5  }
0x9f: {  	s5 =	ssub.s32 $0x0, s5;
	[sflag:s7] =	ssyncset.done $0x0  }
0xa0: {  	[sflag:s7] =	ssyncadd.s32 s5;
	_ =	sdelay $0x1  }
0xa1: {  	s23 =	simm.s32 $0x1B8B  }
0xa2: {  	_ =	swait.ge [sflag:s23], $0x1  }
0xa3: {  	[sflag:s23] =	ssyncset.done $0x0  }
0xa4: {  	[sflag:s23] =	ssyncadd.s32 $0xFFFFFFFF  }
0xa5: {  	s5 =	sld [smem:$0x0]  }
0xa6: {  	s6 =	sand.u32 $0xFFFFFFFE, s1  }
0xa7: {  	p0 =	sne.s32 s1, s6  }
0xa8: {  	s6 =	sshll.u32 @p0 s6, $0xE  }
0xa9: {  	s6 =	sadd.s32 @p0 $0x11B8D, s6;
	s7 =	sshll.u32 @p0 s5, $0x11  }
0xaa: {  	s6 =	sor.u32 @p0 s7, s6  }
0xab: {  	[sflag:s6] =	ssyncadd.remote.s32 @p0 $0x1;
	_ =	sdelay $0x1  }
0xac: {  	s6 =	simm.s32 @p0 $0x1B8D  }
0xad: {  	_ =	swait.eq @p0 [sflag:s6], $0x1  }
0xae: {  	[sflag:s6] =	ssyncadd.s32 @p0 $0xFFFFFFFF  }
0xaf: {  	s7 =	sshll.u32 @!p0 s1, $0xE  }
0xb0: {  	s7 =	sor.u32 @!p0 $0x4000, s7;
	s6 =	simm.s32 @!p0 $0x1B8D  }
0xb1: {  	s5 =	sshll.u32 @!p0 s5, $0x11;
	s7 =	sadd.s32 @!p0 $0x11B8D, s7;
	_ =	swait.eq @!p0 [sflag:s6], $0x1  }
0xb2: {  	s5 =	sor.u32 @!p0 s5, s7;
	[sflag:s6] =	ssyncadd.s32 @!p0 $0xFFFFFFFF  }
0xb3: {  	s25 =	simm.s32 $0x1B8E;
	s24 =	sld [smem:$0x3FFE];
	[sflag:s5] =	ssyncadd.remote.s32 @!p0 $0x1  }
0xb4: {  	s26 =	simm.s32 $execute0_lowered;
	[smem:$0x3FD2] =	sst s25  }
0xb5: {  	s6 =	sshll.u32 s26, $0x1;
	_ =	strace $0x8000004F;
	[dreg:$0x1] =	wrdreg $0xFFFFFFFF  }
0xb6: {  	s28 =	simm.s32 $_size_execute0_lowered;
	s4 =	sadd.s32 s4, s6;
	[dreg:$0x0] =	wrdreg $0x0  }
0xb7: {  	s6 =	sshll.u32 s28, $0x1;
	[dreg:$0x2] =	wrdreg s4  }
0xb8: {  	[dreg:$0x3] =	wrdreg s6  }
0xb9: {  	[dreg:$0x4] =	wrdreg $0xC0  }
0xba: {  	_ =	task [dreg:s22], $0x5FFFF  }
0xbb: {  	[dreg:$0x1] =	wrdreg $0xFFFFFFFF  }
0xbc: {  	[dreg:$0x0] =	wrdreg $0x60  }
0xbd: {  	[dreg:$0x2] =	wrdreg s24  }
0xbe: {  	[dreg:$0x3] =	wrdreg s18  }
0xbf: {  	[dreg:$0x4] =	wrdreg $0x51800  }
0xc0: {  	[dreg:$0x5] =	wrdreg $0x9  }
0xc1: {  	_ =	task.clear_ibuf [dreg:s22], $0x6FFFF;
	_ =	strace $0x9000004F  }
0xc2: {  	s29 =	simm.s32 $0x9;
	_ =	strace $0x80000051  }
0xc3: {  	_ =	swait.ge [sflag:s29], $0x1  }
0xc4: {  	[sflag:s29] =	ssyncadd.s32 $0xFFFFFFFF  }
0xc5: {  	_ =	strace $0x90000051  }
0xc6: {  	_ =	sfence  }
0xc7: {  	s30 =	sld [smem:$0x0];
	_ =	sdelay $0x2  }
0xc8: {  	s31 =	sshll.u32 s1, $0xD;
	s1 =	sshrl.u32 s1, $0x2  }
0xc9: {  	s4 =	sand.u32 $0x4000, s31;
	s1 =	sadd.s32 s1, s30  }
0xca: {  	s0 =	sor.u32 s4, s0;
	s1 =	sshll.u32 s1, $0x11  }
0xcb: {  	s0 =	sor.u32 s1, s0  }
0xcc: {  	s0 =	sadd.s32 $0x8F2B, s0  }
0xcd: {  	[sflag:s0] =	ssyncadd.remote.s32 $0x1  }
0xce: {  	_ =	sfence.sel $0xFFFF  }
0xcf: {  	[dreg:$0x0] =	wrdreg $0xFFFFFFFF;
	(pc) =	sbr.abs _section_cstart, $3  }
0xd0: {  	[dreg:$0x1] =	wrdreg $0xFFFFFFFF  }
0xd1: {  	_ =	task.clear_ibuf [dreg:s22], $0x2FFFF;
	_ =	strace $0x9FFFFFFF  }
0xd2: {  	(tm) =	ssettm $0x7FFFFFFF  }
0xd3: {  	_ =	shalt  }
tec
execute0_lowered:
.L_overlay_start_1:
0x0: {  	(tag) =	ssettag $0x1  }
0x1: {  	s9 =	rddreg [dreg:$0x0]  }
0x2: {  	s1 =	rddreg [dreg:$0x1]  }
0x3: {  	s2 =	rddreg [dreg:$0x2]  }
0x4: {  	s0 =	rddreg [dreg:$0x3];
	s3 =	simm.s32 $0x0;
	s7 =	srdreg.scid  }
0x5: {  	s12 =	stileid.u32;
	s15 =	simm.s32 $0x180;
	s16 =	simm.s32 $0x1  }
0x6: {  	s17 =	simm.s32 $0x100;
	s18 =	simm.s32 $0x2980;
	s19 =	simm.s32 $0x2  }
0x7: {  	[smem:$0x7FF] =	sst s3;
	s4 =	sadd.s32 $0x4000, s9;
	s5 =	sadd.s32 $0x11F800, s9  }
0x8: {  	s6 =	sadd.s32 $0xD1600, s9;
	s10 =	sand.u32 $0x1, s7;
	s8 =	smul.u32 $0x4E20, s12  }
0x9: {  	s7 =	sadd.s32 $0x5C200, s9;
	p0 =	sne.s32 s12, $0x0;
	s11 =	smul.u32 $0x27100, s10  }
0xa: {  	s12 =	simm.s32 $0x3;
	_ =	strace $0x80000050;
	s13 =	ssub.s32 $0x2, s10  }
0xb: {  	s31 =	smul.u32 $0x2710, s10;
	s14 =	sshrl.u32 s13, $0x1;
	s9 =	sadd.s32 s11, s9  }
0xc: {  	v2 =	vlaneseq.u32;
	v1 =	vimm.s32 $0x0;
	s30 =	ssub.s32 s13, s14;
	s11 =	sshrl.u32 @!p0 s2, $0x3;
	s13 =	simm.s32 $0x80  }
0xd: {  	v3 =	vimm.s32 $0x1;
	v2 =	vshrl.u32 v2, $0x3;
	v0 =	vmov s31;
	s14 =	simm.s32 $0x50;
	s9 =	sadd.s32 $0x1BBC00, s9;
	s10 =	smax.u32 s30, $0x1  }
.LBB2_1:
0xe: {  	s20 =	simm.s32 @!p0 $0x1C03  }
0xf: {  	[spmem:s11], [sflag:s20] =	dma.local @!p0 [hbm:s7], $0x27100  }
0x10: {  	s20 =	simm.s32 @!p0 $0x3  }
0x11: {  	_ =	swait.ge @!p0 [sflag:s20], $0x27100  }
0x12: {  	[sflag:s20] =	ssyncset.done @!p0 $0x0  }
0x13: {  	[sflag:s20] =	ssyncadd.s32 @!p0 $0xFFFD8F00  }
0x14: {  	s20 =	simm.s32 $0x0;
	[bflag:$0x0] =	sbarrier.arrive $0xFFFF  }
.LBB2_2:
0x15: {  	s21 =	smul.u32 $0x50, s20;
	_ =	sdelay $0x1  }
0x16: {  	s21 =	sadd.s32 s8, s21  }
0x17: {  	s21 =	sshrl.u32 s21, $0x3  }
0x18: {  	s23 =	simm.s32 $0x0;
	s22 =	sadd.s32 s4, s21  }
0x19: {  	[tilespmem:s23], [sflag:$0x3] =	stream.linear.gather [hbm4b:s22+s23], $0x50, $0x38;
	[tilespmem:$0x18A00] =	vst v63  }
0x1a: {  	_ =	swait.ge [sflag:s12], $0x50  }
0x1b: {  	[sflag:s12] =	ssyncset.done $0x0  }
0x1c: {  	s21 =	sadd.s32 s1, s21;
	[sflag:s12] =	ssyncadd.s32 $0xFFFFFFB0  }
0x1d: {  	[tilespmem:s13], [sflag:$0x3] =	stream.linear.gather [hbm4b:s21+s23], $0x50, $0x38;
	[tilespmem:$0x18A00] =	vst v63  }
0x1e: {  	_ =	swait.ge [sflag:s12], $0x50  }
0x1f: {  	[sflag:s12] =	ssyncset.done $0x0  }
0x20: {  	[sflag:s12] =	ssyncadd.s32 $0xFFFFFFB0  }
0x21: {  	v4 =	vld [tilespmem:$0x0]  }
0x22: {  	v5 =	vld [tilespmem:$0x80]  }
0x23: {  	v6 =	vld [tilespmem:$0x10]  }
0x24: {  	v7 =	vld [tilespmem:$0x90]  }
0x25: {  	v8 =	vld [tilespmem:$0x20]  }
0x26: {  	v9 =	vld [tilespmem:$0xA0];
	v4 =	vadd.s32 v0, v4  }
0x27: {  	[tilespmem:$0x0] =	vst v4;
	v4 =	vadd.s32 v0, v5;
	v5 =	vld [tilespmem:$0x30]  }
0x28: {  	[tilespmem:$0x100] =	vst v4;
	v4 =	vadd.s32 v0, v6;
	v6 =	vld [tilespmem:$0xB0]  }
0x29: {  	[tilespmem:$0x10] =	vst v4;
	v4 =	vadd.s32 v0, v7;
	v7 =	vld [tilespmem:$0x40]  }
0x2a: {  	v63 =	vld [tilespmem:$0xC0];
	[tilespmem:$0x110] =	vst v4;
	v4 =	vadd.s32 v0, v8  }
0x2b: {  	[tilespmem:$0x20] =	vst v4;
	v4 =	vadd.s32 v0, v9  }
0x2c: {  	[tilespmem:$0x120] =	vst v4;
	v4 =	vadd.s32 v0, v5  }
0x2d: {  	[tilespmem:$0x30] =	vst v4;
	v4 =	vadd.s32 v0, v6  }
0x2e: {  	[tilespmem:$0x130] =	vst v4;
	v4 =	vadd.s32 v0, v7  }
0x2f: {  	[tilespmem:$0x40] =	vst v4;
	v4 =	vadd.s32 v0, v63  }
0x30: {  	[tilespmem:$0x140] =	vst v4  }
0x31: {  	[tilespmem:s15], [sflag:$0x1] =	stream.indirect.gather [hbm4b:s5+s14], $0x80, s23, s14, $0xb8;
	[tilespmem:$0x18A00] =	vst v63  }
0x32: {  	_ =	swait.ge [sflag:s16], $0x2800  }
0x33: {  	[sflag:s16] =	ssyncset.done $0x0  }
0x34: {  	[sflag:s16] =	ssyncadd.s32 $0xFFFFD800  }
0x35: {  	[tilespmem:s18], [sflag:$0x2] =	stream.indirect.gather [hbm4b:s6+s14], $0x80, s17, s14, $0xb8;
	[tilespmem:$0x18A00] =	vst v63  }
0x36: {  	_ =	swait.ge [sflag:s19], $0x2800  }
0x37: {  	[sflag:s19] =	ssyncset.done $0x0  }
0x38: {  	s21 =	simm.s32 $0x0;
	[sflag:s19] =	ssyncadd.s32 $0xFFFFD800  }
0x39: {  	v4 =	vld [tilespmem:s21+$0x2980]  }
0x3a: {  	v5 =	vld [tilespmem:s21+$0x1D0];
	_ =	sdelay $0x4  }
0x3b: {  	v4 =	vadd.f32 v4, v5;
	_ =	sdelay $0x1  }
0x3c: {  	v5 =	vmul.f32 $2.000000030e-01, v4;
	_ =	sdelay $0x1  }
0x3d: {  	v4 =	vmax.f32 v4, v5  }
0x3e: {  	v5 =	vmul.f32 $1.442695020e+00, v4;
	_ =	sdelay $0x1  }
0x3f: {  	(erf) = vpow2.f32 v5;
	_ =	sdelay $0x4  }
0x40: {  	v4 =	vld [tilespmem:s21+$0x190]  }
0x41: {  	s22 =	simm.s32 $0x200;
	s23 =	simm.s32 $0x400;
	v5 =	vld [tilespmem:s21+$0x1B0]  }
.LBB2_3:
0x42: {  	p1 =	sne.s32 s23, $0x9E00;
	v6 =	vld [tilespmem:s21+$0x1C0]  }
0x43: {  	v7 =	vld [tilespmem:s21+$0x1A0]  }
0x44: {  	s24 =	sshra.s32 s22, $0x2;
	s22 =	smov.u32 s23;
	v8 =	vld [tilespmem:s21+$0x180];
	v9 =	vpop (erf)  }
0x45: {  	v10 =	vld [tilespmem:s24+$0x2980];
	[tilespmem:s21+$0x1D0] =	vst v9;
	v11 =	vperm.xlane v9, v2;
	v12 =	vperm.xlane v9, v3  }
0x46: {  	v9 =	vperm.xlane v9, v1;
	v13 =	vld [tilespmem:s24+$0x1D0]  }
0x47: {  	v5 =	vmul.f32 v5, v12;
	v6 =	vmul.f32 v6, v12  }
0x48: {  	v4 =	vmul.f32 v4, v9;
	v7 =	vmul.f32 v7, v11  }
0x49: {  	v8 =	vmul.f32 v8, v9;
	[tilespmem:s21+$0x1C0] =	vst v6  }
0x4a: {  	[tilespmem:s21+$0x1B0] =	vst v5  }
0x4b: {  	v5 =	vadd.f32 v10, v13;
	[tilespmem:s21+$0x1A0] =	vst v7  }
0x4c: {  	[tilespmem:s21+$0x190] =	vst v4  }
0x4d: {  	v4 =	vmul.f32 $2.000000030e-01, v5;
	[tilespmem:s21+$0x180] =	vst v8;
	s21 =	smov.u32 s24;
	_ =	sdelay $0x1  }
0x4e: {  	v4 =	vmax.f32 v5, v4  }
0x4f: {  	v4 =	vmul.f32 $1.442695020e+00, v4;
	_ =	sdelay $0x1  }
0x50: {  	(erf) = vpow2.f32 v4;
	_ =	sdelay $0x1  }
.Ltmp0:
0x51: {  	(pc) =	sbr.rel @p1 .LBB2_3-.Ltmp0, $3  }
0x52: {  	_ =	sdelay $0x1  }
0x53: {  	v4 =	vld [tilespmem:s21+$0x190]  }
0x54: {  	s23 =	sadd.s32 $0x200, s23;
	v5 =	vld [tilespmem:s21+$0x1B0]  }
0x55: {  	_ =	sdelay $0x1  }
0x56: {  	s22 =	sshra.s32 s22, $0x2;
	v9 =	vpop (erf)  }
0x57: {  	v10 =	vld [tilespmem:s22+$0x2980];
	[tilespmem:s21+$0x1D0] =	vst v9  }
0x58: {  	v11 =	vld [tilespmem:s22+$0x1D0];
	_ =	sdelay $0x4  }
0x59: {  	v10 =	vadd.f32 v10, v11;
	_ =	sdelay $0x1  }
0x5a: {  	v6 =	vld [tilespmem:s21+$0x1C0];
	v11 =	vmul.f32 $2.000000030e-01, v10;
	_ =	sdelay $0x1  }
0x5b: {  	v7 =	vld [tilespmem:s21+$0x1A0];
	v10 =	vmax.f32 v10, v11  }
0x5c: {  	v58 =	vperm.xlane v9, v3;
	v10 =	vmul.f32 $1.442695020e+00, v10  }
0x5d: {  	v8 =	vld [tilespmem:s21+$0x180];
	v12 =	vperm.xlane v9, v2  }
0x5e: {  	v6 =	vmul.f32 v6, v58;
	(erf) = vpow2.f32 v10  }
0x5f: {  	v9 =	vperm.xlane v9, v1;
	v5 =	vmul.f32 v5, v58  }
0x60: {  	v7 =	vmul.f32 v7, v12;
	[tilespmem:s21+$0x1C0] =	vst v6  }
0x61: {  	v4 =	vmul.f32 v4, v9;
	[tilespmem:s21+$0x1B0] =	vst v5  }
0x62: {  	v5 =	vmul.f32 v8, v9;
	[tilespmem:s21+$0x1A0] =	vst v7  }
0x63: {  	[tilespmem:s21+$0x190] =	vst v4  }
0x64: {  	[tilespmem:s21+$0x180] =	vst v5  }
0x65: {  	v4 =	vld [tilespmem:s22+$0x1C0]  }
0x66: {  	v5 =	vld [tilespmem:s22+$0x1B0]  }
0x67: {  	v6 =	vld [tilespmem:s22+$0x1A0];
	v59 =	vpop (erf)  }
0x68: {  	v60 =	vld [tilespmem:s22+$0x190];
	v61 =	vperm.xlane v59, v3  }
0x69: {  	v62 =	vld [tilespmem:s22+$0x180]  }
0x6a: {  	v63 =	vperm.xlane v59, v2;
	v4 =	vmul.f32 v4, v61  }
0x6b: {  	[tilespmem:s22+$0x1D0] =	vst v59;
	v7 =	vperm.xlane v59, v1;
	v5 =	vmul.f32 v5, v61  }
0x6c: {  	v6 =	vmul.f32 v6, v63;
	[tilespmem:s22+$0x1C0] =	vst v4  }
0x6d: {  	v4 =	vmul.f32 v60, v7;
	[tilespmem:s22+$0x1B0] =	vst v5  }
0x6e: {  	s20 =	sadd.s32 $0x1, s20;
	v5 =	vmul.f32 v62, v7;
	[tilespmem:s22+$0x1A0] =	vst v6  }
0x6f: {  	p1 =	sne.s32 s20, $0xFA;
	[tilespmem:s22+$0x190] =	vst v4  }
.Ltmp1:
0x70: {  	[tilespmem:s22+$0x180] =	vst v5;
	(pc) =	sbr.rel @p1 .LBB2_2-.Ltmp1, $4  }
0x71: {  	[spmem:s2] =	stream.indirect.scatter.add.f32 [tilespmem:s15], [sflag:$0x3], $0x80, s13, s14, $0xb8;
	[tilespmem:$0x18A00] =	vst v63  }
0x72: {  	_ =	swait.ge [sflag:s12], $0x2800  }
0x73: {  	[sflag:s12] =	ssyncset.done $0x0  }
0x74: {  	[sflag:s12] =	ssyncadd.s32 $0xFFFFD800  }
0x75: {  	[bflag:$0x0] =	sbarrier.arrive $0xFFFF;
	s20 =	simm.s32 @!p0 $0x1C03;
	s3 =	sadd.s32 $0x1, s3  }
0x76: {  	[hbm:s9], [sflag:s20] =	dma.local @!p0 [spmem:s11], $0x27100  }
0x77: {  	p1 =	sne.s32 s3, s10  }
.Ltmp2:
0x78: {  	_ = 	snop;
	(pc) =	sbr.rel @p1 .LBB2_1-.Ltmp2, $4  }
0x79: {  	s20 =	simm.s32 @!p0 $0x3  }
0x7a: {  	_ =	swait.ge @!p0 [sflag:s20], $0x27100  }
0x7b: {  	[sflag:s20] =	ssyncset.done @!p0 $0x0  }
0x7c: {  	[sflag:s20] =	ssyncadd.s32 @!p0 $0xFFFD8F00  }
0x7d: {  	_ =	sfence.sel $0x180000  }
0x7e: {  	[bflag:$0x0] =	sbarrier.arrive $0xFFFF  }
0x7f: {  	_ =	strace $0x90000050  }
0x80: {  	s0 =	sadd.s32 @!p0 $0x100000, s0;
	[bflag:$0x2] =	sbarrier.arrive $0xFFFF  }
0x81: {  	[sflag:s0] =	ssyncadd.tile.s32 @!p0 $0x1;
	_ =	shalt  }
.Lfunc_end2:
_tile_overlayer_lowered:
.L_overlay_start_2:
0x82: {  	(tag) =	ssettag $0x2  }
0x83: {  	s0 =	rddreg [dreg:$0x0];
	s2 =	stileid.u32  }
0x84: {  	s1 =	rddreg [dreg:$0x1];
	p0 =	sne.s32 s2, $0x0  }
0x85: {  	s3 =	rddreg [dreg:$0x2];
	[bflag:$0x3] =	sbarrier.arrive $0xFFFF;
	s2 =	simm.s32 @!p0 $0x1C03  }
0x86: {  	[timem:s3], [sflag:s2] =	dma.local @!p0 [hbm:s0], s1  }
0x87: {  	s0 =	simm.s32 @!p0 $0x3  }
0x88: {  	_ =	swait.ge @!p0 [sflag:s0], s1  }
0x89: {  	s1 =	ssub.s32 @!p0 $0x0, s1;
	[sflag:s0] =	ssyncset.done @!p0 $0x0  }
0x8a: {  	[sflag:s0] =	ssyncadd.s32 @!p0 s1  }
0x8b: {  	[bflag:$0x3] =	sbarrier.arrive $0xFFFF  }
0x8c: {  	_ =	shalt  }

// kernel: kernel.19.cloned.1.call-start
scs
__scs_entry_jumppad:
0x0: {  	(pc) =	sbr.rel $0x88, $3  }
0x1: {  	(tag) =	ssettag $0x0;
	lr =	simm.s32 $0x1  }
0x2: {  	[smem:$0x3F90] =	sst lr;
	_ =	strace $0xD0000000  }
0x3: {  	_ = 	snop  }
0x4: {  	_ = 	snop  }
0x5: {  	_ = 	snop  }
0x6: {  	_ = 	snop  }
0x7: {  	_ = 	snop  }
__scs_overlays_trampoline_lowered:
0x8: {  	[smem:$0x3F9F] =	sst s0  }
0x9: {  	[smem:$0x3FA0] =	sst s1  }
0xa: {  	[smem:$0x3FA1] =	sst s2  }
0xb: {  	[smem:$0x3FA2] =	sst s3  }
0xc: {  	[smem:$0x3FA3] =	sst s4  }
0xd: {  	[smem:$0x3FA4] =	sst s5  }
0xe: {  	[smem:$0x3FA5] =	sst s6  }
0xf: {  	[smem:$0x3FA6] =	sst s7  }
0x10: {  	[smem:$0x3FA7] =	sst s8  }
0x11: {  	[smem:$0x3FA8] =	sst s9;
	s0 =	simm.s32 @!p0 $0x0  }
0x12: {  	s1 =	sld [smem:$0x3F8E];
	s0 =	simm.s32 @p0 $0x1  }
0x13: {  	[smem:$0x3FA9] =	sst s0;
	s0 =	simm.s32 @!p1 $0x0  }
0x14: {  	s2 =	sld [smem:$0x3F8D];
	s0 =	simm.s32 @p1 $0x1  }
0x15: {  	[smem:$0x3FAA] =	sst s0;
	s0 =	simm.s32 @!p2 $0x0  }
0x16: {  	s3 =	sld [smem:$0x3FDB];
	s0 =	simm.s32 @p2 $0x1  }
0x17: {  	s4 =	simm.s32 $0x1BF5;
	[smem:$0x3FAC] =	sst s0  }
0x18: {  	s0 =	sld [smem:$0x3F8F];
	_ =	swait.ge [sflag:s4], $0x0  }
0x19: {  	s7 =	sld [smem:$0x3F90]  }
0x1a: {  	s8 =	sadd.s32 $0xFFFFE003, lr  }
0x1b: {  	s9 =	sadd.s32 $0xFFFFFEF7, lr;
	s5 =	simm.s32 $0xFFFFFFFF;
	p2 =	slt.u32 s8, $0xFFFFF086  }
0x1c: {  	p1 =	slt.u32 s9, $0xF7A;
	s5 =	simm.s32 @!p2 $0x0  }
0x1d: {  	s5 =	simm.s32 @p1 $0x1;
	p0 =	seq.s32 s7, s2  }
0x1e: {  	s7 =	smul.u32 @!p0 $0xF7A, s2;
	p2 =	seq.s32 @!p0 s5, $0x0  }
0x1f: {  	s9 =	smul.u32 $0xF7A, s1;
	s8 =	simm.s32 @!p0 $0x1BF5;
	p2 =	por !p2, p0  }
0x20: {  	[sflag:s8] =	ssyncset.s32 @!p0 $0xFFFFF086;
	s6 =	sadd.s32 @!p0 s3, s7;
	s7 =	simm.s32 @!p0 $0x108  }
0x21: {  	s3 =	sadd.s32 s3, s9;
	s6 =	sadd.s32 @!p0 $0x88, s6;
	s7 =	simm.s32 @p2 $0x1082  }
0x22: {  	[simem:s7], [sflag:s8] =	dma.local @!p0 [hbm:s6], $0xF7A  }
0x23: {  	s9 =	sor.u32 $0xD0000000, s2;
	s6 =	simm.s32 $0x108;
	_ =	swait.ge @!p0 [sflag:s8], $0x0  }
0x24: {  	s3 =	sadd.s32 $0x88, s3;
	s6 =	simm.s32 @!p1 $0x1082;
	[sflag:s4] =	ssyncset.s32 $0xFFFFF086  }
0x25: {  	[simem:s6], [sflag:s4] =	dma.local [hbm:s3], $0xF7A  }
0x26: {  	[smem:$0x3F90] =	sst s1;
	(tag) =	ssettag s2;
	_ =	strace s9  }
0x27: {  	s1 =	sld [smem:$0x3FA0]  }
0x28: {  	s2 =	sld [smem:$0x3FA1]  }
0x29: {  	s4 =	sld [smem:$0x3FA3]  }
0x2a: {  	p0 =	seq.s32 s5, $0x0;
	s5 =	sld [smem:$0x3FA4]  }
0x2b: {  	s6 =	sld [smem:$0x3FA5]  }
0x2c: {  	s7 =	sld [smem:$0x3FA6]  }
0x2d: {  	s3 =	simm.s32 $0x108;
	s8 =	sld [smem:$0x3FA7]  }
0x2e: {  	s3 =	simm.s32 @!p0 $0x1082;
	s9 =	sld [smem:$0x3FA8]  }
0x2f: {  	lr =	sadd.s32 s0, s3;
	s0 =	sld [smem:$0x3F9F]  }
0x30: {  	s3 =	sld [smem:$0x3FA2]  }
0x31: {  	[smem:$0x3FAB] =	sst s10  }
0x32: {  	s10 =	sld [smem:$0x3FA9];
	_ =	sdelay $0x3  }
0x33: {  	p0 =	seq.s32 s10, $0x1;
	s10 =	sld [smem:$0x3FAB];
	_ =	sdelay $0x3  }
0x34: {  	[smem:$0x3FAB] =	sst s10  }
0x35: {  	s10 =	sld [smem:$0x3FAA];
	_ =	sdelay $0x3  }
0x36: {  	p1 =	seq.s32 s10, $0x1;
	s10 =	sld [smem:$0x3FAB];
	_ =	sdelay $0x3  }
0x37: {  	[smem:$0x3FAB] =	sst s10  }
0x38: {  	s10 =	sld [smem:$0x3FAC]  }
0x39: {  	_ = 	snop;
	(pc) =	sbr.ind lr, $3  }
0x3a: {  	_ = 	snop  }
0x3b: {  	_ = 	snop  }
0x3c: {  	p2 =	seq.s32 s10, $0x1;
	s10 =	sld [smem:$0x3FAB]  }
0x3d: {  	_ =	shalt  }
0x3e: {  	_ =	shalt  }
0x3f: {  	_ =	shalt  }
0x40: {  	_ =	shalt  }
0x41: {  	_ =	shalt  }
0x42: {  	_ =	shalt  }
0x43: {  	_ =	shalt  }
0x44: {  	_ =	shalt  }
0x45: {  	_ =	shalt  }
0x46: {  	_ =	shalt  }
0x47: {  	_ =	shalt  }
0x48: {  	_ =	shalt  }
0x49: {  	_ =	shalt  }
0x4a: {  	_ =	shalt  }
0x4b: {  	_ =	shalt  }
0x4c: {  	_ =	shalt  }
0x4d: {  	_ =	shalt  }
0x4e: {  	_ =	shalt  }
0x4f: {  	_ =	shalt  }
0x50: {  	_ =	shalt  }
0x51: {  	_ =	shalt  }
0x52: {  	_ =	shalt  }
0x53: {  	_ =	shalt  }
0x54: {  	_ =	shalt  }
0x55: {  	_ =	shalt  }
0x56: {  	_ =	shalt  }
0x57: {  	_ =	shalt  }
0x58: {  	_ =	shalt  }
0x59: {  	_ =	shalt  }
0x5a: {  	_ =	shalt  }
0x5b: {  	_ =	shalt  }
0x5c: {  	_ =	shalt  }
0x5d: {  	_ =	shalt  }
0x5e: {  	_ =	shalt  }
0x5f: {  	_ =	shalt  }
0x60: {  	_ =	shalt  }
0x61: {  	_ =	shalt  }
0x62: {  	_ =	shalt  }
0x63: {  	_ =	shalt  }
0x64: {  	_ =	shalt  }
0x65: {  	_ =	shalt  }
0x66: {  	_ =	shalt  }
0x67: {  	_ =	shalt  }
0x68: {  	_ =	shalt  }
0x69: {  	_ =	shalt  }
0x6a: {  	_ =	shalt  }
0x6b: {  	_ =	shalt  }
0x6c: {  	_ =	shalt  }
0x6d: {  	_ =	shalt  }
0x6e: {  	_ =	shalt  }
0x6f: {  	_ =	shalt  }
0x70: {  	_ =	shalt  }
0x71: {  	_ =	shalt  }
0x72: {  	_ =	shalt  }
0x73: {  	_ =	shalt  }
0x74: {  	_ =	shalt  }
0x75: {  	_ =	shalt  }
0x76: {  	_ =	shalt  }
0x77: {  	_ =	shalt  }
0x78: {  	_ =	shalt  }
0x79: {  	_ =	shalt  }
0x7a: {  	_ =	shalt  }
0x7b: {  	_ =	shalt  }
0x7c: {  	_ =	shalt  }
0x7d: {  	_ =	shalt  }
0x7e: {  	_ =	shalt  }
0x7f: {  	_ =	shalt  }
0x80: {  	_ =	shalt  }
0x81: {  	_ =	shalt  }
0x82: {  	_ =	shalt  }
0x83: {  	_ =	shalt  }
0x84: {  	_ =	shalt  }
0x85: {  	_ =	shalt  }
0x86: {  	_ =	shalt  }
0x87: {  	_ =	shalt  }
.Lfunc_end0:
.L_simem_size_0:
called_computation.3_lowered:
.L_overlay_start_0:
0x88: {  	s2 =	sld [smem:$0x3FD9]  }
0x89: {  	s3 =	sld [smem:$0x3FFE];
	_ =	sdelay $0x1  }
0x8a: {  	s1 =	srdreg.scid  }
0x8b: {  	s0 =	sand.u32 $0x1, s1  }
0x8c: {  	s17 =	sshll.u32 s0, $0xA;
	s2 =	sadd.s32 s3, s2  }
0x8d: {  	s2 =	sadd.s32 s2, s17  }
0x8e: {  	[smem:$0x3FB7] =	sst s2  }
0x8f: {  	_ = 	snop  }
0x90: {  	s2 =	sld [smem:$0x3FD0];
	(tm) =	ssettm $0x1  }
0x91: {  	s18 =	sld [smem:$0x3FFB];
	_ =	sdelay $0x3  }
0x92: {  	_ =	strace s18  }
0x93: {  	s3 =	sld [smem:$0x3FFC];
	_ =	sdelay $0x3  }
0x94: {  	_ =	strace s3  }
0x95: {  	s3 =	sld [smem:$0x3FFD];
	_ =	sdelay $0x3  }
0x96: {  	_ =	strace s3  }
0x97: {  	_ =	strace $0x8FFFFFFF  }
0x98: {  	s19 =	sld [smem:$0x3FDB];
	_ =	sdelay $0x1  }
0x99: {  	s4 =	simm.s32 $_scs_section_size  }
0x9a: {  	s5 =	simm.s32 $_size__tile_overlayer_lowered;
	s6 =	simm.s32 $_tile_overlayer_lowered  }
0x9b: {  	s22 =	simm.s32 $0x1BFF;
	s21 =	sshll.u32 s6, $0x1;
	s3 =	sadd.s32 s4, s19  }
0x9c: {  	s7 =	simm.s32 $0x0;
	s20 =	sshll.u32 s5, $0x1;
	s5 =	sadd.s32 s21, s3  }
0x9d: {  	[timem:s7], [sflag:s22] =	dma.local [hbm:s5], s20  }
0x9e: {  	_ =	swait.ge [sflag:s22], s20  }
0x9f: {  	s4 =	ssub.s32 $0x0, s20;
	[sflag:s22] =	ssyncset.done $0x0  }
0xa0: {  	[sflag:s22] =	ssyncadd.s32 s4;
	_ =	sdelay $0x1  }
0xa1: {  	s23 =	simm.s32 $0x1B8B  }
0xa2: {  	_ =	swait.ge [sflag:s23], $0x1  }
0xa3: {  	[sflag:s23] =	ssyncset.done $0x0  }
0xa4: {  	s25 =	simm.s32 $0x1B8E;
	s24 =	sld [smem:$0x3FFE];
	[sflag:s23] =	ssyncadd.s32 $0xFFFFFFFF  }
0xa5: {  	s26 =	simm.s32 $execute0_lowered;
	[smem:$0x3FD2] =	sst s25  }
0xa6: {  	s5 =	sshll.u32 s26, $0x1;
	_ =	strace $0x8000004C;
	[dreg:$0x1] =	wrdreg $0xFFFFFFFF  }
0xa7: {  	s28 =	simm.s32 $_size_execute0_lowered;
	s3 =	sadd.s32 s3, s5;
	[dreg:$0x0] =	wrdreg $0x0  }
0xa8: {  	s5 =	sshll.u32 s28, $0x1;
	[dreg:$0x2] =	wrdreg s3  }
0xa9: {  	[dreg:$0x3] =	wrdreg s5  }
0xaa: {  	[dreg:$0x4] =	wrdreg $0xC0  }
0xab: {  	_ =	task [dreg:s7], $0x5FFFF  }
0xac: {  	[dreg:$0x1] =	wrdreg $0xFFFFFFFF  }
0xad: {  	[dreg:$0x0] =	wrdreg $0x60  }
0xae: {  	[dreg:$0x2] =	wrdreg s24  }
0xaf: {  	[dreg:$0x3] =	wrdreg s2  }
0xb0: {  	[dreg:$0x4] =	wrdreg $0x51800  }
0xb1: {  	[dreg:$0x5] =	wrdreg $0xA  }
0xb2: {  	_ =	task.clear_ibuf [dreg:s7], $0x6FFFF;
	_ =	strace $0x9000004C  }
0xb3: {  	s29 =	simm.s32 $0xA;
	_ =	strace $0x8000004E  }
0xb4: {  	_ =	swait.ge [sflag:s29], $0x1  }
0xb5: {  	[sflag:s29] =	ssyncadd.s32 $0xFFFFFFFF  }
0xb6: {  	_ =	strace $0x9000004E  }
0xb7: {  	_ =	sfence  }
0xb8: {  	s30 =	sld [smem:$0x0];
	_ =	sdelay $0x2  }
0xb9: {  	s31 =	sshll.u32 s1, $0xD;
	s1 =	sshrl.u32 s1, $0x2  }
0xba: {  	s3 =	sand.u32 $0x4000, s31;
	s1 =	sadd.s32 s1, s30  }
0xbb: {  	s0 =	sor.u32 s3, s0;
	s1 =	sshll.u32 s1, $0x11  }
0xbc: {  	s0 =	sor.u32 s1, s0  }
0xbd: {  	s0 =	sadd.s32 $0x8F2B, s0  }
0xbe: {  	[sflag:s0] =	ssyncadd.remote.s32 $0x1  }
0xbf: {  	_ =	sfence.sel $0xFFFF  }
0xc0: {  	[dreg:$0x0] =	wrdreg $0xFFFFFFFF;
	(pc) =	sbr.abs _section_cstart, $3  }
0xc1: {  	[dreg:$0x1] =	wrdreg $0xFFFFFFFF  }
0xc2: {  	_ =	task.clear_ibuf [dreg:s7], $0x2FFFF;
	_ =	strace $0x9FFFFFFF  }
0xc3: {  	(tm) =	ssettm $0x7FFFFFFF  }
tec
execute0_lowered:
.L_overlay_start_1:
0x0: {  	(tag) =	ssettag $0x1  }
0x1: {  	s9 =	rddreg [dreg:$0x0]  }
0x2: {  	s1 =	rddreg [dreg:$0x1]  }
0x3: {  	s2 =	rddreg [dreg:$0x2]  }
0x4: {  	s0 =	rddreg [dreg:$0x3];
	s3 =	simm.s32 $0x0;
	s7 =	srdreg.scid  }
0x5: {  	s12 =	stileid.u32;
	s15 =	simm.s32 $0x180;
	s16 =	simm.s32 $0x1  }
0x6: {  	s17 =	simm.s32 $0x100;
	s18 =	simm.s32 $0x2980;
	s19 =	simm.s32 $0x2  }
0x7: {  	[smem:$0x7FF] =	sst s3;
	s4 =	sadd.s32 $0x4000, s9;
	s5 =	sadd.s32 $0x83400, s9  }
0x8: {  	s6 =	sadd.s32 $0xDE00, s9;
	s10 =	sand.u32 $0x1, s7;
	s8 =	smul.u32 $0x4E20, s12  }
0x9: {  	s7 =	sadd.s32 $0x5C200, s9;
	p0 =	sne.s32 s12, $0x0;
	s11 =	smul.u32 $0x27100, s10  }
0xa: {  	s12 =	simm.s32 $0x3;
	_ =	strace $0x8000004D;
	s13 =	ssub.s32 $0x2, s10  }
0xb: {  	s31 =	smul.u32 $0x2710, s10;
	s14 =	sshrl.u32 s13, $0x1;
	s9 =	sadd.s32 s11, s9  }
0xc: {  	v2 =	vlaneseq.u32;
	v1 =	vimm.s32 $0x0;
	s30 =	ssub.s32 s13, s14;
	s11 =	sshrl.u32 @!p0 s2, $0x3;
	s13 =	simm.s32 $0x80  }
0xd: {  	v3 =	vimm.s32 $0x1;
	v2 =	vshrl.u32 v2, $0x3;
	v0 =	vmov s31;
	s14 =	simm.s32 $0x50;
	s9 =	sadd.s32 $0x16DA00, s9;
	s10 =	smax.u32 s30, $0x1  }
.LBB2_1:
0xe: {  	s20 =	simm.s32 @!p0 $0x1C03  }
0xf: {  	[spmem:s11], [sflag:s20] =	dma.local @!p0 [hbm:s7], $0x27100  }
0x10: {  	s20 =	simm.s32 @!p0 $0x3  }
0x11: {  	_ =	swait.ge @!p0 [sflag:s20], $0x27100  }
0x12: {  	[sflag:s20] =	ssyncset.done @!p0 $0x0  }
0x13: {  	[sflag:s20] =	ssyncadd.s32 @!p0 $0xFFFD8F00  }
0x14: {  	s20 =	simm.s32 $0x0;
	[bflag:$0x0] =	sbarrier.arrive $0xFFFF  }
.LBB2_2:
0x15: {  	s21 =	smul.u32 $0x50, s20;
	_ =	sdelay $0x1  }
0x16: {  	s21 =	sadd.s32 s8, s21  }
0x17: {  	s21 =	sshrl.u32 s21, $0x3  }
0x18: {  	s23 =	simm.s32 $0x0;
	s22 =	sadd.s32 s4, s21  }
0x19: {  	[tilespmem:s23], [sflag:$0x3] =	stream.linear.gather [hbm4b:s22+s23], $0x50, $0x38;
	[tilespmem:$0x18A00] =	vst v63  }
0x1a: {  	_ =	swait.ge [sflag:s12], $0x50  }
0x1b: {  	[sflag:s12] =	ssyncset.done $0x0  }
0x1c: {  	s21 =	sadd.s32 s1, s21;
	[sflag:s12] =	ssyncadd.s32 $0xFFFFFFB0  }
0x1d: {  	[tilespmem:s13], [sflag:$0x3] =	stream.linear.gather [hbm4b:s21+s23], $0x50, $0x38;
	[tilespmem:$0x18A00] =	vst v63  }
0x1e: {  	_ =	swait.ge [sflag:s12], $0x50  }
0x1f: {  	[sflag:s12] =	ssyncset.done $0x0  }
0x20: {  	[sflag:s12] =	ssyncadd.s32 $0xFFFFFFB0  }
0x21: {  	v4 =	vld [tilespmem:$0x0]  }
0x22: {  	v5 =	vld [tilespmem:$0x80]  }
0x23: {  	v6 =	vld [tilespmem:$0x10]  }
0x24: {  	v7 =	vld [tilespmem:$0x90]  }
0x25: {  	v8 =	vld [tilespmem:$0x20]  }
0x26: {  	v9 =	vld [tilespmem:$0xA0];
	v4 =	vadd.s32 v0, v4  }
0x27: {  	[tilespmem:$0x0] =	vst v4;
	v4 =	vadd.s32 v0, v5;
	v5 =	vld [tilespmem:$0x30]  }
0x28: {  	[tilespmem:$0x100] =	vst v4;
	v4 =	vadd.s32 v0, v6;
	v6 =	vld [tilespmem:$0xB0]  }
0x29: {  	[tilespmem:$0x10] =	vst v4;
	v4 =	vadd.s32 v0, v7;
	v7 =	vld [tilespmem:$0x40]  }
0x2a: {  	v63 =	vld [tilespmem:$0xC0];
	[tilespmem:$0x110] =	vst v4;
	v4 =	vadd.s32 v0, v8  }
0x2b: {  	[tilespmem:$0x20] =	vst v4;
	v4 =	vadd.s32 v0, v9  }
0x2c: {  	[tilespmem:$0x120] =	vst v4;
	v4 =	vadd.s32 v0, v5  }
0x2d: {  	[tilespmem:$0x30] =	vst v4;
	v4 =	vadd.s32 v0, v6  }
0x2e: {  	[tilespmem:$0x130] =	vst v4;
	v4 =	vadd.s32 v0, v7  }
0x2f: {  	[tilespmem:$0x40] =	vst v4;
	v4 =	vadd.s32 v0, v63  }
0x30: {  	[tilespmem:$0x140] =	vst v4  }
0x31: {  	[tilespmem:s15], [sflag:$0x1] =	stream.indirect.gather [hbm4b:s5+s14], $0x80, s23, s14, $0xb8;
	[tilespmem:$0x18A00] =	vst v63  }
0x32: {  	_ =	swait.ge [sflag:s16], $0x2800  }
0x33: {  	[sflag:s16] =	ssyncset.done $0x0  }
0x34: {  	[sflag:s16] =	ssyncadd.s32 $0xFFFFD800  }
0x35: {  	[tilespmem:s18], [sflag:$0x2] =	stream.indirect.gather [hbm4b:s6+s14], $0x80, s17, s14, $0xb8;
	[tilespmem:$0x18A00] =	vst v63  }
0x36: {  	_ =	swait.ge [sflag:s19], $0x2800  }
0x37: {  	[sflag:s19] =	ssyncset.done $0x0  }
0x38: {  	s21 =	simm.s32 $0x0;
	[sflag:s19] =	ssyncadd.s32 $0xFFFFD800  }
0x39: {  	v4 =	vld [tilespmem:s21+$0x2980]  }
0x3a: {  	v5 =	vld [tilespmem:s21+$0x1D0];
	_ =	sdelay $0x4  }
0x3b: {  	v4 =	vadd.f32 v4, v5;
	_ =	sdelay $0x1  }
0x3c: {  	v5 =	vmul.f32 $2.000000030e-01, v4;
	_ =	sdelay $0x1  }
0x3d: {  	v4 =	vmax.f32 v4, v5  }
0x3e: {  	v5 =	vmul.f32 $1.442695020e+00, v4;
	_ =	sdelay $0x1  }
0x3f: {  	(erf) = vpow2.f32 v5;
	_ =	sdelay $0x4  }
0x40: {  	v4 =	vld [tilespmem:s21+$0x190]  }
0x41: {  	s22 =	simm.s32 $0x200;
	s23 =	simm.s32 $0x400;
	v5 =	vld [tilespmem:s21+$0x1B0]  }
.LBB2_3:
0x42: {  	p1 =	sne.s32 s23, $0x9E00;
	v6 =	vld [tilespmem:s21+$0x1C0]  }
0x43: {  	v7 =	vld [tilespmem:s21+$0x1A0]  }
0x44: {  	s24 =	sshra.s32 s22, $0x2;
	s22 =	smov.u32 s23;
	v8 =	vld [tilespmem:s21+$0x180];
	v9 =	vpop (erf)  }
0x45: {  	v10 =	vld [tilespmem:s24+$0x2980];
	[tilespmem:s21+$0x1D0] =	vst v9;
	v11 =	vperm.xlane v9, v2;
	v12 =	vperm.xlane v9, v3  }
0x46: {  	v9 =	vperm.xlane v9, v1;
	v13 =	vld [tilespmem:s24+$0x1D0]  }
0x47: {  	v5 =	vmul.f32 v5, v12;
	v6 =	vmul.f32 v6, v12  }
0x48: {  	v4 =	vmul.f32 v4, v9;
	v7 =	vmul.f32 v7, v11  }
0x49: {  	v8 =	vmul.f32 v8, v9;
	[tilespmem:s21+$0x1C0] =	vst v6  }
0x4a: {  	[tilespmem:s21+$0x1B0] =	vst v5  }
0x4b: {  	v5 =	vadd.f32 v10, v13;
	[tilespmem:s21+$0x1A0] =	vst v7  }
0x4c: {  	[tilespmem:s21+$0x190] =	vst v4  }
0x4d: {  	v4 =	vmul.f32 $2.000000030e-01, v5;
	[tilespmem:s21+$0x180] =	vst v8;
	s21 =	smov.u32 s24;
	_ =	sdelay $0x1  }
0x4e: {  	v4 =	vmax.f32 v5, v4  }
0x4f: {  	v4 =	vmul.f32 $1.442695020e+00, v4;
	_ =	sdelay $0x1  }
0x50: {  	(erf) = vpow2.f32 v4;
	_ =	sdelay $0x1  }
.Ltmp0:
0x51: {  	(pc) =	sbr.rel @p1 .LBB2_3-.Ltmp0, $3  }
0x52: {  	_ =	sdelay $0x1  }
0x53: {  	v4 =	vld [tilespmem:s21+$0x190]  }
0x54: {  	s23 =	sadd.s32 $0x200, s23;
	v5 =	vld [tilespmem:s21+$0x1B0]  }
0x55: {  	_ =	sdelay $0x1  }
0x56: {  	s22 =	sshra.s32 s22, $0x2;
	v9 =	vpop (erf)  }
0x57: {  	v10 =	vld [tilespmem:s22+$0x2980];
	[tilespmem:s21+$0x1D0] =	vst v9  }
0x58: {  	v11 =	vld [tilespmem:s22+$0x1D0];
	_ =	sdelay $0x4  }
0x59: {  	v10 =	vadd.f32 v10, v11;
	_ =	sdelay $0x1  }
0x5a: {  	v6 =	vld [tilespmem:s21+$0x1C0];
	v11 =	vmul.f32 $2.000000030e-01, v10;
	_ =	sdelay $0x1  }
0x5b: {  	v7 =	vld [tilespmem:s21+$0x1A0];
	v10 =	vmax.f32 v10, v11  }
0x5c: {  	v58 =	vperm.xlane v9, v3;
	v10 =	vmul.f32 $1.442695020e+00, v10  }
0x5d: {  	v8 =	vld [tilespmem:s21+$0x180];
	v12 =	vperm.xlane v9, v2  }
0x5e: {  	v6 =	vmul.f32 v6, v58;
	(erf) = vpow2.f32 v10  }
0x5f: {  	v9 =	vperm.xlane v9, v1;
	v5 =	vmul.f32 v5, v58  }
0x60: {  	v7 =	vmul.f32 v7, v12;
	[tilespmem:s21+$0x1C0] =	vst v6  }
0x61: {  	v4 =	vmul.f32 v4, v9;
	[tilespmem:s21+$0x1B0] =	vst v5  }
0x62: {  	v5 =	vmul.f32 v8, v9;
	[tilespmem:s21+$0x1A0] =	vst v7  }
0x63: {  	[tilespmem:s21+$0x190] =	vst v4  }
0x64: {  	[tilespmem:s21+$0x180] =	vst v5  }
0x65: {  	v4 =	vld [tilespmem:s22+$0x1C0]  }
0x66: {  	v5 =	vld [tilespmem:s22+$0x1B0]  }
0x67: {  	v6 =	vld [tilespmem:s22+$0x1A0];
	v59 =	vpop (erf)  }
0x68: {  	v60 =	vld [tilespmem:s22+$0x190];
	v61 =	vperm.xlane v59, v3  }
0x69: {  	v62 =	vld [tilespmem:s22+$0x180]  }
0x6a: {  	v63 =	vperm.xlane v59, v2;
	v4 =	vmul.f32 v4, v61  }
0x6b: {  	[tilespmem:s22+$0x1D0] =	vst v59;
	v7 =	vperm.xlane v59, v1;
	v5 =	vmul.f32 v5, v61  }
0x6c: {  	v6 =	vmul.f32 v6, v63;
	[tilespmem:s22+$0x1C0] =	vst v4  }
0x6d: {  	v4 =	vmul.f32 v60, v7;
	[tilespmem:s22+$0x1B0] =	vst v5  }
0x6e: {  	s20 =	sadd.s32 $0x1, s20;
	v5 =	vmul.f32 v62, v7;
	[tilespmem:s22+$0x1A0] =	vst v6  }
0x6f: {  	p1 =	sne.s32 s20, $0xFA;
	[tilespmem:s22+$0x190] =	vst v4  }
.Ltmp1:
0x70: {  	[tilespmem:s22+$0x180] =	vst v5;
	(pc) =	sbr.rel @p1 .LBB2_2-.Ltmp1, $4  }
0x71: {  	[spmem:s2] =	stream.indirect.scatter.add.f32 [tilespmem:s15], [sflag:$0x3], $0x80, s13, s14, $0xb8;
	[tilespmem:$0x18A00] =	vst v63  }
0x72: {  	_ =	swait.ge [sflag:s12], $0x2800  }
0x73: {  	[sflag:s12] =	ssyncset.done $0x0  }
0x74: {  	[sflag:s12] =	ssyncadd.s32 $0xFFFFD800  }
0x75: {  	[bflag:$0x0] =	sbarrier.arrive $0xFFFF;
	s20 =	simm.s32 @!p0 $0x1C03;
	s3 =	sadd.s32 $0x1, s3  }
0x76: {  	[hbm:s9], [sflag:s20] =	dma.local @!p0 [spmem:s11], $0x27100  }
0x77: {  	p1 =	sne.s32 s3, s10  }
.Ltmp2:
0x78: {  	_ = 	snop;
	(pc) =	sbr.rel @p1 .LBB2_1-.Ltmp2, $4  }
0x79: {  	s20 =	simm.s32 @!p0 $0x3  }
0x7a: {  	_ =	swait.ge @!p0 [sflag:s20], $0x27100  }
0x7b: {  	[sflag:s20] =	ssyncset.done @!p0 $0x0  }
0x7c: {  	[sflag:s20] =	ssyncadd.s32 @!p0 $0xFFFD8F00  }
0x7d: {  	_ =	sfence.sel $0x180000  }
0x7e: {  	[bflag:$0x0] =	sbarrier.arrive $0xFFFF  }
0x7f: {  	_ =	strace $0x9000004D  }
0x80: {  	s0 =	sadd.s32 @!p0 $0x100000, s0;
	[bflag:$0x2] =	sbarrier.arrive $0xFFFF  }
0x81: {  	[sflag:s0] =	ssyncadd.tile.s32 @!p0 $0x1;
	_ =	shalt  }
.Lfunc_end2:
_tile_overlayer_lowered:
.L_overlay_start_2:
0x82: {  	(tag) =	ssettag $0x2  }
0x83: {  	s0 =	rddreg [dreg:$0x0];
	s2 =	stileid.u32  }
0x84: {  	s1 =	rddreg [dreg:$0x1];
	p0 =	sne.s32 s2, $0x0  }
0x85: {  	s3 =	rddreg [dreg:$0x2];
	[bflag:$0x3] =	sbarrier.arrive $0xFFFF;
	s2 =	simm.s32 @!p0 $0x1C03  }
0x86: {  	[timem:s3], [sflag:s2] =	dma.local @!p0 [hbm:s0], s1  }
0x87: {  	s0 =	simm.s32 @!p0 $0x3  }
0x88: {  	_ =	swait.ge @!p0 [sflag:s0], s1  }
0x89: {  	s1 =	ssub.s32 @!p0 $0x0, s1;
	[sflag:s0] =	ssyncset.done @!p0 $0x0  }
0x8a: {  	[sflag:s0] =	ssyncadd.s32 @!p0 s1  }
0x8b: {  	[bflag:$0x3] =	sbarrier.arrive $0xFFFF  }
0x8c: {  	_ =	shalt  }

</sc_bundles>
